<compile_context>
chip_gen: v7x
topology: tpu7x:2x2x1
jax: 0.10.2.dev20260603
libtpu: 0.0.44.dev20260713+nightly
codegen_flags: <defaults>
</compile_context>

<pallas_src>
import functools

import jax
import jax.numpy as jnp
from jax import lax
from jax.experimental import pallas as pl
from jax.experimental.pallas import tpu as pltpu
from jax.experimental.pallas import tpu_sc as plsc

VOCAB = 1000000
DIM = 64
BATCH = 4096
SEQ = 200

NUM_CORES = 2
NUM_SUBCORES = 16
NW = NUM_CORES * NUM_SUBCORES

NVB = VOCAB // 128
VTAIL = VOCAB - NVB * 128
FULL_PER_W = NVB // NW
VB_REM = NVB - FULL_PER_W * NW
BLK = 128 * DIM

_mesh = plsc.VectorSubcoreMesh(core_axis_name="c", subcore_axis_name="s")


@functools.partial(
    pl.kernel,
    mesh=_mesh,
    out_type=jax.ShapeDtypeStruct((VOCAB * DIM,), jnp.float32),
    compiler_params=pltpu.CompilerParams(use_tc_tiling_on_sc=True,
                                         needs_layout_passes=False),
    scratch_types=[
        pltpu.VMEM((DIM, 128), jnp.float32),
        pltpu.VMEM((DIM, 128), jnp.float32),
        pltpu.VMEM((BLK,), jnp.float32),
        pltpu.VMEM((BLK,), jnp.float32),
        pltpu.VMEM((DIM, VTAIL), jnp.float32),
        pltpu.SemaphoreType.DMA,
        pltpu.SemaphoreType.DMA,
        pltpu.SemaphoreType.DMA,
        pltpu.SemaphoreType.DMA,
    ],
)
def _transpose_kernel(tt_hbm, tail_hbm, out_hbm, in0, in1, ob0, ob1, tin,
                      si0, si1, so0, so1):
    wid = lax.axis_index("s") * NUM_CORES + lax.axis_index("c")
    inb = (in0, in1)
    outb = (ob0, ob1)
    si = (si0, si1)
    so = (so0, so1)

    iota = lax.iota(jnp.int32, 16)
    dvecs = [iota + (16 * t) for t in range(4)]

    def start_in(vb, b):
        pltpu.async_copy(tt_hbm.at[:, pl.ds(vb * 128, 128)], inb[b], si[b])

    def wait_in(b):
        pltpu.make_async_copy(tt_hbm.at[:, pl.ds(0, 128)], inb[b],
                              si[b]).wait()

    def start_out(vb, b):
        pltpu.async_copy(outb[b], out_hbm.at[pl.ds(vb * BLK, BLK)], so[b])

    def wait_out(b):
        pltpu.make_async_copy(outb[b], out_hbm.at[pl.ds(0, BLK)],
                              so[b]).wait()

    def transpose_block(b):
        @plsc.parallel_loop(0, 128, unroll=4)
        def _(vp):
            vsplat = jnp.full((16,), 0, jnp.int32) + vp
            for t in range(4):
                vec = plsc.load_gather(inb[b], [dvecs[t], vsplat])
                outb[b][pl.ds(vp * DIM + 16 * t, 16)] = vec

    def step(vb, b, first):
        wait_in(b)
        if not first:
            wait_out(b)
        transpose_block(b)
        start_out(vb, b)

    vb0 = wid
    start_in(vb0, 0)
    start_in(vb0 + NW, 1)
    step(vb0, 0, True)
    start_in(vb0 + 2 * NW, 0)
    step(vb0 + NW, 1, True)

    def body(i, carry):
        vb = vb0 + (2 * i + 2) * NW
        start_in(vb + NW, 1)
        step(vb, 0, False)
        nxt = jnp.minimum(vb + 2 * NW, NVB - 1)
        start_in(nxt, 0)
        step(vb + NW, 1, False)
        return carry

    lax.fori_loop(0, (FULL_PER_W - 2) // 2, body, 0)
    wait_in(0)

    @pl.when(wid < VB_REM)
    def _():
        wait_out(0)
        transpose_block(0)
        start_out(vb0 + FULL_PER_W * NW, 0)

    @pl.when(wid == VB_REM)
    def _():
        pltpu.sync_copy(tail_hbm, tin)
        wait_out(1)

        @plsc.parallel_loop(0, VTAIL, unroll=4)
        def _(vp):
            vsplat = jnp.full((16,), 0, jnp.int32) + vp
            for t in range(4):
                vec = plsc.load_gather(tin, [dvecs[t], vsplat])
                ob1[pl.ds(vp * DIM + 16 * t, 16)] = vec
        pltpu.async_copy(ob1.at[pl.ds(0, VTAIL * DIM)],
                         out_hbm.at[pl.ds(NVB * BLK, VTAIL * DIM)], so1)
        pltpu.make_async_copy(ob1.at[pl.ds(0, VTAIL * DIM)],
                              out_hbm.at[pl.ds(0, VTAIL * DIM)], so1).wait()

    @pl.when(wid != VB_REM)
    def _():
        wait_out(1)

    wait_out(0)


ROWS_W = BATCH // NW


@functools.partial(
    pl.kernel,
    mesh=_mesh,
    out_type=jax.ShapeDtypeStruct((SEQ, DIM // 8, NW, 1024), jnp.float32),
    compiler_params=pltpu.CompilerParams(use_tc_tiling_on_sc=False,
                                         needs_layout_passes=False),
    scratch_types=[
        pltpu.VMEM((SEQ, ROWS_W), jnp.int32),
        pltpu.VMEM((ROWS_W, DIM), jnp.float32),
        pltpu.VMEM((ROWS_W, DIM), jnp.float32),
        pltpu.VMEM((DIM // 8, 1024), jnp.float32),
        pltpu.VMEM((DIM // 8, 1024), jnp.float32),
        pltpu.SemaphoreType.DMA,
        pltpu.SemaphoreType.DMA,
        pltpu.SemaphoreType.DMA,
        pltpu.SemaphoreType.DMA,
    ],
)
def _gather_kernel(idxt_hbm, table_hbm, out_hbm, idx_v, g0, g1, t0, t1,
                   sg0, sg1, so0, so1):
    wid = lax.axis_index("s") * NUM_CORES + lax.axis_index("c")

    gb = (g0, g1)
    tb = (t0, t1)
    sg = (sg0, sg1)
    so = (so0, so1)

    pltpu.sync_copy(idxt_hbm.at[:, pl.ds(wid * ROWS_W, ROWS_W)], idx_v)

    iota = lax.iota(jnp.int32, 16)
    bvecs = [iota + (16 * k) for k in range(8)]

    def start_gather(s, b):
        pltpu.async_copy(table_hbm.at[idx_v.at[s]], gb[b], sg[b])

    def wait_gather(b):
        pltpu.make_async_copy(table_hbm.at[idx_v.at[0]], gb[b], sg[b]).wait()

    def transpose_block(b):
        @plsc.parallel_loop(0, DIM * 8, unroll=8)
        def _(i):
            d = i >> 3
            k = i & 7
            bvec = iota + (k << 4)
            dsplat = jnp.full((16,), 0, jnp.int32) + d
            vec = plsc.load_gather(gb[b], [bvec, dsplat])
            tb[b][d >> 3, pl.ds((d & 7) * 128 + (k << 4), 16)] = vec

    def start_out(s, b):
        pltpu.async_copy(tb[b], out_hbm.at[s, :, wid], so[b])

    def wait_out(b):
        pltpu.make_async_copy(tb[b], out_hbm.at[0, :, wid], so[b]).wait()

    def step(s, b, first):
        wait_gather(b)
        if not first:
            wait_out(b)
        transpose_block(b)
        start_out(s, b)

    start_gather(0, 0)
    start_gather(1, 1)
    step(0, 0, True)
    start_gather(2, 0)
    step(1, 1, True)

    def body(j, carry):
        s = 2 * j + 2
        start_gather(s + 1, 1)
        step(s, 0, False)
        start_gather(jnp.minimum(s + 2, SEQ - 1), 0)
        step(s + 1, 1, False)
        return carry

    lax.fori_loop(0, (SEQ - 2) // 2, body, 0)
    wait_gather(0)
    wait_out(0)
    wait_out(1)


def kernel(input_ids, table):
    tt = table.T
    tail = lax.slice(tt, (0, NVB * 128), (DIM, VOCAB))
    tlin = _transpose_kernel(tt, tail)
    t2d = tlin.reshape(VOCAB, DIM)
    idxt = input_ids.astype(jnp.int32).T
    out5 = _gather_kernel(idxt, t2d)
    out5 = out5.reshape(SEQ, DIM // 8, NW, 8, 128)
    return out5.transpose(2, 4, 0, 1, 3).reshape(BATCH, SEQ, DIM)

# --- scband reference (transcript-rebuilt; emitter-appended) ---
"""Pipeline reference for scband-word2-vec-embedder-9242769622507 (READ-ONLY COPY).

The authoritative reference and input builder live on the scoring server;
editing this copy changes nothing except your own understanding.
"""

import jax, jax.numpy as jnp
import numpy as np

VOCAB = 1000000
DIM = 64
B = 4096
L = 200

def setup_inputs(seed: int = 0) -> dict:
    key = jax.random.key(seed)
    k1, k2 = jax.random.split(key)
    input_ids = jax.random.randint(k1, (B, L), 0, VOCAB, dtype=jnp.int64 if jax.config.jax_enable_x64 else jnp.int32)
    table = jax.random.normal(k2, (VOCAB, DIM), dtype=jnp.float32)
    return {"input_ids": input_ids, "table": table}

def reference(input_ids, table):
    # nn.Embedding forward: gather rows of the embedding table
    return jnp.take(table, input_ids, axis=0)

if __name__ == "__main__":
    import jax
    _d = setup_inputs()
    print(jax.jit(kernel)(*tuple(_d.values())))

</pallas_src>

<mosaic_0001>
#map = affine_map<(d0, d1) -> (0, 0)>
#map1 = affine_map<(d0, d1) -> (0)>
module attributes {stable_mosaic.version = 14 : i64} {
  func.func @_transpose_kernel(%arg0: i32, %arg1: i32, %arg2: memref<64x1000000xf32, #tpu.memory_space<hbm>>, %arg3: memref<64x64xf32, #tpu.memory_space<hbm>>, %arg4: memref<64000000xf32, #tpu.memory_space<hbm>>, %arg5: memref<64x128xf32, #tpu.memory_space<vmem>>, %arg6: memref<64x128xf32, #tpu.memory_space<vmem>>, %arg7: memref<8192xf32, #tpu.memory_space<vmem>>, %arg8: memref<8192xf32, #tpu.memory_space<vmem>>, %arg9: memref<64x64xf32, #tpu.memory_space<vmem>>, %arg10: memref<!tpu.dma_semaphore, #tpu.memory_space<semaphore_mem>>, %arg11: memref<!tpu.dma_semaphore, #tpu.memory_space<semaphore_mem>>, %arg12: memref<!tpu.dma_semaphore, #tpu.memory_space<semaphore_mem>>, %arg13: memref<!tpu.dma_semaphore, #tpu.memory_space<semaphore_mem>>) attributes {dimension_semantics = [#tpu.dimension_semantics<core_parallel>, #tpu.dimension_semantics<subcore_parallel>], iteration_bounds = array<i64: 2, 16>, scalar_prefetch = 0 : i64, scratch_operands = 9 : i64, tpu.core_type = #tpu.core_type<sc_vector_subcore>, window_params = [{transform_indices = #map}, {transform_indices = #map}, {transform_indices = #map1}]} {
    %mul3A = arith.constant 2 : i32
    %mul3A_0 = arith.muli %arg1, %mul3A : i32
    %add3A = arith.addi %mul3A_0, %arg0 : i32
    %iota3A = tpu.iota {dimensions = array<i32: 0>} : vector<16xi32>
    %add3A_1 = arith.constant 0 : i32
    %add3A_2 = vector.broadcast %add3A_1 : i32 to vector<16xi32>
    %add3A_3 = arith.addi %iota3A, %add3A_2 : vector<16xi32>
    %add3A_4 = arith.constant 16 : i32
    %add3A_5 = vector.broadcast %add3A_4 : i32 to vector<16xi32>
    %add3A_6 = arith.addi %iota3A, %add3A_5 : vector<16xi32>
    %add3A_7 = arith.constant 32 : i32
    %add3A_8 = vector.broadcast %add3A_7 : i32 to vector<16xi32>
    %add3A_9 = arith.addi %iota3A, %add3A_8 : vector<16xi32>
    %add3A_10 = arith.constant 48 : i32
    %add3A_11 = vector.broadcast %add3A_10 : i32 to vector<16xi32>
    %add3A_12 = arith.addi %iota3A, %add3A_11 : vector<16xi32>
    %mul3A_13 = arith.constant 128 : i32
    %mul3A_14 = arith.muli %add3A, %mul3A_13 : i32
    %dma_start3A = arith.constant 0 : i32
    %dma_start3A_15 = tpu.memref_slice %arg2[%dma_start3A, %mul3A_14] : memref<64x1000000xf32, #tpu.memory_space<hbm>> -> memref<64x128xf32, #tpu.memory_space<hbm>>
    %dma_start3A_16 = arith.constant 0 : i32
    %dma_start3A_17 = tpu.memref_slice %arg2[%dma_start3A_16, %mul3A_14] : memref<64x1000000xf32, #tpu.memory_space<hbm>> -> memref<64x128xf32, #tpu.memory_space<hbm>>
    tpu.enqueue_dma source(%dma_start3A_17 : memref<64x128xf32, #tpu.memory_space<hbm>>) target(%arg5 : memref<64x128xf32, #tpu.memory_space<vmem>>) target_semaphore(%arg10 : memref<!tpu.dma_semaphore, #tpu.memory_space<semaphore_mem>>)
    %add3A_18 = arith.constant 32 : i32
    %add3A_19 = arith.addi %add3A, %add3A_18 : i32
    %mul3A_20 = arith.constant 128 : i32
    %mul3A_21 = arith.muli %add3A_19, %mul3A_20 : i32
    %dma_start3A_22 = arith.constant 0 : i32
    %dma_start3A_23 = tpu.memref_slice %arg2[%dma_start3A_22, %mul3A_21] : memref<64x1000000xf32, #tpu.memory_space<hbm>> -> memref<64x128xf32, #tpu.memory_space<hbm>>
    %dma_start3A_24 = arith.constant 0 : i32
    %dma_start3A_25 = tpu.memref_slice %arg2[%dma_start3A_24, %mul3A_21] : memref<64x1000000xf32, #tpu.memory_space<hbm>> -> memref<64x128xf32, #tpu.memory_space<hbm>>
    tpu.enqueue_dma source(%dma_start3A_25 : memref<64x128xf32, #tpu.memory_space<hbm>>) target(%arg6 : memref<64x128xf32, #tpu.memory_space<vmem>>) target_semaphore(%arg11 : memref<!tpu.dma_semaphore, #tpu.memory_space<semaphore_mem>>)
    %dma_wait3A = arith.constant 0 : i32
    %dma_wait3A_26 = arith.constant 0 : i32
    %dma_wait3A_27 = tpu.memref_slice %arg2[%dma_wait3A, %dma_wait3A_26] : memref<64x1000000xf32, #tpu.memory_space<hbm>> -> memref<64x128xf32, #tpu.memory_space<hbm>>
    %dma_wait3A_28 = arith.constant 0 : i32
    %dma_wait3A_29 = arith.constant 0 : i32
    %dma_wait3A_30 = tpu.memref_slice %arg2[%dma_wait3A_28, %dma_wait3A_29] : memref<64x1000000xf32, #tpu.memory_space<hbm>> -> memref<64x128xf32, #tpu.memory_space<hbm>>
    tpu.wait_dma2 semaphore(%arg10 : memref<!tpu.dma_semaphore, #tpu.memory_space<semaphore_mem>>) src(%dma_wait3A_30 : memref<64x128xf32, #tpu.memory_space<hbm>>) dst(%arg5 : memref<64x128xf32, #tpu.memory_space<vmem>>)
    %parallel_loop3A = arith.constant 0 : i32
    %parallel_loop3A_31 = arith.constant 128 : i32
    %parallel_loop3A_32 = arith.constant 1 : i32
    scf.for %parallel_loop3A_85 = %parallel_loop3A to %parallel_loop3A_31 step %parallel_loop3A_32  : i32 {
      %parallel_loop3A_86 = arith.constant 0 : i32
      %parallel_loop3A_87 = vector.broadcast %parallel_loop3A_86 : i32 to vector<16xi32>
      %parallel_loop3A_88 = vector.broadcast %parallel_loop3A_85 : i32 to vector<16xi32>
      %parallel_loop3A_89 = arith.addi %parallel_loop3A_87, %parallel_loop3A_88 : vector<16xi32>
      %parallel_loop3A_90 = tpu.vector_load_idx %arg5[%add3A_3, %parallel_loop3A_89] : memref<64x128xf32, #tpu.memory_space<vmem>>[vector<16xi32>, vector<16xi32>], vector<16xf32>,
      %parallel_loop3A_91 = arith.constant 64 : i32
      %parallel_loop3A_92 = arith.muli %parallel_loop3A_85, %parallel_loop3A_91 : i32
      %parallel_loop3A_93 = arith.constant 0 : i32
      %parallel_loop3A_94 = arith.addi %parallel_loop3A_92, %parallel_loop3A_93 : i32
      %parallel_loop3A_95 = arith.index_cast %parallel_loop3A_94 : i32 to index
      %parallel_loop3A_96 = tpu.vector_load %arg7[%parallel_loop3A_95] {strides = array<i32>} : memref<8192xf32, #tpu.memory_space<vmem>>, vector<16xf32>,
      tpu.vector_store %arg7[%parallel_loop3A_95], %parallel_loop3A_90 {strides = array<i32>} : memref<8192xf32, #tpu.memory_space<vmem>>, vector<16xf32>,
      %parallel_loop3A_97 = tpu.vector_load_idx %arg5[%add3A_6, %parallel_loop3A_89] : memref<64x128xf32, #tpu.memory_space<vmem>>[vector<16xi32>, vector<16xi32>], vector<16xf32>,
      %parallel_loop3A_98 = arith.constant 64 : i32
      %parallel_loop3A_99 = arith.muli %parallel_loop3A_85, %parallel_loop3A_98 : i32
      %parallel_loop3A_100 = arith.constant 16 : i32
      %parallel_loop3A_101 = arith.addi %parallel_loop3A_99, %parallel_loop3A_100 : i32
      %parallel_loop3A_102 = arith.index_cast %parallel_loop3A_101 : i32 to index
      %parallel_loop3A_103 = tpu.vector_load %arg7[%parallel_loop3A_102] {strides = array<i32>} : memref<8192xf32, #tpu.memory_space<vmem>>, vector<16xf32>,
      tpu.vector_store %arg7[%parallel_loop3A_102], %parallel_loop3A_97 {strides = array<i32>} : memref<8192xf32, #tpu.memory_space<vmem>>, vector<16xf32>,
      %parallel_loop3A_104 = tpu.vector_load_idx %arg5[%add3A_9, %parallel_loop3A_89] : memref<64x128xf32, #tpu.memory_space<vmem>>[vector<16xi32>, vector<16xi32>], vector<16xf32>,
      %parallel_loop3A_105 = arith.constant 64 : i32
      %parallel_loop3A_106 = arith.muli %parallel_loop3A_85, %parallel_loop3A_105 : i32
      %parallel_loop3A_107 = arith.constant 32 : i32
      %parallel_loop3A_108 = arith.addi %parallel_loop3A_106, %parallel_loop3A_107 : i32
      %parallel_loop3A_109 = arith.index_cast %parallel_loop3A_108 : i32 to index
      %parallel_loop3A_110 = tpu.vector_load %arg7[%parallel_loop3A_109] {strides = array<i32>} : memref<8192xf32, #tpu.memory_space<vmem>>, vector<16xf32>,
      tpu.vector_store %arg7[%parallel_loop3A_109], %parallel_loop3A_104 {strides = array<i32>} : memref<8192xf32, #tpu.memory_space<vmem>>, vector<16xf32>,
      %parallel_loop3A_111 = tpu.vector_load_idx %arg5[%add3A_12, %parallel_loop3A_89] : memref<64x128xf32, #tpu.memory_space<vmem>>[vector<16xi32>, vector<16xi32>], vector<16xf32>,
      %parallel_loop3A_112 = arith.constant 64 : i32
      %parallel_loop3A_113 = arith.muli %parallel_loop3A_85, %parallel_loop3A_112 : i32
      %parallel_loop3A_114 = arith.constant 48 : i32
      %parallel_loop3A_115 = arith.addi %parallel_loop3A_113, %parallel_loop3A_114 : i32
      %parallel_loop3A_116 = arith.index_cast %parallel_loop3A_115 : i32 to index
      %parallel_loop3A_117 = tpu.vector_load %arg7[%parallel_loop3A_116] {strides = array<i32>} : memref<8192xf32, #tpu.memory_space<vmem>>, vector<16xf32>,
      tpu.vector_store %arg7[%parallel_loop3A_116], %parallel_loop3A_111 {strides = array<i32>} : memref<8192xf32, #tpu.memory_space<vmem>>, vector<16xf32>,
    } {sc.loop_unroll_factor = 4 : i64, sc.parallel_access}
    %mul3A_33 = arith.constant 8192 : i32
    %mul3A_34 = arith.muli %add3A, %mul3A_33 : i32
    %dma_start3A_35 = tpu.memref_slice %arg4[%mul3A_34] : memref<64000000xf32, #tpu.memory_space<hbm>> -> memref<8192xf32, #tpu.memory_space<hbm>>
    %dma_start3A_36 = tpu.memref_slice %arg4[%mul3A_34] : memref<64000000xf32, #tpu.memory_space<hbm>> -> memref<8192xf32, #tpu.memory_space<hbm>>
    tpu.enqueue_dma source(%arg7 : memref<8192xf32, #tpu.memory_space<vmem>>) target(%dma_start3A_36 : memref<8192xf32, #tpu.memory_space<hbm>>) target_semaphore(%arg12 : memref<!tpu.dma_semaphore, #tpu.memory_space<semaphore_mem>>)
    %add3A_37 = arith.constant 64 : i32
    %add3A_38 = arith.addi %add3A, %add3A_37 : i32
    %mul3A_39 = arith.constant 128 : i32
    %mul3A_40 = arith.muli %add3A_38, %mul3A_39 : i32
    %dma_start3A_41 = arith.constant 0 : i32
    %dma_start3A_42 = tpu.memref_slice %arg2[%dma_start3A_41, %mul3A_40] : memref<64x1000000xf32, #tpu.memory_space<hbm>> -> memref<64x128xf32, #tpu.memory_space<hbm>>
    %dma_start3A_43 = arith.constant 0 : i32
    %dma_start3A_44 = tpu.memref_slice %arg2[%dma_start3A_43, %mul3A_40] : memref<64x1000000xf32, #tpu.memory_space<hbm>> -> memref<64x128xf32, #tpu.memory_space<hbm>>
    tpu.enqueue_dma source(%dma_start3A_44 : memref<64x128xf32, #tpu.memory_space<hbm>>) target(%arg5 : memref<64x128xf32, #tpu.memory_space<vmem>>) target_semaphore(%arg10 : memref<!tpu.dma_semaphore, #tpu.memory_space<semaphore_mem>>)
    %add3A_45 = arith.constant 32 : i32
    %add3A_46 = arith.addi %add3A, %add3A_45 : i32
    %dma_wait3A_47 = arith.constant 0 : i32
    %dma_wait3A_48 = arith.constant 0 : i32
    %dma_wait3A_49 = tpu.memref_slice %arg2[%dma_wait3A_47, %dma_wait3A_48] : memref<64x1000000xf32, #tpu.memory_space<hbm>> -> memref<64x128xf32, #tpu.memory_space<hbm>>
    %dma_wait3A_50 = arith.constant 0 : i32
    %dma_wait3A_51 = arith.constant 0 : i32
    %dma_wait3A_52 = tpu.memref_slice %arg2[%dma_wait3A_50, %dma_wait3A_51] : memref<64x1000000xf32, #tpu.memory_space<hbm>> -> memref<64x128xf32, #tpu.memory_space<hbm>>
    tpu.wait_dma2 semaphore(%arg11 : memref<!tpu.dma_semaphore, #tpu.memory_space<semaphore_mem>>) src(%dma_wait3A_52 : memref<64x128xf32, #tpu.memory_space<hbm>>) dst(%arg6 : memref<64x128xf32, #tpu.memory_space<vmem>>)
    %parallel_loop3A_53 = arith.constant 0 : i32
    %parallel_loop3A_54 = arith.constant 128 : i32
    %parallel_loop3A_55 = arith.constant 1 : i32
    scf.for %parallel_loop3A_85 = %parallel_loop3A_53 to %parallel_loop3A_54 step %parallel_loop3A_55  : i32 {
      %parallel_loop3A_86 = arith.constant 0 : i32
      %parallel_loop3A_87 = vector.broadcast %parallel_loop3A_86 : i32 to vector<16xi32>
      %parallel_loop3A_88 = vector.broadcast %parallel_loop3A_85 : i32 to vector<16xi32>
      %parallel_loop3A_89 = arith.addi %parallel_loop3A_87, %parallel_loop3A_88 : vector<16xi32>
      %parallel_loop3A_90 = tpu.vector_load_idx %arg6[%add3A_3, %parallel_loop3A_89] : memref<64x128xf32, #tpu.memory_space<vmem>>[vector<16xi32>, vector<16xi32>], vector<16xf32>,
      %parallel_loop3A_91 = arith.constant 64 : i32
      %parallel_loop3A_92 = arith.muli %parallel_loop3A_85, %parallel_loop3A_91 : i32
      %parallel_loop3A_93 = arith.constant 0 : i32
      %parallel_loop3A_94 = arith.addi %parallel_loop3A_92, %parallel_loop3A_93 : i32
      %parallel_loop3A_95 = arith.index_cast %parallel_loop3A_94 : i32 to index
      %parallel_loop3A_96 = tpu.vector_load %arg8[%parallel_loop3A_95] {strides = array<i32>} : memref<8192xf32, #tpu.memory_space<vmem>>, vector<16xf32>,
      tpu.vector_store %arg8[%parallel_loop3A_95], %parallel_loop3A_90 {strides = array<i32>} : memref<8192xf32, #tpu.memory_space<vmem>>, vector<16xf32>,
      %parallel_loop3A_97 = tpu.vector_load_idx %arg6[%add3A_6, %parallel_loop3A_89] : memref<64x128xf32, #tpu.memory_space<vmem>>[vector<16xi32>, vector<16xi32>], vector<16xf32>,
      %parallel_loop3A_98 = arith.constant 64 : i32
      %parallel_loop3A_99 = arith.muli %parallel_loop3A_85, %parallel_loop3A_98 : i32
      %parallel_loop3A_100 = arith.constant 16 : i32
      %parallel_loop3A_101 = arith.addi %parallel_loop3A_99, %parallel_loop3A_100 : i32
      %parallel_loop3A_102 = arith.index_cast %parallel_loop3A_101 : i32 to index
      %parallel_loop3A_103 = tpu.vector_load %arg8[%parallel_loop3A_102] {strides = array<i32>} : memref<8192xf32, #tpu.memory_space<vmem>>, vector<16xf32>,
      tpu.vector_store %arg8[%parallel_loop3A_102], %parallel_loop3A_97 {strides = array<i32>} : memref<8192xf32, #tpu.memory_space<vmem>>, vector<16xf32>,
      %parallel_loop3A_104 = tpu.vector_load_idx %arg6[%add3A_9, %parallel_loop3A_89] : memref<64x128xf32, #tpu.memory_space<vmem>>[vector<16xi32>, vector<16xi32>], vector<16xf32>,
      %parallel_loop3A_105 = arith.constant 64 : i32
      %parallel_loop3A_106 = arith.muli %parallel_loop3A_85, %parallel_loop3A_105 : i32
      %parallel_loop3A_107 = arith.constant 32 : i32
      %parallel_loop3A_108 = arith.addi %parallel_loop3A_106, %parallel_loop3A_107 : i32
      %parallel_loop3A_109 = arith.index_cast %parallel_loop3A_108 : i32 to index
      %parallel_loop3A_110 = tpu.vector_load %arg8[%parallel_loop3A_109] {strides = array<i32>} : memref<8192xf32, #tpu.memory_space<vmem>>, vector<16xf32>,
      tpu.vector_store %arg8[%parallel_loop3A_109], %parallel_loop3A_104 {strides = array<i32>} : memref<8192xf32, #tpu.memory_space<vmem>>, vector<16xf32>,
      %parallel_loop3A_111 = tpu.vector_load_idx %arg6[%add3A_12, %parallel_loop3A_89] : memref<64x128xf32, #tpu.memory_space<vmem>>[vector<16xi32>, vector<16xi32>], vector<16xf32>,
      %parallel_loop3A_112 = arith.constant 64 : i32
      %parallel_loop3A_113 = arith.muli %parallel_loop3A_85, %parallel_loop3A_112 : i32
      %parallel_loop3A_114 = arith.constant 48 : i32
      %parallel_loop3A_115 = arith.addi %parallel_loop3A_113, %parallel_loop3A_114 : i32
      %parallel_loop3A_116 = arith.index_cast %parallel_loop3A_115 : i32 to index
      %parallel_loop3A_117 = tpu.vector_load %arg8[%parallel_loop3A_116] {strides = array<i32>} : memref<8192xf32, #tpu.memory_space<vmem>>, vector<16xf32>,
      tpu.vector_store %arg8[%parallel_loop3A_116], %parallel_loop3A_111 {strides = array<i32>} : memref<8192xf32, #tpu.memory_space<vmem>>, vector<16xf32>,
    } {sc.loop_unroll_factor = 4 : i64, sc.parallel_access}
    %mul3A_56 = arith.constant 8192 : i32
    %mul3A_57 = arith.muli %add3A_46, %mul3A_56 : i32
    %dma_start3A_58 = tpu.memref_slice %arg4[%mul3A_57] : memref<64000000xf32, #tpu.memory_space<hbm>> -> memref<8192xf32, #tpu.memory_space<hbm>>
    %dma_start3A_59 = tpu.memref_slice %arg4[%mul3A_57] : memref<64000000xf32, #tpu.memory_space<hbm>> -> memref<8192xf32, #tpu.memory_space<hbm>>
    tpu.enqueue_dma source(%arg8 : memref<8192xf32, #tpu.memory_space<vmem>>) target(%dma_start3A_59 : memref<8192xf32, #tpu.memory_space<hbm>>) target_semaphore(%arg13 : memref<!tpu.dma_semaphore, #tpu.memory_space<semaphore_mem>>)
    %scan3A = arith.constant 0 : i32
    %scan3A_60 = arith.constant 0 : i32
    %scan3A_61 = arith.constant 121 : i32
    %scan3A_62 = arith.addi %scan3A_60, %scan3A_61 : i32
    %scan3A_63 = arith.constant 1 : i32
    scf.for %scan3A_85 = %scan3A_60 to %scan3A_62 step %scan3A_63  : i32 {
      %mul3A_86 = arith.constant 2 : i32
      %mul3A_87 = arith.muli %mul3A_86, %scan3A_85 : i32
      %add3A_88 = arith.constant 2 : i32
      %add3A_89 = arith.addi %mul3A_87, %add3A_88 : i32
      %mul3A_90 = arith.constant 32 : i32
      %mul3A_91 = arith.muli %add3A_89, %mul3A_90 : i32
      %add3A_92 = arith.addi %add3A, %mul3A_91 : i32
      %add3A_93 = arith.constant 32 : i32
      %add3A_94 = arith.addi %add3A_92, %add3A_93 : i32
      %mul3A_95 = arith.constant 128 : i32
      %mul3A_96 = arith.muli %add3A_94, %mul3A_95 : i32
      %dma_start3A_97 = arith.constant 0 : i32
      %dma_start3A_98 = tpu.memref_slice %arg2[%dma_start3A_97, %mul3A_96] : memref<64x1000000xf32, #tpu.memory_space<hbm>> -> memref<64x128xf32, #tpu.memory_space<hbm>>
      %dma_start3A_99 = arith.constant 0 : i32
      %dma_start3A_100 = tpu.memref_slice %arg2[%dma_start3A_99, %mul3A_96] : memref<64x1000000xf32, #tpu.memory_space<hbm>> -> memref<64x128xf32, #tpu.memory_space<hbm>>
      tpu.enqueue_dma source(%dma_start3A_100 : memref<64x128xf32, #tpu.memory_space<hbm>>) target(%arg6 : memref<64x128xf32, #tpu.memory_space<vmem>>) target_semaphore(%arg11 : memref<!tpu.dma_semaphore, #tpu.memory_space<semaphore_mem>>)
      %dma_wait3A_101 = arith.constant 0 : i32
      %dma_wait3A_102 = arith.constant 0 : i32
      %dma_wait3A_103 = tpu.memref_slice %arg2[%dma_wait3A_101, %dma_wait3A_102] : memref<64x1000000xf32, #tpu.memory_space<hbm>> -> memref<64x128xf32, #tpu.memory_space<hbm>>
      %dma_wait3A_104 = arith.constant 0 : i32
      %dma_wait3A_105 = arith.constant 0 : i32
      %dma_wait3A_106 = tpu.memref_slice %arg2[%dma_wait3A_104, %dma_wait3A_105] : memref<64x1000000xf32, #tpu.memory_space<hbm>> -> memref<64x128xf32, #tpu.memory_space<hbm>>
      tpu.wait_dma2 semaphore(%arg10 : memref<!tpu.dma_semaphore, #tpu.memory_space<semaphore_mem>>) src(%dma_wait3A_106 : memref<64x128xf32, #tpu.memory_space<hbm>>) dst(%arg5 : memref<64x128xf32, #tpu.memory_space<vmem>>)
      %dma_wait3A_107 = arith.constant 0 : i32
      %dma_wait3A_108 = tpu.memref_slice %arg4[%dma_wait3A_107] : memref<64000000xf32, #tpu.memory_space<hbm>> -> memref<8192xf32, #tpu.memory_space<hbm>>
      %dma_wait3A_109 = arith.constant 0 : i32
      %dma_wait3A_110 = tpu.memref_slice %arg4[%dma_wait3A_109] : memref<64000000xf32, #tpu.memory_space<hbm>> -> memref<8192xf32, #tpu.memory_space<hbm>>
      tpu.wait_dma2 semaphore(%arg12 : memref<!tpu.dma_semaphore, #tpu.memory_space<semaphore_mem>>) src(%arg7 : memref<8192xf32, #tpu.memory_space<vmem>>) dst(%dma_wait3A_110 : memref<8192xf32, #tpu.memory_space<hbm>>)
      %parallel_loop3A_111 = arith.constant 0 : i32
      %parallel_loop3A_112 = arith.constant 128 : i32
      %parallel_loop3A_113 = arith.constant 1 : i32
      scf.for %parallel_loop3A_146 = %parallel_loop3A_111 to %parallel_loop3A_112 step %parallel_loop3A_113  : i32 {
        %parallel_loop3A_147 = arith.constant 0 : i32
        %parallel_loop3A_148 = vector.broadcast %parallel_loop3A_147 : i32 to vector<16xi32>
        %parallel_loop3A_149 = vector.broadcast %parallel_loop3A_146 : i32 to vector<16xi32>
        %parallel_loop3A_150 = arith.addi %parallel_loop3A_148, %parallel_loop3A_149 : vector<16xi32>
        %parallel_loop3A_151 = tpu.vector_load_idx %arg5[%add3A_3, %parallel_loop3A_150] : memref<64x128xf32, #tpu.memory_space<vmem>>[vector<16xi32>, vector<16xi32>], vector<16xf32>,
        %parallel_loop3A_152 = arith.constant 64 : i32
        %parallel_loop3A_153 = arith.muli %parallel_loop3A_146, %parallel_loop3A_152 : i32
        %parallel_loop3A_154 = arith.constant 0 : i32
        %parallel_loop3A_155 = arith.addi %parallel_loop3A_153, %parallel_loop3A_154 : i32
        %parallel_loop3A_156 = arith.index_cast %parallel_loop3A_155 : i32 to index
        %parallel_loop3A_157 = tpu.vector_load %arg7[%parallel_loop3A_156] {strides = array<i32>} : memref<8192xf32, #tpu.memory_space<vmem>>, vector<16xf32>,
        tpu.vector_store %arg7[%parallel_loop3A_156], %parallel_loop3A_151 {strides = array<i32>} : memref<8192xf32, #tpu.memory_space<vmem>>, vector<16xf32>,
        %parallel_loop3A_158 = tpu.vector_load_idx %arg5[%add3A_6, %parallel_loop3A_150] : memref<64x128xf32, #tpu.memory_space<vmem>>[vector<16xi32>, vector<16xi32>], vector<16xf32>,
        %parallel_loop3A_159 = arith.constant 64 : i32
        %parallel_loop3A_160 = arith.muli %parallel_loop3A_146, %parallel_loop3A_159 : i32
        %parallel_loop3A_161 = arith.constant 16 : i32
        %parallel_loop3A_162 = arith.addi %parallel_loop3A_160, %parallel_loop3A_161 : i32
        %parallel_loop3A_163 = arith.index_cast %parallel_loop3A_162 : i32 to index
        %parallel_loop3A_164 = tpu.vector_load %arg7[%parallel_loop3A_163] {strides = array<i32>} : memref<8192xf32, #tpu.memory_space<vmem>>, vector<16xf32>,
        tpu.vector_store %arg7[%parallel_loop3A_163], %parallel_loop3A_158 {strides = array<i32>} : memref<8192xf32, #tpu.memory_space<vmem>>, vector<16xf32>,
        %parallel_loop3A_165 = tpu.vector_load_idx %arg5[%add3A_9, %parallel_loop3A_150] : memref<64x128xf32, #tpu.memory_space<vmem>>[vector<16xi32>, vector<16xi32>], vector<16xf32>,
        %parallel_loop3A_166 = arith.constant 64 : i32
        %parallel_loop3A_167 = arith.muli %parallel_loop3A_146, %parallel_loop3A_166 : i32
        %parallel_loop3A_168 = arith.constant 32 : i32
        %parallel_loop3A_169 = arith.addi %parallel_loop3A_167, %parallel_loop3A_168 : i32
        %parallel_loop3A_170 = arith.index_cast %parallel_loop3A_169 : i32 to index
        %parallel_loop3A_171 = tpu.vector_load %arg7[%parallel_loop3A_170] {strides = array<i32>} : memref<8192xf32, #tpu.memory_space<vmem>>, vector<16xf32>,
        tpu.vector_store %arg7[%parallel_loop3A_170], %parallel_loop3A_165 {strides = array<i32>} : memref<8192xf32, #tpu.memory_space<vmem>>, vector<16xf32>,
        %parallel_loop3A_172 = tpu.vector_load_idx %arg5[%add3A_12, %parallel_loop3A_150] : memref<64x128xf32, #tpu.memory_space<vmem>>[vector<16xi32>, vector<16xi32>], vector<16xf32>,
        %parallel_loop3A_173 = arith.constant 64 : i32
        %parallel_loop3A_174 = arith.muli %parallel_loop3A_146, %parallel_loop3A_173 : i32
        %parallel_loop3A_175 = arith.constant 48 : i32
        %parallel_loop3A_176 = arith.addi %parallel_loop3A_174, %parallel_loop3A_175 : i32
        %parallel_loop3A_177 = arith.index_cast %parallel_loop3A_176 : i32 to index
        %parallel_loop3A_178 = tpu.vector_load %arg7[%parallel_loop3A_177] {strides = array<i32>} : memref<8192xf32, #tpu.memory_space<vmem>>, vector<16xf32>,
        tpu.vector_store %arg7[%parallel_loop3A_177], %parallel_loop3A_172 {strides = array<i32>} : memref<8192xf32, #tpu.memory_space<vmem>>, vector<16xf32>,
      } {sc.loop_unroll_factor = 4 : i64, sc.parallel_access}
      %mul3A_114 = arith.constant 8192 : i32
      %mul3A_115 = arith.muli %add3A_92, %mul3A_114 : i32
      %dma_start3A_116 = tpu.memref_slice %arg4[%mul3A_115] : memref<64000000xf32, #tpu.memory_space<hbm>> -> memref<8192xf32, #tpu.memory_space<hbm>>
      %dma_start3A_117 = tpu.memref_slice %arg4[%mul3A_115] : memref<64000000xf32, #tpu.memory_space<hbm>> -> memref<8192xf32, #tpu.memory_space<hbm>>
      tpu.enqueue_dma source(%arg7 : memref<8192xf32, #tpu.memory_space<vmem>>) target(%dma_start3A_117 : memref<8192xf32, #tpu.memory_space<hbm>>) target_semaphore(%arg12 : memref<!tpu.dma_semaphore, #tpu.memory_space<semaphore_mem>>)
      %add3A_118 = arith.constant 64 : i32
      %add3A_119 = arith.addi %add3A_92, %add3A_118 : i32
      %min3A = arith.constant 7811 : i32
      %min3A_120 = arith.minsi %add3A_119, %min3A : i32
      %mul3A_121 = arith.constant 128 : i32
      %mul3A_122 = arith.muli %min3A_120, %mul3A_121 : i32
      %dma_start3A_123 = arith.constant 0 : i32
      %dma_start3A_124 = tpu.memref_slice %arg2[%dma_start3A_123, %mul3A_122] : memref<64x1000000xf32, #tpu.memory_space<hbm>> -> memref<64x128xf32, #tpu.memory_space<hbm>>
      %dma_start3A_125 = arith.constant 0 : i32
      %dma_start3A_126 = tpu.memref_slice %arg2[%dma_start3A_125, %mul3A_122] : memref<64x1000000xf32, #tpu.memory_space<hbm>> -> memref<64x128xf32, #tpu.memory_space<hbm>>
      tpu.enqueue_dma source(%dma_start3A_126 : memref<64x128xf32, #tpu.memory_space<hbm>>) target(%arg5 : memref<64x128xf32, #tpu.memory_space<vmem>>) target_semaphore(%arg10 : memref<!tpu.dma_semaphore, #tpu.memory_space<semaphore_mem>>)
      %add3A_127 = arith.constant 32 : i32
      %add3A_128 = arith.addi %add3A_92, %add3A_127 : i32
      %dma_wait3A_129 = arith.constant 0 : i32
      %dma_wait3A_130 = arith.constant 0 : i32
      %dma_wait3A_131 = tpu.memref_slice %arg2[%dma_wait3A_129, %dma_wait3A_130] : memref<64x1000000xf32, #tpu.memory_space<hbm>> -> memref<64x128xf32, #tpu.memory_space<hbm>>
      %dma_wait3A_132 = arith.constant 0 : i32
      %dma_wait3A_133 = arith.constant 0 : i32
      %dma_wait3A_134 = tpu.memref_slice %arg2[%dma_wait3A_132, %dma_wait3A_133] : memref<64x1000000xf32, #tpu.memory_space<hbm>> -> memref<64x128xf32, #tpu.memory_space<hbm>>
      tpu.wait_dma2 semaphore(%arg11 : memref<!tpu.dma_semaphore, #tpu.memory_space<semaphore_mem>>) src(%dma_wait3A_134 : memref<64x128xf32, #tpu.memory_space<hbm>>) dst(%arg6 : memref<64x128xf32, #tpu.memory_space<vmem>>)
      %dma_wait3A_135 = arith.constant 0 : i32
      %dma_wait3A_136 = tpu.memref_slice %arg4[%dma_wait3A_135] : memref<64000000xf32, #tpu.memory_space<hbm>> -> memref<8192xf32, #tpu.memory_space<hbm>>
      %dma_wait3A_137 = arith.constant 0 : i32
      %dma_wait3A_138 = tpu.memref_slice %arg4[%dma_wait3A_137] : memref<64000000xf32, #tpu.memory_space<hbm>> -> memref<8192xf32, #tpu.memory_space<hbm>>
      tpu.wait_dma2 semaphore(%arg13 : memref<!tpu.dma_semaphore, #tpu.memory_space<semaphore_mem>>) src(%arg8 : memref<8192xf32, #tpu.memory_space<vmem>>) dst(%dma_wait3A_138 : memref<8192xf32, #tpu.memory_space<hbm>>)
      %parallel_loop3A_139 = arith.constant 0 : i32
      %parallel_loop3A_140 = arith.constant 128 : i32
      %parallel_loop3A_141 = arith.constant 1 : i32
      scf.for %parallel_loop3A_146 = %parallel_loop3A_139 to %parallel_loop3A_140 step %parallel_loop3A_141  : i32 {
        %parallel_loop3A_147 = arith.constant 0 : i32
        %parallel_loop3A_148 = vector.broadcast %parallel_loop3A_147 : i32 to vector<16xi32>
        %parallel_loop3A_149 = vector.broadcast %parallel_loop3A_146 : i32 to vector<16xi32>
        %parallel_loop3A_150 = arith.addi %parallel_loop3A_148, %parallel_loop3A_149 : vector<16xi32>
        %parallel_loop3A_151 = tpu.vector_load_idx %arg6[%add3A_3, %parallel_loop3A_150] : memref<64x128xf32, #tpu.memory_space<vmem>>[vector<16xi32>, vector<16xi32>], vector<16xf32>,
        %parallel_loop3A_152 = arith.constant 64 : i32
        %parallel_loop3A_153 = arith.muli %parallel_loop3A_146, %parallel_loop3A_152 : i32
        %parallel_loop3A_154 = arith.constant 0 : i32
        %parallel_loop3A_155 = arith.addi %parallel_loop3A_153, %parallel_loop3A_154 : i32
        %parallel_loop3A_156 = arith.index_cast %parallel_loop3A_155 : i32 to index
        %parallel_loop3A_157 = tpu.vector_load %arg8[%parallel_loop3A_156] {strides = array<i32>} : memref<8192xf32, #tpu.memory_space<vmem>>, vector<16xf32>,
        tpu.vector_store %arg8[%parallel_loop3A_156], %parallel_loop3A_151 {strides = array<i32>} : memref<8192xf32, #tpu.memory_space<vmem>>, vector<16xf32>,
        %parallel_loop3A_158 = tpu.vector_load_idx %arg6[%add3A_6, %parallel_loop3A_150] : memref<64x128xf32, #tpu.memory_space<vmem>>[vector<16xi32>, vector<16xi32>], vector<16xf32>,
        %parallel_loop3A_159 = arith.constant 64 : i32
        %parallel_loop3A_160 = arith.muli %parallel_loop3A_146, %parallel_loop3A_159 : i32
        %parallel_loop3A_161 = arith.constant 16 : i32
        %parallel_loop3A_162 = arith.addi %parallel_loop3A_160, %parallel_loop3A_161 : i32
        %parallel_loop3A_163 = arith.index_cast %parallel_loop3A_162 : i32 to index
        %parallel_loop3A_164 = tpu.vector_load %arg8[%parallel_loop3A_163] {strides = array<i32>} : memref<8192xf32, #tpu.memory_space<vmem>>, vector<16xf32>,
        tpu.vector_store %arg8[%parallel_loop3A_163], %parallel_loop3A_158 {strides = array<i32>} : memref<8192xf32, #tpu.memory_space<vmem>>, vector<16xf32>,
        %parallel_loop3A_165 = tpu.vector_load_idx %arg6[%add3A_9, %parallel_loop3A_150] : memref<64x128xf32, #tpu.memory_space<vmem>>[vector<16xi32>, vector<16xi32>], vector<16xf32>,
        %parallel_loop3A_166 = arith.constant 64 : i32
        %parallel_loop3A_167 = arith.muli %parallel_loop3A_146, %parallel_loop3A_166 : i32
        %parallel_loop3A_168 = arith.constant 32 : i32
        %parallel_loop3A_169 = arith.addi %parallel_loop3A_167, %parallel_loop3A_168 : i32
        %parallel_loop3A_170 = arith.index_cast %parallel_loop3A_169 : i32 to index
        %parallel_loop3A_171 = tpu.vector_load %arg8[%parallel_loop3A_170] {strides = array<i32>} : memref<8192xf32, #tpu.memory_space<vmem>>, vector<16xf32>,
        tpu.vector_store %arg8[%parallel_loop3A_170], %parallel_loop3A_165 {strides = array<i32>} : memref<8192xf32, #tpu.memory_space<vmem>>, vector<16xf32>,
        %parallel_loop3A_172 = tpu.vector_load_idx %arg6[%add3A_12, %parallel_loop3A_150] : memref<64x128xf32, #tpu.memory_space<vmem>>[vector<16xi32>, vector<16xi32>], vector<16xf32>,
        %parallel_loop3A_173 = arith.constant 64 : i32
        %parallel_loop3A_174 = arith.muli %parallel_loop3A_146, %parallel_loop3A_173 : i32
        %parallel_loop3A_175 = arith.constant 48 : i32
        %parallel_loop3A_176 = arith.addi %parallel_loop3A_174, %parallel_loop3A_175 : i32
        %parallel_loop3A_177 = arith.index_cast %parallel_loop3A_176 : i32 to index
        %parallel_loop3A_178 = tpu.vector_load %arg8[%parallel_loop3A_177] {strides = array<i32>} : memref<8192xf32, #tpu.memory_space<vmem>>, vector<16xf32>,
        tpu.vector_store %arg8[%parallel_loop3A_177], %parallel_loop3A_172 {strides = array<i32>} : memref<8192xf32, #tpu.memory_space<vmem>>, vector<16xf32>,
      } {sc.loop_unroll_factor = 4 : i64, sc.parallel_access}
      %mul3A_142 = arith.constant 8192 : i32
      %mul3A_143 = arith.muli %add3A_128, %mul3A_142 : i32
      %dma_start3A_144 = tpu.memref_slice %arg4[%mul3A_143] : memref<64000000xf32, #tpu.memory_space<hbm>> -> memref<8192xf32, #tpu.memory_space<hbm>>
      %dma_start3A_145 = tpu.memref_slice %arg4[%mul3A_143] : memref<64000000xf32, #tpu.memory_space<hbm>> -> memref<8192xf32, #tpu.memory_space<hbm>>
      tpu.enqueue_dma source(%arg8 : memref<8192xf32, #tpu.memory_space<vmem>>) target(%dma_start3A_145 : memref<8192xf32, #tpu.memory_space<hbm>>) target_semaphore(%arg13 : memref<!tpu.dma_semaphore, #tpu.memory_space<semaphore_mem>>)
    }
    %scan3A_64 = arith.constant 121 : i32
    %dma_wait3A_65 = arith.constant 0 : i32
    %dma_wait3A_66 = arith.constant 0 : i32
    %dma_wait3A_67 = tpu.memref_slice %arg2[%dma_wait3A_65, %dma_wait3A_66] : memref<64x1000000xf32, #tpu.memory_space<hbm>> -> memref<64x128xf32, #tpu.memory_space<hbm>>
    %dma_wait3A_68 = arith.constant 0 : i32
    %dma_wait3A_69 = arith.constant 0 : i32
    %dma_wait3A_70 = tpu.memref_slice %arg2[%dma_wait3A_68, %dma_wait3A_69] : memref<64x1000000xf32, #tpu.memory_space<hbm>> -> memref<64x128xf32, #tpu.memory_space<hbm>>
    tpu.wait_dma2 semaphore(%arg10 : memref<!tpu.dma_semaphore, #tpu.memory_space<semaphore_mem>>) src(%dma_wait3A_70 : memref<64x128xf32, #tpu.memory_space<hbm>>) dst(%arg5 : memref<64x128xf32, #tpu.memory_space<vmem>>)
    %lt3A = arith.constant 4 : i32
    %lt3A_71 = arith.cmpi slt, %add3A, %lt3A : i32
    %convert_element_type3A = arith.extui %lt3A_71 : i1 to i32
    %cond3A = arith.constant 0 : i32
    %cond3A_72 = arith.cmpi ne, %convert_element_type3A, %cond3A : i32
    scf.if %cond3A_72 {
      %dma_wait3A_85 = arith.constant 0 : i32
      %dma_wait3A_86 = tpu.memref_slice %arg4[%dma_wait3A_85] : memref<64000000xf32, #tpu.memory_space<hbm>> -> memref<8192xf32, #tpu.memory_space<hbm>>
      %dma_wait3A_87 = arith.constant 0 : i32
      %dma_wait3A_88 = tpu.memref_slice %arg4[%dma_wait3A_87] : memref<64000000xf32, #tpu.memory_space<hbm>> -> memref<8192xf32, #tpu.memory_space<hbm>>
      tpu.wait_dma2 semaphore(%arg12 : memref<!tpu.dma_semaphore, #tpu.memory_space<semaphore_mem>>) src(%arg7 : memref<8192xf32, #tpu.memory_space<vmem>>) dst(%dma_wait3A_88 : memref<8192xf32, #tpu.memory_space<hbm>>)
      %parallel_loop3A_89 = arith.constant 0 : i32
      %parallel_loop3A_90 = arith.constant 128 : i32
      %parallel_loop3A_91 = arith.constant 1 : i32
      scf.for %parallel_loop3A_98 = %parallel_loop3A_89 to %parallel_loop3A_90 step %parallel_loop3A_91  : i32 {
        %parallel_loop3A_99 = arith.constant 0 : i32
        %parallel_loop3A_100 = vector.broadcast %parallel_loop3A_99 : i32 to vector<16xi32>
        %parallel_loop3A_101 = vector.broadcast %parallel_loop3A_98 : i32 to vector<16xi32>
        %parallel_loop3A_102 = arith.addi %parallel_loop3A_100, %parallel_loop3A_101 : vector<16xi32>
        %parallel_loop3A_103 = tpu.vector_load_idx %arg5[%add3A_3, %parallel_loop3A_102] : memref<64x128xf32, #tpu.memory_space<vmem>>[vector<16xi32>, vector<16xi32>], vector<16xf32>,
        %parallel_loop3A_104 = arith.constant 64 : i32
        %parallel_loop3A_105 = arith.muli %parallel_loop3A_98, %parallel_loop3A_104 : i32
        %parallel_loop3A_106 = arith.constant 0 : i32
        %parallel_loop3A_107 = arith.addi %parallel_loop3A_105, %parallel_loop3A_106 : i32
        %parallel_loop3A_108 = arith.index_cast %parallel_loop3A_107 : i32 to index
        %parallel_loop3A_109 = tpu.vector_load %arg7[%parallel_loop3A_108] {strides = array<i32>} : memref<8192xf32, #tpu.memory_space<vmem>>, vector<16xf32>,
        tpu.vector_store %arg7[%parallel_loop3A_108], %parallel_loop3A_103 {strides = array<i32>} : memref<8192xf32, #tpu.memory_space<vmem>>, vector<16xf32>,
        %parallel_loop3A_110 = tpu.vector_load_idx %arg5[%add3A_6, %parallel_loop3A_102] : memref<64x128xf32, #tpu.memory_space<vmem>>[vector<16xi32>, vector<16xi32>], vector<16xf32>,
        %parallel_loop3A_111 = arith.constant 64 : i32
        %parallel_loop3A_112 = arith.muli %parallel_loop3A_98, %parallel_loop3A_111 : i32
        %parallel_loop3A_113 = arith.constant 16 : i32
        %parallel_loop3A_114 = arith.addi %parallel_loop3A_112, %parallel_loop3A_113 : i32
        %parallel_loop3A_115 = arith.index_cast %parallel_loop3A_114 : i32 to index
        %parallel_loop3A_116 = tpu.vector_load %arg7[%parallel_loop3A_115] {strides = array<i32>} : memref<8192xf32, #tpu.memory_space<vmem>>, vector<16xf32>,
        tpu.vector_store %arg7[%parallel_loop3A_115], %parallel_loop3A_110 {strides = array<i32>} : memref<8192xf32, #tpu.memory_space<vmem>>, vector<16xf32>,
        %parallel_loop3A_117 = tpu.vector_load_idx %arg5[%add3A_9, %parallel_loop3A_102] : memref<64x128xf32, #tpu.memory_space<vmem>>[vector<16xi32>, vector<16xi32>], vector<16xf32>,
        %parallel_loop3A_118 = arith.constant 64 : i32
        %parallel_loop3A_119 = arith.muli %parallel_loop3A_98, %parallel_loop3A_118 : i32
        %parallel_loop3A_120 = arith.constant 32 : i32
        %parallel_loop3A_121 = arith.addi %parallel_loop3A_119, %parallel_loop3A_120 : i32
        %parallel_loop3A_122 = arith.index_cast %parallel_loop3A_121 : i32 to index
        %parallel_loop3A_123 = tpu.vector_load %arg7[%parallel_loop3A_122] {strides = array<i32>} : memref<8192xf32, #tpu.memory_space<vmem>>, vector<16xf32>,
        tpu.vector_store %arg7[%parallel_loop3A_122], %parallel_loop3A_117 {strides = array<i32>} : memref<8192xf32, #tpu.memory_space<vmem>>, vector<16xf32>,
        %parallel_loop3A_124 = tpu.vector_load_idx %arg5[%add3A_12, %parallel_loop3A_102] : memref<64x128xf32, #tpu.memory_space<vmem>>[vector<16xi32>, vector<16xi32>], vector<16xf32>,
        %parallel_loop3A_125 = arith.constant 64 : i32
        %parallel_loop3A_126 = arith.muli %parallel_loop3A_98, %parallel_loop3A_125 : i32
        %parallel_loop3A_127 = arith.constant 48 : i32
        %parallel_loop3A_128 = arith.addi %parallel_loop3A_126, %parallel_loop3A_127 : i32
        %parallel_loop3A_129 = arith.index_cast %parallel_loop3A_128 : i32 to index
        %parallel_loop3A_130 = tpu.vector_load %arg7[%parallel_loop3A_129] {strides = array<i32>} : memref<8192xf32, #tpu.memory_space<vmem>>, vector<16xf32>,
        tpu.vector_store %arg7[%parallel_loop3A_129], %parallel_loop3A_124 {strides = array<i32>} : memref<8192xf32, #tpu.memory_space<vmem>>, vector<16xf32>,
      } {sc.loop_unroll_factor = 4 : i64, sc.parallel_access}
      %add3A_92 = arith.constant 7808 : i32
      %add3A_93 = arith.addi %add3A, %add3A_92 : i32
      %mul3A_94 = arith.constant 8192 : i32
      %mul3A_95 = arith.muli %add3A_93, %mul3A_94 : i32
      %dma_start3A_96 = tpu.memref_slice %arg4[%mul3A_95] : memref<64000000xf32, #tpu.memory_space<hbm>> -> memref<8192xf32, #tpu.memory_space<hbm>>
      %dma_start3A_97 = tpu.memref_slice %arg4[%mul3A_95] : memref<64000000xf32, #tpu.memory_space<hbm>> -> memref<8192xf32, #tpu.memory_space<hbm>>
      tpu.enqueue_dma source(%arg7 : memref<8192xf32, #tpu.memory_space<vmem>>) target(%dma_start3A_97 : memref<8192xf32, #tpu.memory_space<hbm>>) target_semaphore(%arg12 : memref<!tpu.dma_semaphore, #tpu.memory_space<semaphore_mem>>)
    } else {
    }
    %eq3A = arith.constant 4 : i32
    %eq3A_73 = arith.cmpi eq, %add3A, %eq3A : i32
    %convert_element_type3A_74 = arith.extui %eq3A_73 : i1 to i32
    %cond3A_75 = arith.constant 0 : i32
    %cond3A_76 = arith.cmpi ne, %convert_element_type3A_74, %cond3A_75 : i32
    scf.if %cond3A_76 {
      "tpu.region"() ({
        %run_scoped3A = tpu.sem_alloc : memref<!tpu.dma_semaphore, #tpu.memory_space<semaphore_mem>>
        tpu.enqueue_dma source(%arg3 : memref<64x64xf32, #tpu.memory_space<hbm>>) target(%arg9 : memref<64x64xf32, #tpu.memory_space<vmem>>) target_semaphore(%run_scoped3A : memref<!tpu.dma_semaphore, #tpu.memory_space<semaphore_mem>>)
        tpu.wait_dma2 semaphore(%run_scoped3A : memref<!tpu.dma_semaphore, #tpu.memory_space<semaphore_mem>>) src(%arg3 : memref<64x64xf32, #tpu.memory_space<hbm>>) dst(%arg9 : memref<64x64xf32, #tpu.memory_space<vmem>>)
        tpu.yield
      }) : () -> ()
      %dma_wait3A_85 = arith.constant 0 : i32
      %dma_wait3A_86 = tpu.memref_slice %arg4[%dma_wait3A_85] : memref<64000000xf32, #tpu.memory_space<hbm>> -> memref<8192xf32, #tpu.memory_space<hbm>>
      %dma_wait3A_87 = arith.constant 0 : i32
      %dma_wait3A_88 = tpu.memref_slice %arg4[%dma_wait3A_87] : memref<64000000xf32, #tpu.memory_space<hbm>> -> memref<8192xf32, #tpu.memory_space<hbm>>
      tpu.wait_dma2 semaphore(%arg13 : memref<!tpu.dma_semaphore, #tpu.memory_space<semaphore_mem>>) src(%arg8 : memref<8192xf32, #tpu.memory_space<vmem>>) dst(%dma_wait3A_88 : memref<8192xf32, #tpu.memory_space<hbm>>)
      %parallel_loop3A_89 = arith.constant 0 : i32
      %parallel_loop3A_90 = arith.constant 64 : i32
      %parallel_loop3A_91 = arith.constant 1 : i32
      scf.for %parallel_loop3A_108 = %parallel_loop3A_89 to %parallel_loop3A_90 step %parallel_loop3A_91  : i32 {
        %parallel_loop3A_109 = arith.constant 0 : i32
        %parallel_loop3A_110 = vector.broadcast %parallel_loop3A_109 : i32 to vector<16xi32>
        %parallel_loop3A_111 = vector.broadcast %parallel_loop3A_108 : i32 to vector<16xi32>
        %parallel_loop3A_112 = arith.addi %parallel_loop3A_110, %parallel_loop3A_111 : vector<16xi32>
        %parallel_loop3A_113 = tpu.vector_load_idx %arg9[%add3A_3, %parallel_loop3A_112] : memref<64x64xf32, #tpu.memory_space<vmem>>[vector<16xi32>, vector<16xi32>], vector<16xf32>,
        %parallel_loop3A_114 = arith.constant 64 : i32
        %parallel_loop3A_115 = arith.muli %parallel_loop3A_108, %parallel_loop3A_114 : i32
        %parallel_loop3A_116 = arith.constant 0 : i32
        %parallel_loop3A_117 = arith.addi %parallel_loop3A_115, %parallel_loop3A_116 : i32
        %parallel_loop3A_118 = arith.index_cast %parallel_loop3A_117 : i32 to index
        %parallel_loop3A_119 = tpu.vector_load %arg8[%parallel_loop3A_118] {strides = array<i32>} : memref<8192xf32, #tpu.memory_space<vmem>>, vector<16xf32>,
        tpu.vector_store %arg8[%parallel_loop3A_118], %parallel_loop3A_113 {strides = array<i32>} : memref<8192xf32, #tpu.memory_space<vmem>>, vector<16xf32>,
        %parallel_loop3A_120 = tpu.vector_load_idx %arg9[%add3A_6, %parallel_loop3A_112] : memref<64x64xf32, #tpu.memory_space<vmem>>[vector<16xi32>, vector<16xi32>], vector<16xf32>,
        %parallel_loop3A_121 = arith.constant 64 : i32
        %parallel_loop3A_122 = arith.muli %parallel_loop3A_108, %parallel_loop3A_121 : i32
        %parallel_loop3A_123 = arith.constant 16 : i32
        %parallel_loop3A_124 = arith.addi %parallel_loop3A_122, %parallel_loop3A_123 : i32
        %parallel_loop3A_125 = arith.index_cast %parallel_loop3A_124 : i32 to index
        %parallel_loop3A_126 = tpu.vector_load %arg8[%parallel_loop3A_125] {strides = array<i32>} : memref<8192xf32, #tpu.memory_space<vmem>>, vector<16xf32>,
        tpu.vector_store %arg8[%parallel_loop3A_125], %parallel_loop3A_120 {strides = array<i32>} : memref<8192xf32, #tpu.memory_space<vmem>>, vector<16xf32>,
        %parallel_loop3A_127 = tpu.vector_load_idx %arg9[%add3A_9, %parallel_loop3A_112] : memref<64x64xf32, #tpu.memory_space<vmem>>[vector<16xi32>, vector<16xi32>], vector<16xf32>,
        %parallel_loop3A_128 = arith.constant 64 : i32
        %parallel_loop3A_129 = arith.muli %parallel_loop3A_108, %parallel_loop3A_128 : i32
        %parallel_loop3A_130 = arith.constant 32 : i32
        %parallel_loop3A_131 = arith.addi %parallel_loop3A_129, %parallel_loop3A_130 : i32
        %parallel_loop3A_132 = arith.index_cast %parallel_loop3A_131 : i32 to index
        %parallel_loop3A_133 = tpu.vector_load %arg8[%parallel_loop3A_132] {strides = array<i32>} : memref<8192xf32, #tpu.memory_space<vmem>>, vector<16xf32>,
        tpu.vector_store %arg8[%parallel_loop3A_132], %parallel_loop3A_127 {strides = array<i32>} : memref<8192xf32, #tpu.memory_space<vmem>>, vector<16xf32>,
        %parallel_loop3A_134 = tpu.vector_load_idx %arg9[%add3A_12, %parallel_loop3A_112] : memref<64x64xf32, #tpu.memory_space<vmem>>[vector<16xi32>, vector<16xi32>], vector<16xf32>,
        %parallel_loop3A_135 = arith.constant 64 : i32
        %parallel_loop3A_136 = arith.muli %parallel_loop3A_108, %parallel_loop3A_135 : i32
        %parallel_loop3A_137 = arith.constant 48 : i32
        %parallel_loop3A_138 = arith.addi %parallel_loop3A_136, %parallel_loop3A_137 : i32
        %parallel_loop3A_139 = arith.index_cast %parallel_loop3A_138 : i32 to index
        %parallel_loop3A_140 = tpu.vector_load %arg8[%parallel_loop3A_139] {strides = array<i32>} : memref<8192xf32, #tpu.memory_space<vmem>>, vector<16xf32>,
        tpu.vector_store %arg8[%parallel_loop3A_139], %parallel_loop3A_134 {strides = array<i32>} : memref<8192xf32, #tpu.memory_space<vmem>>, vector<16xf32>,
      } {sc.loop_unroll_factor = 4 : i64, sc.parallel_access}
      %dma_start3A_92 = arith.constant 0 : i32
      %dma_start3A_93 = tpu.memref_slice %arg8[%dma_start3A_92] : memref<8192xf32, #tpu.memory_space<vmem>> -> memref<4096xf32, #tpu.memory_space<vmem>>
      %dma_start3A_94 = arith.constant 63995904 : i32
      %dma_start3A_95 = tpu.memref_slice %arg4[%dma_start3A_94] : memref<64000000xf32, #tpu.memory_space<hbm>> -> memref<4096xf32, #tpu.memory_space<hbm>>
      %dma_start3A_96 = arith.constant 63995904 : i32
      %dma_start3A_97 = tpu.memref_slice %arg4[%dma_start3A_96] : memref<64000000xf32, #tpu.memory_space<hbm>> -> memref<4096xf32, #tpu.memory_space<hbm>>
      %dma_start3A_98 = arith.constant 0 : i32
      %dma_start3A_99 = tpu.memref_slice %arg8[%dma_start3A_98] : memref<8192xf32, #tpu.memory_space<vmem>> -> memref<4096xf32, #tpu.memory_space<vmem>>
      tpu.enqueue_dma source(%dma_start3A_99 : memref<4096xf32, #tpu.memory_space<vmem>>) target(%dma_start3A_97 : memref<4096xf32, #tpu.memory_space<hbm>>) target_semaphore(%arg13 : memref<!tpu.dma_semaphore, #tpu.memory_space<semaphore_mem>>)
      %dma_wait3A_100 = arith.constant 0 : i32
      %dma_wait3A_101 = tpu.memref_slice %arg8[%dma_wait3A_100] : memref<8192xf32, #tpu.memory_space<vmem>> -> memref<4096xf32, #tpu.memory_space<vmem>>
      %dma_wait3A_102 = arith.constant 0 : i32
      %dma_wait3A_103 = tpu.memref_slice %arg4[%dma_wait3A_102] : memref<64000000xf32, #tpu.memory_space<hbm>> -> memref<4096xf32, #tpu.memory_space<hbm>>
      %dma_wait3A_104 = arith.constant 0 : i32
      %dma_wait3A_105 = tpu.memref_slice %arg4[%dma_wait3A_104] : memref<64000000xf32, #tpu.memory_space<hbm>> -> memref<4096xf32, #tpu.memory_space<hbm>>
      %dma_wait3A_106 = arith.constant 0 : i32
      %dma_wait3A_107 = tpu.memref_slice %arg8[%dma_wait3A_106] : memref<8192xf32, #tpu.memory_space<vmem>> -> memref<4096xf32, #tpu.memory_space<vmem>>
      tpu.wait_dma2 semaphore(%arg13 : memref<!tpu.dma_semaphore, #tpu.memory_space<semaphore_mem>>) src(%dma_wait3A_107 : memref<4096xf32, #tpu.memory_space<vmem>>) dst(%dma_wait3A_105 : memref<4096xf32, #tpu.memory_space<hbm>>)
    } else {
    }
    %ne3A = arith.constant 4 : i32
    %ne3A_77 = arith.cmpi ne, %add3A, %ne3A : i32
    %convert_element_type3A_78 = arith.extui %ne3A_77 : i1 to i32
    %cond3A_79 = arith.constant 0 : i32
    %cond3A_80 = arith.cmpi ne, %convert_element_type3A_78, %cond3A_79 : i32
    scf.if %cond3A_80 {
      %dma_wait3A_85 = arith.constant 0 : i32
      %dma_wait3A_86 = tpu.memref_slice %arg4[%dma_wait3A_85] : memref<64000000xf32, #tpu.memory_space<hbm>> -> memref<8192xf32, #tpu.memory_space<hbm>>
      %dma_wait3A_87 = arith.constant 0 : i32
      %dma_wait3A_88 = tpu.memref_slice %arg4[%dma_wait3A_87] : memref<64000000xf32, #tpu.memory_space<hbm>> -> memref<8192xf32, #tpu.memory_space<hbm>>
      tpu.wait_dma2 semaphore(%arg13 : memref<!tpu.dma_semaphore, #tpu.memory_space<semaphore_mem>>) src(%arg8 : memref<8192xf32, #tpu.memory_space<vmem>>) dst(%dma_wait3A_88 : memref<8192xf32, #tpu.memory_space<hbm>>)
    } else {
    }
    %dma_wait3A_81 = arith.constant 0 : i32
    %dma_wait3A_82 = tpu.memref_slice %arg4[%dma_wait3A_81] : memref<64000000xf32, #tpu.memory_space<hbm>> -> memref<8192xf32, #tpu.memory_space<hbm>>
    %dma_wait3A_83 = arith.constant 0 : i32
    %dma_wait3A_84 = tpu.memref_slice %arg4[%dma_wait3A_83] : memref<64000000xf32, #tpu.memory_space<hbm>> -> memref<8192xf32, #tpu.memory_space<hbm>>
    tpu.wait_dma2 semaphore(%arg12 : memref<!tpu.dma_semaphore, #tpu.memory_space<semaphore_mem>>) src(%arg7 : memref<8192xf32, #tpu.memory_space<vmem>>) dst(%dma_wait3A_84 : memref<8192xf32, #tpu.memory_space<hbm>>)
    return
  }
}

#map = affine_map<(d0, d1) -> (0, 0)>
#map1 = affine_map<(d0, d1) -> (0, 0, 0, 0)>
module attributes {stable_mosaic.version = 14 : i64} {
  func.func @_gather_kernel(%arg0: i32, %arg1: i32, %arg2: memref<200x4096xi32, #tpu.memory_space<hbm>>, %arg3: memref<1000000x64xf32, #tpu.memory_space<hbm>>, %arg4: memref<200x8x32x1024xf32, #tpu.memory_space<hbm>>, %arg5: memref<200x128xi32, #tpu.memory_space<vmem>>, %arg6: memref<128x64xf32, #tpu.memory_space<vmem>>, %arg7: memref<128x64xf32, #tpu.memory_space<vmem>>, %arg8: memref<8x1024xf32, #tpu.memory_space<vmem>>, %arg9: memref<8x1024xf32, #tpu.memory_space<vmem>>, %arg10: memref<!tpu.dma_semaphore, #tpu.memory_space<semaphore_mem>>, %arg11: memref<!tpu.dma_semaphore, #tpu.memory_space<semaphore_mem>>, %arg12: memref<!tpu.dma_semaphore, #tpu.memory_space<semaphore_mem>>, %arg13: memref<!tpu.dma_semaphore, #tpu.memory_space<semaphore_mem>>) attributes {dimension_semantics = [#tpu.dimension_semantics<core_parallel>, #tpu.dimension_semantics<subcore_parallel>], iteration_bounds = array<i64: 2, 16>, scalar_prefetch = 0 : i64, scratch_operands = 9 : i64, tpu.core_type = #tpu.core_type<sc_vector_subcore>, window_params = [{transform_indices = #map}, {transform_indices = #map}, {transform_indices = #map1}]} {
    %mul3A = arith.constant 2 : i32
    %mul3A_0 = arith.muli %arg1, %mul3A : i32
    %add3A = arith.addi %mul3A_0, %arg0 : i32
    %mul3A_1 = arith.constant 128 : i32
    %mul3A_2 = arith.muli %add3A, %mul3A_1 : i32
    "tpu.region"() ({
      %run_scoped3A = tpu.sem_alloc : memref<!tpu.dma_semaphore, #tpu.memory_space<semaphore_mem>>
      %dma_start3A_113 = arith.constant 0 : i32
      %dma_start3A_114 = tpu.memref_slice %arg2[%dma_start3A_113, %mul3A_2] : memref<200x4096xi32, #tpu.memory_space<hbm>> -> memref<200x128xi32, #tpu.memory_space<hbm>>
      %dma_start3A_115 = arith.constant 0 : i32
      %dma_start3A_116 = tpu.memref_slice %arg2[%dma_start3A_115, %mul3A_2] : memref<200x4096xi32, #tpu.memory_space<hbm>> -> memref<200x128xi32, #tpu.memory_space<hbm>>
      tpu.enqueue_dma source(%dma_start3A_116 : memref<200x128xi32, #tpu.memory_space<hbm>>) target(%arg5 : memref<200x128xi32, #tpu.memory_space<vmem>>) target_semaphore(%run_scoped3A : memref<!tpu.dma_semaphore, #tpu.memory_space<semaphore_mem>>)
      %dma_wait3A_117 = arith.constant 0 : i32
      %dma_wait3A_118 = tpu.memref_slice %arg2[%dma_wait3A_117, %mul3A_2] : memref<200x4096xi32, #tpu.memory_space<hbm>> -> memref<200x128xi32, #tpu.memory_space<hbm>>
      %dma_wait3A_119 = arith.constant 0 : i32
      %dma_wait3A_120 = tpu.memref_slice %arg2[%dma_wait3A_119, %mul3A_2] : memref<200x4096xi32, #tpu.memory_space<hbm>> -> memref<200x128xi32, #tpu.memory_space<hbm>>
      tpu.wait_dma2 semaphore(%run_scoped3A : memref<!tpu.dma_semaphore, #tpu.memory_space<semaphore_mem>>) src(%dma_wait3A_120 : memref<200x128xi32, #tpu.memory_space<hbm>>) dst(%arg5 : memref<200x128xi32, #tpu.memory_space<vmem>>)
      tpu.yield
    }) : () -> ()
    %iota3A = tpu.iota {dimensions = array<i32: 0>} : vector<16xi32>
    %add3A_3 = arith.constant 0 : i32
    %add3A_4 = vector.broadcast %add3A_3 : i32 to vector<16xi32>
    %add3A_5 = arith.addi %iota3A, %add3A_4 : vector<16xi32>
    %add3A_6 = arith.constant 16 : i32
    %add3A_7 = vector.broadcast %add3A_6 : i32 to vector<16xi32>
    %add3A_8 = arith.addi %iota3A, %add3A_7 : vector<16xi32>
    %add3A_9 = arith.constant 32 : i32
    %add3A_10 = vector.broadcast %add3A_9 : i32 to vector<16xi32>
    %add3A_11 = arith.addi %iota3A, %add3A_10 : vector<16xi32>
    %add3A_12 = arith.constant 48 : i32
    %add3A_13 = vector.broadcast %add3A_12 : i32 to vector<16xi32>
    %add3A_14 = arith.addi %iota3A, %add3A_13 : vector<16xi32>
    %add3A_15 = arith.constant 64 : i32
    %add3A_16 = vector.broadcast %add3A_15 : i32 to vector<16xi32>
    %add3A_17 = arith.addi %iota3A, %add3A_16 : vector<16xi32>
    %add3A_18 = arith.constant 80 : i32
    %add3A_19 = vector.broadcast %add3A_18 : i32 to vector<16xi32>
    %add3A_20 = arith.addi %iota3A, %add3A_19 : vector<16xi32>
    %add3A_21 = arith.constant 96 : i32
    %add3A_22 = vector.broadcast %add3A_21 : i32 to vector<16xi32>
    %add3A_23 = arith.addi %iota3A, %add3A_22 : vector<16xi32>
    %add3A_24 = arith.constant 112 : i32
    %add3A_25 = vector.broadcast %add3A_24 : i32 to vector<16xi32>
    %add3A_26 = arith.addi %iota3A, %add3A_25 : vector<16xi32>
    %dma_start3A = arith.constant 0 : i32
    %dma_start3A_27 = arith.constant 0 : i32
    %dma_start3A_28 = tpu.memref_slice %arg5[%dma_start3A, %dma_start3A_27] : memref<200x128xi32, #tpu.memory_space<vmem>> -> memref<1x128xi32, #tpu.memory_space<vmem>>
    %dma_start3A_29 = tpu.memref_squeeze %dma_start3A_28 : memref<1x128xi32, #tpu.memory_space<vmem>> -> memref<128xi32, #tpu.memory_space<vmem>>
    %dma_start3A_30 = arith.constant 0 : i32
    %dma_start3A_31 = arith.constant 0 : i32
    %dma_start3A_32 = tpu.memref_slice %arg3[%dma_start3A_30, %dma_start3A_31] : memref<1000000x64xf32, #tpu.memory_space<hbm>> -> memref<1000000x64xf32, #tpu.memory_space<hbm>>
    tpu.enqueue_indirect_dma source(%dma_start3A_32 : memref<1000000x64xf32, #tpu.memory_space<hbm>>) target(%arg6 : memref<128x64xf32, #tpu.memory_space<vmem>>) offsets(%dma_start3A_29 : memref<128xi32, #tpu.memory_space<vmem>>) semaphore(%arg10 : memref<!tpu.dma_semaphore, #tpu.memory_space<semaphore_mem>>)
    %dma_start3A_33 = arith.constant 1 : i32
    %dma_start3A_34 = arith.constant 0 : i32
    %dma_start3A_35 = tpu.memref_slice %arg5[%dma_start3A_33, %dma_start3A_34] : memref<200x128xi32, #tpu.memory_space<vmem>> -> memref<1x128xi32, #tpu.memory_space<vmem>>
    %dma_start3A_36 = tpu.memref_squeeze %dma_start3A_35 : memref<1x128xi32, #tpu.memory_space<vmem>> -> memref<128xi32, #tpu.memory_space<vmem>>
    %dma_start3A_37 = arith.constant 0 : i32
    %dma_start3A_38 = arith.constant 0 : i32
    %dma_start3A_39 = tpu.memref_slice %arg3[%dma_start3A_37, %dma_start3A_38] : memref<1000000x64xf32, #tpu.memory_space<hbm>> -> memref<1000000x64xf32, #tpu.memory_space<hbm>>
    tpu.enqueue_indirect_dma source(%dma_start3A_39 : memref<1000000x64xf32, #tpu.memory_space<hbm>>) target(%arg7 : memref<128x64xf32, #tpu.memory_space<vmem>>) offsets(%dma_start3A_36 : memref<128xi32, #tpu.memory_space<vmem>>) semaphore(%arg11 : memref<!tpu.dma_semaphore, #tpu.memory_space<semaphore_mem>>)
    %dma_wait3A = arith.constant 0 : i32
    %dma_wait3A_40 = arith.constant 0 : i32
    %dma_wait3A_41 = tpu.memref_slice %arg5[%dma_wait3A, %dma_wait3A_40] : memref<200x128xi32, #tpu.memory_space<vmem>> -> memref<1x128xi32, #tpu.memory_space<vmem>>
    %dma_wait3A_42 = tpu.memref_squeeze %dma_wait3A_41 : memref<1x128xi32, #tpu.memory_space<vmem>> -> memref<128xi32, #tpu.memory_space<vmem>>
    %dma_wait3A_43 = arith.constant 0 : i32
    %dma_wait3A_44 = arith.constant 0 : i32
    %dma_wait3A_45 = tpu.memref_slice %arg3[%dma_wait3A_43, %dma_wait3A_44] : memref<1000000x64xf32, #tpu.memory_space<hbm>> -> memref<1000000x64xf32, #tpu.memory_space<hbm>>
    tpu.wait_indirect_dma semaphore(%arg10 : memref<!tpu.dma_semaphore, #tpu.memory_space<semaphore_mem>>) src(%dma_wait3A_45 : memref<1000000x64xf32, #tpu.memory_space<hbm>>) dst(%arg6 : memref<128x64xf32, #tpu.memory_space<vmem>>)
    %parallel_loop3A = arith.constant 0 : i32
    %parallel_loop3A_46 = arith.constant 512 : i32
    %parallel_loop3A_47 = arith.constant 1 : i32
    scf.for %parallel_loop3A_113 = %parallel_loop3A to %parallel_loop3A_46 step %parallel_loop3A_47  : i32 {
      %parallel_loop3A_114 = arith.constant 3 : i32
      %parallel_loop3A_115 = arith.shrsi %parallel_loop3A_113, %parallel_loop3A_114 : i32
      %parallel_loop3A_116 = arith.constant 7 : i32
      %parallel_loop3A_117 = arith.andi %parallel_loop3A_113, %parallel_loop3A_116 : i32
      %parallel_loop3A_118 = arith.constant 4 : i32
      %parallel_loop3A_119 = arith.shli %parallel_loop3A_117, %parallel_loop3A_118 : i32
      %parallel_loop3A_120 = vector.broadcast %parallel_loop3A_119 : i32 to vector<16xi32>
      %parallel_loop3A_121 = arith.addi %iota3A, %parallel_loop3A_120 : vector<16xi32>
      %parallel_loop3A_122 = arith.constant 0 : i32
      %parallel_loop3A_123 = vector.broadcast %parallel_loop3A_122 : i32 to vector<16xi32>
      %parallel_loop3A_124 = vector.broadcast %parallel_loop3A_115 : i32 to vector<16xi32>
      %parallel_loop3A_125 = arith.addi %parallel_loop3A_123, %parallel_loop3A_124 : vector<16xi32>
      %parallel_loop3A_126 = tpu.vector_load_idx %arg6[%parallel_loop3A_121, %parallel_loop3A_125] : memref<128x64xf32, #tpu.memory_space<vmem>>[vector<16xi32>, vector<16xi32>], vector<16xf32>,
      %parallel_loop3A_127 = arith.constant 3 : i32
      %parallel_loop3A_128 = arith.shrsi %parallel_loop3A_115, %parallel_loop3A_127 : i32
      %parallel_loop3A_129 = arith.constant 7 : i32
      %parallel_loop3A_130 = arith.andi %parallel_loop3A_115, %parallel_loop3A_129 : i32
      %parallel_loop3A_131 = arith.constant 128 : i32
      %parallel_loop3A_132 = arith.muli %parallel_loop3A_130, %parallel_loop3A_131 : i32
      %parallel_loop3A_133 = arith.constant 4 : i32
      %parallel_loop3A_134 = arith.shli %parallel_loop3A_117, %parallel_loop3A_133 : i32
      %parallel_loop3A_135 = arith.addi %parallel_loop3A_132, %parallel_loop3A_134 : i32
      %parallel_loop3A_136 = arith.index_cast %parallel_loop3A_128 : i32 to index
      %parallel_loop3A_137 = arith.index_cast %parallel_loop3A_135 : i32 to index
      %parallel_loop3A_138 = tpu.vector_load %arg8[%parallel_loop3A_136, %parallel_loop3A_137] {strides = array<i32>} : memref<8x1024xf32, #tpu.memory_space<vmem>>, vector<16xf32>,
      tpu.vector_store %arg8[%parallel_loop3A_136, %parallel_loop3A_137], %parallel_loop3A_126 {strides = array<i32>} : memref<8x1024xf32, #tpu.memory_space<vmem>>, vector<16xf32>,
    } {sc.loop_unroll_factor = 8 : i64, sc.parallel_access}
    %dma_start3A_48 = arith.constant 0 : i32
    %dma_start3A_49 = arith.constant 0 : i32
    %dma_start3A_50 = arith.constant 0 : i32
    %dma_start3A_51 = tpu.memref_slice %arg4[%dma_start3A_48, %dma_start3A_49, %add3A, %dma_start3A_50] : memref<200x8x32x1024xf32, #tpu.memory_space<hbm>> -> memref<1x8x1x1024xf32, #tpu.memory_space<hbm>>
    %dma_start3A_52 = tpu.memref_squeeze %dma_start3A_51 : memref<1x8x1x1024xf32, #tpu.memory_space<hbm>> -> memref<8x1024xf32, #tpu.memory_space<hbm>>
    %dma_start3A_53 = arith.constant 0 : i32
    %dma_start3A_54 = arith.constant 0 : i32
    %dma_start3A_55 = tpu.memref_slice %arg4[%dma_start3A_48, %dma_start3A_53, %add3A, %dma_start3A_54] : memref<200x8x32x1024xf32, #tpu.memory_space<hbm>> -> memref<1x8x1x1024xf32, #tpu.memory_space<hbm>>
    %dma_start3A_56 = tpu.memref_squeeze %dma_start3A_55 : memref<1x8x1x1024xf32, #tpu.memory_space<hbm>> -> memref<8x1024xf32, #tpu.memory_space<hbm>>
    tpu.enqueue_dma source(%arg8 : memref<8x1024xf32, #tpu.memory_space<vmem>>) target(%dma_start3A_56 : memref<8x1024xf32, #tpu.memory_space<hbm>>) target_semaphore(%arg12 : memref<!tpu.dma_semaphore, #tpu.memory_space<semaphore_mem>>)
    %dma_start3A_57 = arith.constant 2 : i32
    %dma_start3A_58 = arith.constant 0 : i32
    %dma_start3A_59 = tpu.memref_slice %arg5[%dma_start3A_57, %dma_start3A_58] : memref<200x128xi32, #tpu.memory_space<vmem>> -> memref<1x128xi32, #tpu.memory_space<vmem>>
    %dma_start3A_60 = tpu.memref_squeeze %dma_start3A_59 : memref<1x128xi32, #tpu.memory_space<vmem>> -> memref<128xi32, #tpu.memory_space<vmem>>
    %dma_start3A_61 = arith.constant 0 : i32
    %dma_start3A_62 = arith.constant 0 : i32
    %dma_start3A_63 = tpu.memref_slice %arg3[%dma_start3A_61, %dma_start3A_62] : memref<1000000x64xf32, #tpu.memory_space<hbm>> -> memref<1000000x64xf32, #tpu.memory_space<hbm>>
    tpu.enqueue_indirect_dma source(%dma_start3A_63 : memref<1000000x64xf32, #tpu.memory_space<hbm>>) target(%arg6 : memref<128x64xf32, #tpu.memory_space<vmem>>) offsets(%dma_start3A_60 : memref<128xi32, #tpu.memory_space<vmem>>) semaphore(%arg10 : memref<!tpu.dma_semaphore, #tpu.memory_space<semaphore_mem>>)
    %dma_wait3A_64 = arith.constant 0 : i32
    %dma_wait3A_65 = arith.constant 0 : i32
    %dma_wait3A_66 = tpu.memref_slice %arg5[%dma_wait3A_64, %dma_wait3A_65] : memref<200x128xi32, #tpu.memory_space<vmem>> -> memref<1x128xi32, #tpu.memory_space<vmem>>
    %dma_wait3A_67 = tpu.memref_squeeze %dma_wait3A_66 : memref<1x128xi32, #tpu.memory_space<vmem>> -> memref<128xi32, #tpu.memory_space<vmem>>
    %dma_wait3A_68 = arith.constant 0 : i32
    %dma_wait3A_69 = arith.constant 0 : i32
    %dma_wait3A_70 = tpu.memref_slice %arg3[%dma_wait3A_68, %dma_wait3A_69] : memref<1000000x64xf32, #tpu.memory_space<hbm>> -> memref<1000000x64xf32, #tpu.memory_space<hbm>>
    tpu.wait_indirect_dma semaphore(%arg11 : memref<!tpu.dma_semaphore, #tpu.memory_space<semaphore_mem>>) src(%dma_wait3A_70 : memref<1000000x64xf32, #tpu.memory_space<hbm>>) dst(%arg7 : memref<128x64xf32, #tpu.memory_space<vmem>>)
    %parallel_loop3A_71 = arith.constant 0 : i32
    %parallel_loop3A_72 = arith.constant 512 : i32
    %parallel_loop3A_73 = arith.constant 1 : i32
    scf.for %parallel_loop3A_113 = %parallel_loop3A_71 to %parallel_loop3A_72 step %parallel_loop3A_73  : i32 {
      %parallel_loop3A_114 = arith.constant 3 : i32
      %parallel_loop3A_115 = arith.shrsi %parallel_loop3A_113, %parallel_loop3A_114 : i32
      %parallel_loop3A_116 = arith.constant 7 : i32
      %parallel_loop3A_117 = arith.andi %parallel_loop3A_113, %parallel_loop3A_116 : i32
      %parallel_loop3A_118 = arith.constant 4 : i32
      %parallel_loop3A_119 = arith.shli %parallel_loop3A_117, %parallel_loop3A_118 : i32
      %parallel_loop3A_120 = vector.broadcast %parallel_loop3A_119 : i32 to vector<16xi32>
      %parallel_loop3A_121 = arith.addi %iota3A, %parallel_loop3A_120 : vector<16xi32>
      %parallel_loop3A_122 = arith.constant 0 : i32
      %parallel_loop3A_123 = vector.broadcast %parallel_loop3A_122 : i32 to vector<16xi32>
      %parallel_loop3A_124 = vector.broadcast %parallel_loop3A_115 : i32 to vector<16xi32>
      %parallel_loop3A_125 = arith.addi %parallel_loop3A_123, %parallel_loop3A_124 : vector<16xi32>
      %parallel_loop3A_126 = tpu.vector_load_idx %arg7[%parallel_loop3A_121, %parallel_loop3A_125] : memref<128x64xf32, #tpu.memory_space<vmem>>[vector<16xi32>, vector<16xi32>], vector<16xf32>,
      %parallel_loop3A_127 = arith.constant 3 : i32
      %parallel_loop3A_128 = arith.shrsi %parallel_loop3A_115, %parallel_loop3A_127 : i32
      %parallel_loop3A_129 = arith.constant 7 : i32
      %parallel_loop3A_130 = arith.andi %parallel_loop3A_115, %parallel_loop3A_129 : i32
      %parallel_loop3A_131 = arith.constant 128 : i32
      %parallel_loop3A_132 = arith.muli %parallel_loop3A_130, %parallel_loop3A_131 : i32
      %parallel_loop3A_133 = arith.constant 4 : i32
      %parallel_loop3A_134 = arith.shli %parallel_loop3A_117, %parallel_loop3A_133 : i32
      %parallel_loop3A_135 = arith.addi %parallel_loop3A_132, %parallel_loop3A_134 : i32
      %parallel_loop3A_136 = arith.index_cast %parallel_loop3A_128 : i32 to index
      %parallel_loop3A_137 = arith.index_cast %parallel_loop3A_135 : i32 to index
      %parallel_loop3A_138 = tpu.vector_load %arg9[%parallel_loop3A_136, %parallel_loop3A_137] {strides = array<i32>} : memref<8x1024xf32, #tpu.memory_space<vmem>>, vector<16xf32>,
      tpu.vector_store %arg9[%parallel_loop3A_136, %parallel_loop3A_137], %parallel_loop3A_126 {strides = array<i32>} : memref<8x1024xf32, #tpu.memory_space<vmem>>, vector<16xf32>,
    } {sc.loop_unroll_factor = 8 : i64, sc.parallel_access}
    %dma_start3A_74 = arith.constant 1 : i32
    %dma_start3A_75 = arith.constant 0 : i32
    %dma_start3A_76 = arith.constant 0 : i32
    %dma_start3A_77 = tpu.memref_slice %arg4[%dma_start3A_74, %dma_start3A_75, %add3A, %dma_start3A_76] : memref<200x8x32x1024xf32, #tpu.memory_space<hbm>> -> memref<1x8x1x1024xf32, #tpu.memory_space<hbm>>
    %dma_start3A_78 = tpu.memref_squeeze %dma_start3A_77 : memref<1x8x1x1024xf32, #tpu.memory_space<hbm>> -> memref<8x1024xf32, #tpu.memory_space<hbm>>
    %dma_start3A_79 = arith.constant 0 : i32
    %dma_start3A_80 = arith.constant 0 : i32
    %dma_start3A_81 = tpu.memref_slice %arg4[%dma_start3A_74, %dma_start3A_79, %add3A, %dma_start3A_80] : memref<200x8x32x1024xf32, #tpu.memory_space<hbm>> -> memref<1x8x1x1024xf32, #tpu.memory_space<hbm>>
    %dma_start3A_82 = tpu.memref_squeeze %dma_start3A_81 : memref<1x8x1x1024xf32, #tpu.memory_space<hbm>> -> memref<8x1024xf32, #tpu.memory_space<hbm>>
    tpu.enqueue_dma source(%arg9 : memref<8x1024xf32, #tpu.memory_space<vmem>>) target(%dma_start3A_82 : memref<8x1024xf32, #tpu.memory_space<hbm>>) target_semaphore(%arg13 : memref<!tpu.dma_semaphore, #tpu.memory_space<semaphore_mem>>)
    %scan3A = arith.constant 0 : i32
    %scan3A_83 = arith.constant 0 : i32
    %scan3A_84 = arith.constant 99 : i32
    %scan3A_85 = arith.addi %scan3A_83, %scan3A_84 : i32
    %scan3A_86 = arith.constant 1 : i32
    scf.for %scan3A_113 = %scan3A_83 to %scan3A_85 step %scan3A_86  : i32 {
      %mul3A_114 = arith.constant 2 : i32
      %mul3A_115 = arith.muli %mul3A_114, %scan3A_113 : i32
      %add3A_116 = arith.constant 2 : i32
      %add3A_117 = arith.addi %mul3A_115, %add3A_116 : i32
      %add3A_118 = arith.constant 1 : i32
      %add3A_119 = arith.addi %add3A_117, %add3A_118 : i32
      %dma_start3A_120 = arith.constant 0 : i32
      %dma_start3A_121 = tpu.memref_slice %arg5[%add3A_119, %dma_start3A_120] : memref<200x128xi32, #tpu.memory_space<vmem>> -> memref<1x128xi32, #tpu.memory_space<vmem>>
      %dma_start3A_122 = tpu.memref_squeeze %dma_start3A_121 : memref<1x128xi32, #tpu.memory_space<vmem>> -> memref<128xi32, #tpu.memory_space<vmem>>
      %dma_start3A_123 = arith.constant 0 : i32
      %dma_start3A_124 = arith.constant 0 : i32
      %dma_start3A_125 = tpu.memref_slice %arg3[%dma_start3A_123, %dma_start3A_124] : memref<1000000x64xf32, #tpu.memory_space<hbm>> -> memref<1000000x64xf32, #tpu.memory_space<hbm>>
      tpu.enqueue_indirect_dma source(%dma_start3A_125 : memref<1000000x64xf32, #tpu.memory_space<hbm>>) target(%arg7 : memref<128x64xf32, #tpu.memory_space<vmem>>) offsets(%dma_start3A_122 : memref<128xi32, #tpu.memory_space<vmem>>) semaphore(%arg11 : memref<!tpu.dma_semaphore, #tpu.memory_space<semaphore_mem>>)
      %dma_wait3A_126 = arith.constant 0 : i32
      %dma_wait3A_127 = arith.constant 0 : i32
      %dma_wait3A_128 = tpu.memref_slice %arg5[%dma_wait3A_126, %dma_wait3A_127] : memref<200x128xi32, #tpu.memory_space<vmem>> -> memref<1x128xi32, #tpu.memory_space<vmem>>
      %dma_wait3A_129 = tpu.memref_squeeze %dma_wait3A_128 : memref<1x128xi32, #tpu.memory_space<vmem>> -> memref<128xi32, #tpu.memory_space<vmem>>
      %dma_wait3A_130 = arith.constant 0 : i32
      %dma_wait3A_131 = arith.constant 0 : i32
      %dma_wait3A_132 = tpu.memref_slice %arg3[%dma_wait3A_130, %dma_wait3A_131] : memref<1000000x64xf32, #tpu.memory_space<hbm>> -> memref<1000000x64xf32, #tpu.memory_space<hbm>>
      tpu.wait_indirect_dma semaphore(%arg10 : memref<!tpu.dma_semaphore, #tpu.memory_space<semaphore_mem>>) src(%dma_wait3A_132 : memref<1000000x64xf32, #tpu.memory_space<hbm>>) dst(%arg6 : memref<128x64xf32, #tpu.memory_space<vmem>>)
      %dma_wait3A_133 = arith.constant 0 : i32
      %dma_wait3A_134 = arith.constant 0 : i32
      %dma_wait3A_135 = arith.constant 0 : i32
      %dma_wait3A_136 = tpu.memref_slice %arg4[%dma_wait3A_133, %dma_wait3A_134, %add3A, %dma_wait3A_135] : memref<200x8x32x1024xf32, #tpu.memory_space<hbm>> -> memref<1x8x1x1024xf32, #tpu.memory_space<hbm>>
      %dma_wait3A_137 = tpu.memref_squeeze %dma_wait3A_136 : memref<1x8x1x1024xf32, #tpu.memory_space<hbm>> -> memref<8x1024xf32, #tpu.memory_space<hbm>>
      %dma_wait3A_138 = arith.constant 0 : i32
      %dma_wait3A_139 = arith.constant 0 : i32
      %dma_wait3A_140 = tpu.memref_slice %arg4[%dma_wait3A_133, %dma_wait3A_138, %add3A, %dma_wait3A_139] : memref<200x8x32x1024xf32, #tpu.memory_space<hbm>> -> memref<1x8x1x1024xf32, #tpu.memory_space<hbm>>
      %dma_wait3A_141 = tpu.memref_squeeze %dma_wait3A_140 : memref<1x8x1x1024xf32, #tpu.memory_space<hbm>> -> memref<8x1024xf32, #tpu.memory_space<hbm>>
      tpu.wait_dma2 semaphore(%arg12 : memref<!tpu.dma_semaphore, #tpu.memory_space<semaphore_mem>>) src(%arg8 : memref<8x1024xf32, #tpu.memory_space<vmem>>) dst(%dma_wait3A_141 : memref<8x1024xf32, #tpu.memory_space<hbm>>)
      %parallel_loop3A_142 = arith.constant 0 : i32
      %parallel_loop3A_143 = arith.constant 512 : i32
      %parallel_loop3A_144 = arith.constant 1 : i32
      scf.for %parallel_loop3A_191 = %parallel_loop3A_142 to %parallel_loop3A_143 step %parallel_loop3A_144  : i32 {
        %parallel_loop3A_192 = arith.constant 3 : i32
        %parallel_loop3A_193 = arith.shrsi %parallel_loop3A_191, %parallel_loop3A_192 : i32
        %parallel_loop3A_194 = arith.constant 7 : i32
        %parallel_loop3A_195 = arith.andi %parallel_loop3A_191, %parallel_loop3A_194 : i32
        %parallel_loop3A_196 = arith.constant 4 : i32
        %parallel_loop3A_197 = arith.shli %parallel_loop3A_195, %parallel_loop3A_196 : i32
        %parallel_loop3A_198 = vector.broadcast %parallel_loop3A_197 : i32 to vector<16xi32>
        %parallel_loop3A_199 = arith.addi %iota3A, %parallel_loop3A_198 : vector<16xi32>
        %parallel_loop3A_200 = arith.constant 0 : i32
        %parallel_loop3A_201 = vector.broadcast %parallel_loop3A_200 : i32 to vector<16xi32>
        %parallel_loop3A_202 = vector.broadcast %parallel_loop3A_193 : i32 to vector<16xi32>
        %parallel_loop3A_203 = arith.addi %parallel_loop3A_201, %parallel_loop3A_202 : vector<16xi32>
        %parallel_loop3A_204 = tpu.vector_load_idx %arg6[%parallel_loop3A_199, %parallel_loop3A_203] : memref<128x64xf32, #tpu.memory_space<vmem>>[vector<16xi32>, vector<16xi32>], vector<16xf32>,
        %parallel_loop3A_205 = arith.constant 3 : i32
        %parallel_loop3A_206 = arith.shrsi %parallel_loop3A_193, %parallel_loop3A_205 : i32
        %parallel_loop3A_207 = arith.constant 7 : i32
        %parallel_loop3A_208 = arith.andi %parallel_loop3A_193, %parallel_loop3A_207 : i32
        %parallel_loop3A_209 = arith.constant 128 : i32
        %parallel_loop3A_210 = arith.muli %parallel_loop3A_208, %parallel_loop3A_209 : i32
        %parallel_loop3A_211 = arith.constant 4 : i32
        %parallel_loop3A_212 = arith.shli %parallel_loop3A_195, %parallel_loop3A_211 : i32
        %parallel_loop3A_213 = arith.addi %parallel_loop3A_210, %parallel_loop3A_212 : i32
        %parallel_loop3A_214 = arith.index_cast %parallel_loop3A_206 : i32 to index
        %parallel_loop3A_215 = arith.index_cast %parallel_loop3A_213 : i32 to index
        %parallel_loop3A_216 = tpu.vector_load %arg8[%parallel_loop3A_214, %parallel_loop3A_215] {strides = array<i32>} : memref<8x1024xf32, #tpu.memory_space<vmem>>, vector<16xf32>,
        tpu.vector_store %arg8[%parallel_loop3A_214, %parallel_loop3A_215], %parallel_loop3A_204 {strides = array<i32>} : memref<8x1024xf32, #tpu.memory_space<vmem>>, vector<16xf32>,
      } {sc.loop_unroll_factor = 8 : i64, sc.parallel_access}
      %dma_start3A_145 = arith.constant 0 : i32
      %dma_start3A_146 = arith.constant 0 : i32
      %dma_start3A_147 = tpu.memref_slice %arg4[%add3A_117, %dma_start3A_145, %add3A, %dma_start3A_146] : memref<200x8x32x1024xf32, #tpu.memory_space<hbm>> -> memref<1x8x1x1024xf32, #tpu.memory_space<hbm>>
      %dma_start3A_148 = tpu.memref_squeeze %dma_start3A_147 : memref<1x8x1x1024xf32, #tpu.memory_space<hbm>> -> memref<8x1024xf32, #tpu.memory_space<hbm>>
      %dma_start3A_149 = arith.constant 0 : i32
      %dma_start3A_150 = arith.constant 0 : i32
      %dma_start3A_151 = tpu.memref_slice %arg4[%add3A_117, %dma_start3A_149, %add3A, %dma_start3A_150] : memref<200x8x32x1024xf32, #tpu.memory_space<hbm>> -> memref<1x8x1x1024xf32, #tpu.memory_space<hbm>>
      %dma_start3A_152 = tpu.memref_squeeze %dma_start3A_151 : memref<1x8x1x1024xf32, #tpu.memory_space<hbm>> -> memref<8x1024xf32, #tpu.memory_space<hbm>>
      tpu.enqueue_dma source(%arg8 : memref<8x1024xf32, #tpu.memory_space<vmem>>) target(%dma_start3A_152 : memref<8x1024xf32, #tpu.memory_space<hbm>>) target_semaphore(%arg12 : memref<!tpu.dma_semaphore, #tpu.memory_space<semaphore_mem>>)
      %add3A_153 = arith.constant 2 : i32
      %add3A_154 = arith.addi %add3A_117, %add3A_153 : i32
      %min3A = arith.constant 199 : i32
      %min3A_155 = arith.minsi %add3A_154, %min3A : i32
      %dma_start3A_156 = arith.constant 0 : i32
      %dma_start3A_157 = tpu.memref_slice %arg5[%min3A_155, %dma_start3A_156] : memref<200x128xi32, #tpu.memory_space<vmem>> -> memref<1x128xi32, #tpu.memory_space<vmem>>
      %dma_start3A_158 = tpu.memref_squeeze %dma_start3A_157 : memref<1x128xi32, #tpu.memory_space<vmem>> -> memref<128xi32, #tpu.memory_space<vmem>>
      %dma_start3A_159 = arith.constant 0 : i32
      %dma_start3A_160 = arith.constant 0 : i32
      %dma_start3A_161 = tpu.memref_slice %arg3[%dma_start3A_159, %dma_start3A_160] : memref<1000000x64xf32, #tpu.memory_space<hbm>> -> memref<1000000x64xf32, #tpu.memory_space<hbm>>
      tpu.enqueue_indirect_dma source(%dma_start3A_161 : memref<1000000x64xf32, #tpu.memory_space<hbm>>) target(%arg6 : memref<128x64xf32, #tpu.memory_space<vmem>>) offsets(%dma_start3A_158 : memref<128xi32, #tpu.memory_space<vmem>>) semaphore(%arg10 : memref<!tpu.dma_semaphore, #tpu.memory_space<semaphore_mem>>)
      %add3A_162 = arith.constant 1 : i32
      %add3A_163 = arith.addi %add3A_117, %add3A_162 : i32
      %dma_wait3A_164 = arith.constant 0 : i32
      %dma_wait3A_165 = arith.constant 0 : i32
      %dma_wait3A_166 = tpu.memref_slice %arg5[%dma_wait3A_164, %dma_wait3A_165] : memref<200x128xi32, #tpu.memory_space<vmem>> -> memref<1x128xi32, #tpu.memory_space<vmem>>
      %dma_wait3A_167 = tpu.memref_squeeze %dma_wait3A_166 : memref<1x128xi32, #tpu.memory_space<vmem>> -> memref<128xi32, #tpu.memory_space<vmem>>
      %dma_wait3A_168 = arith.constant 0 : i32
      %dma_wait3A_169 = arith.constant 0 : i32
      %dma_wait3A_170 = tpu.memref_slice %arg3[%dma_wait3A_168, %dma_wait3A_169] : memref<1000000x64xf32, #tpu.memory_space<hbm>> -> memref<1000000x64xf32, #tpu.memory_space<hbm>>
      tpu.wait_indirect_dma semaphore(%arg11 : memref<!tpu.dma_semaphore, #tpu.memory_space<semaphore_mem>>) src(%dma_wait3A_170 : memref<1000000x64xf32, #tpu.memory_space<hbm>>) dst(%arg7 : memref<128x64xf32, #tpu.memory_space<vmem>>)
      %dma_wait3A_171 = arith.constant 0 : i32
      %dma_wait3A_172 = arith.constant 0 : i32
      %dma_wait3A_173 = arith.constant 0 : i32
      %dma_wait3A_174 = tpu.memref_slice %arg4[%dma_wait3A_171, %dma_wait3A_172, %add3A, %dma_wait3A_173] : memref<200x8x32x1024xf32, #tpu.memory_space<hbm>> -> memref<1x8x1x1024xf32, #tpu.memory_space<hbm>>
      %dma_wait3A_175 = tpu.memref_squeeze %dma_wait3A_174 : memref<1x8x1x1024xf32, #tpu.memory_space<hbm>> -> memref<8x1024xf32, #tpu.memory_space<hbm>>
      %dma_wait3A_176 = arith.constant 0 : i32
      %dma_wait3A_177 = arith.constant 0 : i32
      %dma_wait3A_178 = tpu.memref_slice %arg4[%dma_wait3A_171, %dma_wait3A_176, %add3A, %dma_wait3A_177] : memref<200x8x32x1024xf32, #tpu.memory_space<hbm>> -> memref<1x8x1x1024xf32, #tpu.memory_space<hbm>>
      %dma_wait3A_179 = tpu.memref_squeeze %dma_wait3A_178 : memref<1x8x1x1024xf32, #tpu.memory_space<hbm>> -> memref<8x1024xf32, #tpu.memory_space<hbm>>
      tpu.wait_dma2 semaphore(%arg13 : memref<!tpu.dma_semaphore, #tpu.memory_space<semaphore_mem>>) src(%arg9 : memref<8x1024xf32, #tpu.memory_space<vmem>>) dst(%dma_wait3A_179 : memref<8x1024xf32, #tpu.memory_space<hbm>>)
      %parallel_loop3A_180 = arith.constant 0 : i32
      %parallel_loop3A_181 = arith.constant 512 : i32
      %parallel_loop3A_182 = arith.constant 1 : i32
      scf.for %parallel_loop3A_191 = %parallel_loop3A_180 to %parallel_loop3A_181 step %parallel_loop3A_182  : i32 {
        %parallel_loop3A_192 = arith.constant 3 : i32
        %parallel_loop3A_193 = arith.shrsi %parallel_loop3A_191, %parallel_loop3A_192 : i32
        %parallel_loop3A_194 = arith.constant 7 : i32
        %parallel_loop3A_195 = arith.andi %parallel_loop3A_191, %parallel_loop3A_194 : i32
        %parallel_loop3A_196 = arith.constant 4 : i32
        %parallel_loop3A_197 = arith.shli %parallel_loop3A_195, %parallel_loop3A_196 : i32
        %parallel_loop3A_198 = vector.broadcast %parallel_loop3A_197 : i32 to vector<16xi32>
        %parallel_loop3A_199 = arith.addi %iota3A, %parallel_loop3A_198 : vector<16xi32>
        %parallel_loop3A_200 = arith.constant 0 : i32
        %parallel_loop3A_201 = vector.broadcast %parallel_loop3A_200 : i32 to vector<16xi32>
        %parallel_loop3A_202 = vector.broadcast %parallel_loop3A_193 : i32 to vector<16xi32>
        %parallel_loop3A_203 = arith.addi %parallel_loop3A_201, %parallel_loop3A_202 : vector<16xi32>
        %parallel_loop3A_204 = tpu.vector_load_idx %arg7[%parallel_loop3A_199, %parallel_loop3A_203] : memref<128x64xf32, #tpu.memory_space<vmem>>[vector<16xi32>, vector<16xi32>], vector<16xf32>,
        %parallel_loop3A_205 = arith.constant 3 : i32
        %parallel_loop3A_206 = arith.shrsi %parallel_loop3A_193, %parallel_loop3A_205 : i32
        %parallel_loop3A_207 = arith.constant 7 : i32
        %parallel_loop3A_208 = arith.andi %parallel_loop3A_193, %parallel_loop3A_207 : i32
        %parallel_loop3A_209 = arith.constant 128 : i32
        %parallel_loop3A_210 = arith.muli %parallel_loop3A_208, %parallel_loop3A_209 : i32
        %parallel_loop3A_211 = arith.constant 4 : i32
        %parallel_loop3A_212 = arith.shli %parallel_loop3A_195, %parallel_loop3A_211 : i32
        %parallel_loop3A_213 = arith.addi %parallel_loop3A_210, %parallel_loop3A_212 : i32
        %parallel_loop3A_214 = arith.index_cast %parallel_loop3A_206 : i32 to index
        %parallel_loop3A_215 = arith.index_cast %parallel_loop3A_213 : i32 to index
        %parallel_loop3A_216 = tpu.vector_load %arg9[%parallel_loop3A_214, %parallel_loop3A_215] {strides = array<i32>} : memref<8x1024xf32, #tpu.memory_space<vmem>>, vector<16xf32>,
        tpu.vector_store %arg9[%parallel_loop3A_214, %parallel_loop3A_215], %parallel_loop3A_204 {strides = array<i32>} : memref<8x1024xf32, #tpu.memory_space<vmem>>, vector<16xf32>,
      } {sc.loop_unroll_factor = 8 : i64, sc.parallel_access}
      %dma_start3A_183 = arith.constant 0 : i32
      %dma_start3A_184 = arith.constant 0 : i32
      %dma_start3A_185 = tpu.memref_slice %arg4[%add3A_163, %dma_start3A_183, %add3A, %dma_start3A_184] : memref<200x8x32x1024xf32, #tpu.memory_space<hbm>> -> memref<1x8x1x1024xf32, #tpu.memory_space<hbm>>
      %dma_start3A_186 = tpu.memref_squeeze %dma_start3A_185 : memref<1x8x1x1024xf32, #tpu.memory_space<hbm>> -> memref<8x1024xf32, #tpu.memory_space<hbm>>
      %dma_start3A_187 = arith.constant 0 : i32
      %dma_start3A_188 = arith.constant 0 : i32
      %dma_start3A_189 = tpu.memref_slice %arg4[%add3A_163, %dma_start3A_187, %add3A, %dma_start3A_188] : memref<200x8x32x1024xf32, #tpu.memory_space<hbm>> -> memref<1x8x1x1024xf32, #tpu.memory_space<hbm>>
      %dma_start3A_190 = tpu.memref_squeeze %dma_start3A_189 : memref<1x8x1x1024xf32, #tpu.memory_space<hbm>> -> memref<8x1024xf32, #tpu.memory_space<hbm>>
      tpu.enqueue_dma source(%arg9 : memref<8x1024xf32, #tpu.memory_space<vmem>>) target(%dma_start3A_190 : memref<8x1024xf32, #tpu.memory_space<hbm>>) target_semaphore(%arg13 : memref<!tpu.dma_semaphore, #tpu.memory_space<semaphore_mem>>)
    }
    %scan3A_87 = arith.constant 99 : i32
    %dma_wait3A_88 = arith.constant 0 : i32
    %dma_wait3A_89 = arith.constant 0 : i32
    %dma_wait3A_90 = tpu.memref_slice %arg5[%dma_wait3A_88, %dma_wait3A_89] : memref<200x128xi32, #tpu.memory_space<vmem>> -> memref<1x128xi32, #tpu.memory_space<vmem>>
    %dma_wait3A_91 = tpu.memref_squeeze %dma_wait3A_90 : memref<1x128xi32, #tpu.memory_space<vmem>> -> memref<128xi32, #tpu.memory_space<vmem>>
    %dma_wait3A_92 = arith.constant 0 : i32
    %dma_wait3A_93 = arith.constant 0 : i32
    %dma_wait3A_94 = tpu.memref_slice %arg3[%dma_wait3A_92, %dma_wait3A_93] : memref<1000000x64xf32, #tpu.memory_space<hbm>> -> memref<1000000x64xf32, #tpu.memory_space<hbm>>
    tpu.wait_indirect_dma semaphore(%arg10 : memref<!tpu.dma_semaphore, #tpu.memory_space<semaphore_mem>>) src(%dma_wait3A_94 : memref<1000000x64xf32, #tpu.memory_space<hbm>>) dst(%arg6 : memref<128x64xf32, #tpu.memory_space<vmem>>)
    %dma_wait3A_95 = arith.constant 0 : i32
    %dma_wait3A_96 = arith.constant 0 : i32
    %dma_wait3A_97 = arith.constant 0 : i32
    %dma_wait3A_98 = tpu.memref_slice %arg4[%dma_wait3A_95, %dma_wait3A_96, %add3A, %dma_wait3A_97] : memref<200x8x32x1024xf32, #tpu.memory_space<hbm>> -> memref<1x8x1x1024xf32, #tpu.memory_space<hbm>>
    %dma_wait3A_99 = tpu.memref_squeeze %dma_wait3A_98 : memref<1x8x1x1024xf32, #tpu.memory_space<hbm>> -> memref<8x1024xf32, #tpu.memory_space<hbm>>
    %dma_wait3A_100 = arith.constant 0 : i32
    %dma_wait3A_101 = arith.constant 0 : i32
    %dma_wait3A_102 = tpu.memref_slice %arg4[%dma_wait3A_95, %dma_wait3A_100, %add3A, %dma_wait3A_101] : memref<200x8x32x1024xf32, #tpu.memory_space<hbm>> -> memref<1x8x1x1024xf32, #tpu.memory_space<hbm>>
    %dma_wait3A_103 = tpu.memref_squeeze %dma_wait3A_102 : memref<1x8x1x1024xf32, #tpu.memory_space<hbm>> -> memref<8x1024xf32, #tpu.memory_space<hbm>>
    tpu.wait_dma2 semaphore(%arg12 : memref<!tpu.dma_semaphore, #tpu.memory_space<semaphore_mem>>) src(%arg8 : memref<8x1024xf32, #tpu.memory_space<vmem>>) dst(%dma_wait3A_103 : memref<8x1024xf32, #tpu.memory_space<hbm>>)
    %dma_wait3A_104 = arith.constant 0 : i32
    %dma_wait3A_105 = arith.constant 0 : i32
    %dma_wait3A_106 = arith.constant 0 : i32
    %dma_wait3A_107 = tpu.memref_slice %arg4[%dma_wait3A_104, %dma_wait3A_105, %add3A, %dma_wait3A_106] : memref<200x8x32x1024xf32, #tpu.memory_space<hbm>> -> memref<1x8x1x1024xf32, #tpu.memory_space<hbm>>
    %dma_wait3A_108 = tpu.memref_squeeze %dma_wait3A_107 : memref<1x8x1x1024xf32, #tpu.memory_space<hbm>> -> memref<8x1024xf32, #tpu.memory_space<hbm>>
    %dma_wait3A_109 = arith.constant 0 : i32
    %dma_wait3A_110 = arith.constant 0 : i32
    %dma_wait3A_111 = tpu.memref_slice %arg4[%dma_wait3A_104, %dma_wait3A_109, %add3A, %dma_wait3A_110] : memref<200x8x32x1024xf32, #tpu.memory_space<hbm>> -> memref<1x8x1x1024xf32, #tpu.memory_space<hbm>>
    %dma_wait3A_112 = tpu.memref_squeeze %dma_wait3A_111 : memref<1x8x1x1024xf32, #tpu.memory_space<hbm>> -> memref<8x1024xf32, #tpu.memory_space<hbm>>
    tpu.wait_dma2 semaphore(%arg13 : memref<!tpu.dma_semaphore, #tpu.memory_space<semaphore_mem>>) src(%arg9 : memref<8x1024xf32, #tpu.memory_space<vmem>>) dst(%dma_wait3A_112 : memref<8x1024xf32, #tpu.memory_space<hbm>>)
    return
  }
}

</mosaic_0001>

<sc_bundles>
// kernel: kernel.4.cloned.1.call-start
scs
__scs_entry_jumppad:
0x0: {  	(pc) =	sbr.rel $0x88, $3  }
0x1: {  	(tag) =	ssettag $0x0;
	lr =	simm.s32 $0x1  }
0x2: {  	[smem:$0x3F9F] =	sst lr;
	_ =	strace $0xD0000000  }
0x3: {  	_ = 	snop  }
0x4: {  	_ = 	snop  }
0x5: {  	_ = 	snop  }
0x6: {  	_ = 	snop  }
0x7: {  	_ = 	snop  }
__scs_overlays_trampoline_lowered:
0x8: {  	[smem:$0x3FAE] =	sst s0  }
0x9: {  	[smem:$0x3FAF] =	sst s1  }
0xa: {  	[smem:$0x3FB0] =	sst s2  }
0xb: {  	[smem:$0x3FB1] =	sst s3  }
0xc: {  	[smem:$0x3FB2] =	sst s4  }
0xd: {  	[smem:$0x3FB3] =	sst s5  }
0xe: {  	[smem:$0x3FB4] =	sst s6  }
0xf: {  	[smem:$0x3FB5] =	sst s7  }
0x10: {  	[smem:$0x3FB6] =	sst s8  }
0x11: {  	[smem:$0x3FB7] =	sst s9;
	s0 =	simm.s32 @!p0 $0x0  }
0x12: {  	s1 =	sld [smem:$0x3F9D];
	s0 =	simm.s32 @p0 $0x1  }
0x13: {  	[smem:$0x3FB8] =	sst s0;
	s0 =	simm.s32 @!p1 $0x0  }
0x14: {  	s2 =	sld [smem:$0x3F9C];
	s0 =	simm.s32 @p1 $0x1  }
0x15: {  	[smem:$0x3FB9] =	sst s0;
	s0 =	simm.s32 @!p2 $0x0  }
0x16: {  	s3 =	sld [smem:$0x3FDB];
	s0 =	simm.s32 @p2 $0x1  }
0x17: {  	s4 =	simm.s32 $0x1BF5;
	[smem:$0x3FBB] =	sst s0  }
0x18: {  	s0 =	sld [smem:$0x3F9E];
	_ =	swait.ge [sflag:s4], $0x0  }
0x19: {  	s7 =	sld [smem:$0x3F9F]  }
0x1a: {  	s8 =	sadd.s32 $0xFFFFE003, lr  }
0x1b: {  	s9 =	sadd.s32 $0xFFFFFEF7, lr;
	s5 =	simm.s32 $0xFFFFFFFF;
	p2 =	slt.u32 s8, $0xFFFFF086  }
0x1c: {  	p1 =	slt.u32 s9, $0xF7A;
	s5 =	simm.s32 @!p2 $0x0  }
0x1d: {  	s5 =	simm.s32 @p1 $0x1;
	p0 =	seq.s32 s7, s2  }
0x1e: {  	s7 =	smul.u32 @!p0 $0xF7A, s2;
	p2 =	seq.s32 @!p0 s5, $0x0  }
0x1f: {  	s9 =	smul.u32 $0xF7A, s1;
	s8 =	simm.s32 @!p0 $0x1BF5;
	p2 =	por !p2, p0  }
0x20: {  	[sflag:s8] =	ssyncset.s32 @!p0 $0xFFFFF086;
	s6 =	sadd.s32 @!p0 s3, s7;
	s7 =	simm.s32 @!p0 $0x108  }
0x21: {  	s3 =	sadd.s32 s3, s9;
	s6 =	sadd.s32 @!p0 $0x88, s6;
	s7 =	simm.s32 @p2 $0x1082  }
0x22: {  	[simem:s7], [sflag:s8] =	dma.local @!p0 [hbm:s6], $0xF7A  }
0x23: {  	s9 =	sor.u32 $0xD0000000, s2;
	s6 =	simm.s32 $0x108;
	_ =	swait.ge @!p0 [sflag:s8], $0x0  }
0x24: {  	s3 =	sadd.s32 $0x88, s3;
	s6 =	simm.s32 @!p1 $0x1082;
	[sflag:s4] =	ssyncset.s32 $0xFFFFF086  }
0x25: {  	[simem:s6], [sflag:s4] =	dma.local [hbm:s3], $0xF7A  }
0x26: {  	[smem:$0x3F9F] =	sst s1;
	(tag) =	ssettag s2;
	_ =	strace s9  }
0x27: {  	s1 =	sld [smem:$0x3FAF]  }
0x28: {  	s2 =	sld [smem:$0x3FB0]  }
0x29: {  	s4 =	sld [smem:$0x3FB2]  }
0x2a: {  	p0 =	seq.s32 s5, $0x0;
	s5 =	sld [smem:$0x3FB3]  }
0x2b: {  	s6 =	sld [smem:$0x3FB4]  }
0x2c: {  	s7 =	sld [smem:$0x3FB5]  }
0x2d: {  	s3 =	simm.s32 $0x108;
	s8 =	sld [smem:$0x3FB6]  }
0x2e: {  	s3 =	simm.s32 @!p0 $0x1082;
	s9 =	sld [smem:$0x3FB7]  }
0x2f: {  	lr =	sadd.s32 s0, s3;
	s0 =	sld [smem:$0x3FAE]  }
0x30: {  	s3 =	sld [smem:$0x3FB1]  }
0x31: {  	[smem:$0x3FBA] =	sst s10  }
0x32: {  	s10 =	sld [smem:$0x3FB8];
	_ =	sdelay $0x3  }
0x33: {  	p0 =	seq.s32 s10, $0x1;
	s10 =	sld [smem:$0x3FBA];
	_ =	sdelay $0x3  }
0x34: {  	[smem:$0x3FBA] =	sst s10  }
0x35: {  	s10 =	sld [smem:$0x3FB9];
	_ =	sdelay $0x3  }
0x36: {  	p1 =	seq.s32 s10, $0x1;
	s10 =	sld [smem:$0x3FBA];
	_ =	sdelay $0x3  }
0x37: {  	[smem:$0x3FBA] =	sst s10  }
0x38: {  	s10 =	sld [smem:$0x3FBB]  }
0x39: {  	_ = 	snop;
	(pc) =	sbr.ind lr, $3  }
0x3a: {  	_ = 	snop  }
0x3b: {  	_ = 	snop  }
0x3c: {  	p2 =	seq.s32 s10, $0x1;
	s10 =	sld [smem:$0x3FBA]  }
0x3d: {  	_ =	shalt  }
0x3e: {  	_ =	shalt  }
0x3f: {  	_ =	shalt  }
0x40: {  	_ =	shalt  }
0x41: {  	_ =	shalt  }
0x42: {  	_ =	shalt  }
0x43: {  	_ =	shalt  }
0x44: {  	_ =	shalt  }
0x45: {  	_ =	shalt  }
0x46: {  	_ =	shalt  }
0x47: {  	_ =	shalt  }
0x48: {  	_ =	shalt  }
0x49: {  	_ =	shalt  }
0x4a: {  	_ =	shalt  }
0x4b: {  	_ =	shalt  }
0x4c: {  	_ =	shalt  }
0x4d: {  	_ =	shalt  }
0x4e: {  	_ =	shalt  }
0x4f: {  	_ =	shalt  }
0x50: {  	_ =	shalt  }
0x51: {  	_ =	shalt  }
0x52: {  	_ =	shalt  }
0x53: {  	_ =	shalt  }
0x54: {  	_ =	shalt  }
0x55: {  	_ =	shalt  }
0x56: {  	_ =	shalt  }
0x57: {  	_ =	shalt  }
0x58: {  	_ =	shalt  }
0x59: {  	_ =	shalt  }
0x5a: {  	_ =	shalt  }
0x5b: {  	_ =	shalt  }
0x5c: {  	_ =	shalt  }
0x5d: {  	_ =	shalt  }
0x5e: {  	_ =	shalt  }
0x5f: {  	_ =	shalt  }
0x60: {  	_ =	shalt  }
0x61: {  	_ =	shalt  }
0x62: {  	_ =	shalt  }
0x63: {  	_ =	shalt  }
0x64: {  	_ =	shalt  }
0x65: {  	_ =	shalt  }
0x66: {  	_ =	shalt  }
0x67: {  	_ =	shalt  }
0x68: {  	_ =	shalt  }
0x69: {  	_ =	shalt  }
0x6a: {  	_ =	shalt  }
0x6b: {  	_ =	shalt  }
0x6c: {  	_ =	shalt  }
0x6d: {  	_ =	shalt  }
0x6e: {  	_ =	shalt  }
0x6f: {  	_ =	shalt  }
0x70: {  	_ =	shalt  }
0x71: {  	_ =	shalt  }
0x72: {  	_ =	shalt  }
0x73: {  	_ =	shalt  }
0x74: {  	_ =	shalt  }
0x75: {  	_ =	shalt  }
0x76: {  	_ =	shalt  }
0x77: {  	_ =	shalt  }
0x78: {  	_ =	shalt  }
0x79: {  	_ =	shalt  }
0x7a: {  	_ =	shalt  }
0x7b: {  	_ =	shalt  }
0x7c: {  	_ =	shalt  }
0x7d: {  	_ =	shalt  }
0x7e: {  	_ =	shalt  }
0x7f: {  	_ =	shalt  }
0x80: {  	_ =	shalt  }
0x81: {  	_ =	shalt  }
0x82: {  	_ =	shalt  }
0x83: {  	_ =	shalt  }
0x84: {  	_ =	shalt  }
0x85: {  	_ =	shalt  }
0x86: {  	_ =	shalt  }
0x87: {  	_ =	shalt  }
.Lfunc_end0:
.L_simem_size_0:
called_computation_lowered:
.L_overlay_start_0:
0x88: {  	s2 =	sld [smem:$0x3FD9]  }
0x89: {  	s3 =	sld [smem:$0x3FFE];
	_ =	sdelay $0x1  }
0x8a: {  	s1 =	srdreg.scid  }
0x8b: {  	s0 =	sand.u32 $0x1, s1  }
0x8c: {  	s17 =	sshll.u32 s0, $0xA;
	s2 =	sadd.s32 s3, s2  }
0x8d: {  	s2 =	sadd.s32 s2, s17  }
0x8e: {  	[smem:$0x3FC6] =	sst s2  }
0x8f: {  	_ = 	snop  }
0x90: {  	s2 =	sld [smem:$0x3FC8]  }
0x91: {  	s18 =	sld [smem:$0x3FD0];
	(tm) =	ssettm $0x1  }
0x92: {  	s4 =	sld [smem:$0x3FFB];
	_ =	sdelay $0x3  }
0x93: {  	_ =	strace s4  }
0x94: {  	s4 =	sld [smem:$0x3FFC];
	_ =	sdelay $0x3  }
0x95: {  	_ =	strace s4  }
0x96: {  	s4 =	sld [smem:$0x3FFD];
	_ =	sdelay $0x3  }
0x97: {  	_ =	strace s4  }
0x98: {  	_ =	strace $0x8FFFFFFF  }
0x99: {  	s19 =	sld [smem:$0x3FDB];
	_ =	sdelay $0x1  }
0x9a: {  	s5 =	simm.s32 $_scs_section_size  }
0x9b: {  	s6 =	simm.s32 $_size__tile_overlayer_lowered;
	s7 =	simm.s32 $_tile_overlayer_lowered  }
0x9c: {  	s22 =	simm.s32 $0x1BFF;
	s21 =	sshll.u32 s7, $0x1;
	s4 =	sadd.s32 s5, s19  }
0x9d: {  	s8 =	simm.s32 $0x0;
	s20 =	sshll.u32 s6, $0x1;
	s6 =	sadd.s32 s21, s4  }
0x9e: {  	[timem:s8], [sflag:s22] =	dma.local [hbm:s6], s20  }
0x9f: {  	_ =	swait.ge [sflag:s22], s20  }
0xa0: {  	s5 =	ssub.s32 $0x0, s20;
	[sflag:s22] =	ssyncset.done $0x0  }
0xa1: {  	[sflag:s22] =	ssyncadd.s32 s5;
	_ =	sdelay $0x1  }
0xa2: {  	s23 =	simm.s32 $0x1B8B  }
0xa3: {  	_ =	swait.ge [sflag:s23], $0x1  }
0xa4: {  	[sflag:s23] =	ssyncset.done $0x0  }
0xa5: {  	s25 =	simm.s32 $0x1B8E;
	s24 =	sld [smem:$0x3FFE];
	[sflag:s23] =	ssyncadd.s32 $0xFFFFFFFF  }
0xa6: {  	s26 =	simm.s32 $execute0_lowered;
	[smem:$0x3FD2] =	sst s25  }
0xa7: {  	s6 =	sshll.u32 s26, $0x1;
	_ =	strace $0x80000046;
	[dreg:$0x1] =	wrdreg $0xFFFFFFFF  }
0xa8: {  	s28 =	simm.s32 $_size_execute0_lowered;
	s4 =	sadd.s32 s4, s6;
	[dreg:$0x0] =	wrdreg $0x0  }
0xa9: {  	s6 =	sshll.u32 s28, $0x1;
	[dreg:$0x2] =	wrdreg s4  }
0xaa: {  	[dreg:$0x3] =	wrdreg s6  }
0xab: {  	[dreg:$0x4] =	wrdreg $0xC0  }
0xac: {  	_ =	task [dreg:s8], $0x5FFFF  }
0xad: {  	[dreg:$0x1] =	wrdreg $0xFFFFFFFF  }
0xae: {  	[dreg:$0x0] =	wrdreg $0x60  }
0xaf: {  	[dreg:$0x2] =	wrdreg s2  }
0xb0: {  	[dreg:$0x3] =	wrdreg s18  }
0xb1: {  	[dreg:$0x4] =	wrdreg s24  }
0xb2: {  	[dreg:$0x5] =	wrdreg $0x9  }
0xb3: {  	_ =	task.clear_ibuf [dreg:s8], $0x6FFFF;
	_ =	strace $0x90000046  }
0xb4: {  	s29 =	simm.s32 $0x9;
	_ =	strace $0x80000048  }
0xb5: {  	_ =	swait.ge [sflag:s29], $0x1  }
0xb6: {  	[sflag:s29] =	ssyncadd.s32 $0xFFFFFFFF  }
0xb7: {  	_ =	strace $0x90000048  }
0xb8: {  	_ =	sfence  }
0xb9: {  	s30 =	sld [smem:$0x0];
	_ =	sdelay $0x2  }
0xba: {  	s31 =	sshll.u32 s1, $0xD;
	s1 =	sshrl.u32 s1, $0x2  }
0xbb: {  	s3 =	sand.u32 $0x4000, s31;
	s1 =	sadd.s32 s1, s30  }
0xbc: {  	s0 =	sor.u32 s3, s0;
	s1 =	sshll.u32 s1, $0x11  }
0xbd: {  	s0 =	sor.u32 s1, s0  }
0xbe: {  	s0 =	sadd.s32 $0x8F2B, s0  }
0xbf: {  	[sflag:s0] =	ssyncadd.remote.s32 $0x1  }
0xc0: {  	_ =	sfence.sel $0xFFFF  }
0xc1: {  	[dreg:$0x0] =	wrdreg $0xFFFFFFFF;
	(pc) =	sbr.abs _section_cstart, $3  }
0xc2: {  	[dreg:$0x1] =	wrdreg $0xFFFFFFFF  }
0xc3: {  	_ =	task.clear_ibuf [dreg:s8], $0x2FFFF;
	_ =	strace $0x9FFFFFFF  }
0xc4: {  	(tm) =	ssettm $0x7FFFFFFF  }
0xc5: {  	_ =	shalt  }
tec
execute0_lowered:
.L_overlay_start_1:
0x0: {  	(tag) =	ssettag $0x1  }
0x1: {  	s1 =	rddreg [dreg:$0x0]  }
0x2: {  	s0 =	rddreg [dreg:$0x2];
	s4 =	simm.s32 $0x0  }
0x3: {  	s2 =	srdreg.scid;
	s9 =	stileid.u32;
	s15 =	simm.s32 $0x400  }
0x4: {  	s16 =	simm.s32 $0x7A1400;
	s17 =	simm.s32 $0x2000;
	s18 =	simm.s32 $0x1  }
0x5: {  	s19 =	simm.s32 $0x4000;
	s20 =	simm.s32 $0x2;
	s21 =	simm.s32 $0x6000  }
0x6: {  	s22 =	simm.s32 $0x3;
	s23 =	simm.s32 $0x4;
	[smem:$0x7FF] =	sst s4  }
0x7: {  	s2 =	sand.u32 $0x1, s2;
	s3 =	sshll.u32 s9, $0x1;
	s5 =	sadd.s32 $0xA00, s0  }
0x8: {  	s0 =	sadd.s32 $0x7A1A00, s0;
	p0 =	sgt.u32 s9, $0x1;
	_ =	strace $0x80000047  }
0x9: {  	s6 =	ssub.s32 $0x2, s2;
	s2 =	sor.u32 s2, s3;
	[dreg:$0x8] =	wrdreg s0  }
0xa: {  	s24 =	sshrl.u32 s6, $0x1;
	s7 =	sshll.u32 s2, $0x7;
	s8 =	sor.u32 $0x20, s2  }
0xb: {  	s26 =	sshll.u32 s2, $0xA;
	s3 =	ssub.s32 s6, s24;
	s25 =	sshll.u32 s8, $0x7  }
0xc: {  	s6 =	sadd.s32 s1, s7;
	s10 =	sshll.u32 s8, $0xA;
	s7 =	sadd.s32 s1, s25  }
.Ltmp0:
0xd: {  	s28 =	sadd.s32 $0x2000, s6;
	[dreg:$0x4] =	wrdreg s7;
	(pc) =	sbr.rel .LBB2_1-.Ltmp0, $4  }
0xe: {  	v0 =	vlaneseq.u32;
	s8 =	sadd.s32 s5, s26;
	s29 =	sadd.s32 s5, s10;
	[dreg:$0x5] =	wrdreg s28  }
0xf: {  	v0 =	vmul.u32 $0x80, v0;
	s11 =	sor.u32 $0x40, s2;
	s30 =	sadd.s32 $0x7A0000, s8;
	[dreg:$0x6] =	wrdreg s29  }
0x10: {  	p1 =	sne.s32 s2, $0x4;
	s31 =	smax.u32 s3, $0x1;
	[dreg:$0x7] =	wrdreg s30  }
0x11: {  	v1 =	vor.u32 $0x800, v0;
	v2 =	vor.u32 $0x1000, v0;
	v3 =	vor.u32 $0x1800, v0;
	s24 =	simm.s32 $0x8000;
	s26 =	simm.s32 $0x0;
	[dreg:$0x9] =	wrdreg s31  }
.LBB2_19:
0x12: {  	_ =	swait.ge [sflag:s23], $0x2000  }
0x13: {  	[sflag:s23] =	ssyncset.done $0x0  }
0x14: {  	[sflag:s23] =	ssyncadd.s32 $0xFFFFE000  }
.LBB2_20:
0x15: {  	_ =	swait.ge [sflag:s22], $0x2000  }
0x16: {  	s26 =	sadd.s32 $0x1, s26;
	s0 =	rddreg [dreg:$0x9]  }
0x17: {  	p2 =	sne.s32 s26, s0  }
.Ltmp1:
0x18: {  	_ = 	snop;
	(pc) =	sbr.rel @!p2 .LBB2_21-.Ltmp1, $3  }
0x19: {  	_ =	sdelay $0x1  }
0x1a: {  	[sflag:s22] =	ssyncset.done $0x0  }
0x1b: {  	[sflag:s22] =	ssyncadd.s32 $0xFFFFE000  }
.LBB2_1:
0x1c: {  	s0 =	simm.s32 $0x3  }
0x1d: {  	s2 =	simm.s32 $0x1;
	v4 =	vmov s0  }
0x1e: {  	v5 =	vmov s2;
	v4 =	vand.u32 $0x7F, v4  }
0x1f: {  	s3 =	simm.s32 $0x2;
	v5 =	vand.u32 $0x7D, v5;
	v11 =	vbroadcast v4, $0x0  }
0x20: {  	[tilespmem:s4], [sflag:$0x1] =	stream.strided.gather [hbm4b:s6+s15], $0x2000, s16, s15, $0x38;
	v13 =	vbroadcast v5, $0x0;
	v4 =	vmov s3;
	[tilespmem:$0xA000] =	vst v63  }
0x21: {  	s7 =	rddreg [dreg:$0x4];
	v5 =	vmov s4;
	v4 =	vand.u32 $0x7E, v4;
	v6 =	vor.u32 v0, v11  }
0x22: {  	[tilespmem:s17], [sflag:$0x2] =	stream.strided.gather [hbm4b:s7+s15], $0x2000, s16, s15, $0x38;
	v7 =	vor.u32 v0, v13;
	v19 =	vbroadcast v4, $0x0;
	v4 =	vand.u32 $0x7C, v5;
	[tilespmem:$0xA000] =	vst v63  }
0x23: {  	_ =	swait.ge [sflag:s18], $0x2000;
	v8 =	vbroadcast v4, $0x0  }
0x24: {  	s9 =	simm.s32 $0x5;
	[sflag:s18] =	ssyncset.done $0x0;
	v4 =	vor.u32 v0, v19  }
0x25: {  	[sflag:s18] =	ssyncadd.s32 $0xFFFFE000;
	v5 =	vmov s9;
	v9 =	vor.u32 v0, v8  }
0x26: {  	v5 =	vand.u32 $0x7D, v5;
	v6 =	vld.idx.msk [tilespmem:v6+s4+$0x0], $0xffff  }
0x27: {  	s10 =	simm.s32 $0x6;
	v10 =	vor.u32 v1, v11;
	v5 =	vbroadcast v5, $0x0;
	v7 =	vld.idx.msk [tilespmem:v7+s4+$0x0], $0xffff  }
0x28: {  	v12 =	vmov s10;
	v14 =	vor.u32 v1, v13  }
0x29: {  	v16 =	vor.u32 v0, v5;
	v15 =	vld.idx.msk [tilespmem:v4+s4+$0x0], $0xffff;
	v4 =	vand.u32 $0x7E, v12  }
0x2a: {  	s28 =	simm.s32 $0x4080;
	s12 =	simm.s32 $0x7;
	v17 =	vor.u32 v1, v19;
	v12 =	vld.idx.msk [tilespmem:v9+s4+$0x0], $0xffff;
	v4 =	vbroadcast v4, $0x0  }
0x2b: {  	v18 =	vor.u32 v1, v8;
	[tilespmem:s28+$0x40] =	vst v6;
	v6 =	vmov s12  }
0x2c: {  	v20 =	vor.u32 v0, v4;
	[tilespmem:s28+$0xFFFFFFC0] =	vst v7;
	v21 =	vld.idx.msk [tilespmem:v10+s4+$0x0], $0xffff;
	v6 =	vand.u32 $0x7F, v6  }
0x2d: {  	s13 =	simm.s32 $0x4;
	s14 =	simm.s32 $0x9;
	v22 =	vor.u32 v2, v11;
	v14 =	vld.idx.msk [tilespmem:v14+s4+$0x0], $0xffff;
	v9 =	vbroadcast v6, $0x0  }
0x2e: {  	v7 =	vmov s14;
	v10 =	vld.idx.msk [tilespmem:v16+s4+$0x0], $0xffff;
	[tilespmem:s28+$0x0] =	vst v15;
	v6 =	vmov s13;
	v15 =	vor.u32 v2, v13  }
0x2f: {  	s3 =	simm.s32 $0xC0;
	v23 =	vand.u32 $0x7D, v7;
	[tilespmem:s28+$0xFFFFFF80] =	vst v12;
	v16 =	vld.idx.msk [tilespmem:v17+s4+$0x0], $0xffff;
	v6 =	vand.u32 $0x7C, v6;
	v17 =	vor.u32 v0, v9  }
0x30: {  	s25 =	simm.s32 $0x40;
	s29 =	sor.u32 $0x50, s3;
	v24 =	vor.u32 v2, v19;
	v18 =	vld.idx.msk [tilespmem:v18+s4+$0x0], $0xffff;
	v7 =	vbroadcast v6, $0x0;
	v6 =	vbroadcast v23, $0x0  }
0x31: {  	s7 =	sor.u32 $0x50, s25;
	v12 =	vld.idx.msk [tilespmem:v20+s4+$0x0], $0xffff;
	v20 =	vor.u32 v2, v8;
	[tilespmem:s29+$0x4000] =	vst v21  }
0x32: {  	[tilespmem:s7+$0x4000] =	vst v14;
	v23 =	vor.u32 v0, v6;
	v22 =	vld.idx.msk [tilespmem:v22+s4+$0x0], $0xffff  }
0x33: {  	v21 =	vor.u32 v0, v7;
	v15 =	vld.idx.msk [tilespmem:v15+s4+$0x0], $0xffff  }
0x34: {  	v11 =	vor.u32 v3, v11;
	[tilespmem:s28+$0x10] =	vst v16;
	v25 =	vld.idx.msk [tilespmem:v17+s4+$0x0], $0xffff  }
0x35: {  	v26 =	vor.u32 v3, v13;
	[tilespmem:s28+$0xFFFFFF90] =	vst v18;
	v16 =	vld.idx.msk [tilespmem:v24+s4+$0x0], $0xffff  }
0x36: {  	s30 =	simm.s32 $0xA;
	v14 =	vld.idx.msk [tilespmem:v20+s4+$0x0], $0xffff;
	v20 =	vor.u32 v1, v9  }
0x37: {  	s31 =	sor.u32 $0x60, s3;
	v18 =	vmov s30;
	v13 =	vld.idx.msk [tilespmem:v23+s4+$0x0], $0xffff;
	v23 =	vor.u32 v1, v5  }
0x38: {  	s13 =	sor.u32 $0x60, s25;
	v17 =	vld.idx.msk [tilespmem:v21+s4+$0x0], $0xffff;
	v21 =	vor.u32 v1, v4;
	[tilespmem:s31+$0x4000] =	vst v22;
	v22 =	vand.u32 $0x7E, v18  }
0x39: {  	s0 =	simm.s32 $0x4180;
	s2 =	sor.u32 $0x70, s25;
	[tilespmem:s13+$0x4000] =	vst v15;
	v18 =	vld.idx.msk [tilespmem:v11+s4+$0x0], $0xffff;
	v11 =	vbroadcast v22, $0x0;
	v22 =	vor.u32 v1, v7  }
0x3a: {  	v19 =	vor.u32 v3, v19;
	s12 =	simm.s32 $0x8;
	s25 =	simm.s32 $0xB;
	s13 =	simm.s32 $0xC;
	v15 =	vld.idx.msk [tilespmem:v26+s4+$0x0], $0xffff;
	[tilespmem:s0+$0x40] =	vst v25  }
.LBB2_2:
0x3b: {  	p2 =	slt.u32 s13, $0x7C;
	v24 =	vor.u32 v0, v11;
	v25 =	vmov s25;
	[tilespmem:s0+$0xFFFFFFC0] =	vst v10;
	v20 =	vld.idx.msk [tilespmem:v20+s4+$0x0], $0xffff;
	v26 =	vmov v11  }
0x3c: {  	v28 =	vand.u32 $0x7F, v25;
	v11 =	vld.idx.msk [tilespmem:v23+s4+$0x0], $0xffff;
	[tilespmem:s0+$0x0] =	vst v12;
	v23 =	vor.u32 v3, v8;
	v8 =	vmov v7  }
0x3d: {  	v25 =	vbroadcast v28, $0x0;
	[tilespmem:s0+$0xFFFFFF80] =	vst v17;
	v17 =	vld.idx.msk [tilespmem:v21+s4+$0x0], $0xffff;
	v21 =	vor.u32 v2, v9  }
0x3e: {  	s7 =	sadd.s32 $0x1, s13;
	v27 =	vor.u32 v2, v5;
	s25 =	sor.u32 $0x70, s3;
	v7 =	vmov s12;
	s12 =	smov.u32 s13;
	v10 =	vmov v13;
	v22 =	vld.idx.msk [tilespmem:v22+s4+$0x0], $0xffff;
	[tilespmem:s28+$0x20] =	vst v16  }
0x3f: {  	s3 =	sadd.s32 $0x100, s3;
	v12 =	vmov s7;
	v7 =	vand.u32 $0x7C, v7;
	v13 =	vor.u32 v0, v25;
	v19 =	vld.idx.msk [tilespmem:v19+s4+$0x0], $0xffff;
	[tilespmem:s25+$0x4000] =	vst v18  }
0x40: {  	s7 =	sadd.s32 $0xFFFFFF80, s3;
	v16 =	vand.u32 $0x7D, v12;
	v7 =	vbroadcast v7, $0x0;
	v18 =	vor.u32 v2, v4;
	s25 =	sor.u32 $0x50, s3;
	v12 =	vld.idx.msk [tilespmem:v24+s4+$0x0], $0xffff;
	[tilespmem:s28+$0xFFFFFFA0] =	vst v14  }
0x41: {  	s29 =	sor.u32 $0x50, s7;
	s30 =	sor.u32 $0x60, s7;
	s7 =	sor.u32 $0x70, s7;
	v14 =	vbroadcast v16, $0x0;
	v24 =	vor.u32 v2, v8;
	[tilespmem:s25+$0x4000] =	vst v20;
	v28 =	vld.idx.msk [tilespmem:v23+s4+$0x0], $0xffff  }
0x42: {  	v23 =	vor.u32 v0, v7;
	[tilespmem:s29+$0x4000] =	vst v11;
	v11 =	vld.idx.msk [tilespmem:v21+s4+$0x0], $0xffff  }
0x43: {  	v21 =	vor.u32 v0, v14;
	v27 =	vld.idx.msk [tilespmem:v27+s4+$0x0], $0xffff;
	[tilespmem:s0+$0x10] =	vst v17  }
0x44: {  	v30 =	vor.u32 v3, v9;
	v9 =	vmov v25;
	v29 =	vld.idx.msk [tilespmem:v13+s4+$0x0], $0xffff;
	[tilespmem:s0+$0xFFFFFF90] =	vst v22  }
0x45: {  	v25 =	vor.u32 v3, v5;
	v5 =	vmov v6;
	v6 =	vmov v14;
	v16 =	vld.idx.msk [tilespmem:v18+s4+$0x0], $0xffff;
	[tilespmem:s2+$0x4000] =	vst v15;
	s2 =	smov.u32 s7  }
.Ltmp2:
0x46: {  	v20 =	vor.u32 v1, v9;
	s7 =	sadd.s32 $0x2, s13;
	v14 =	vld.idx.msk [tilespmem:v24+s4+$0x0], $0xffff;
	[tilespmem:s28+$0x30] =	vst v19;
	(pc) =	sbr.rel @p2 .LBB2_2-.Ltmp2, $4  }
0x47: {  	v15 =	vmov s7;
	s7 =	sor.u32 $0x60, s3;
	v17 =	vld.idx.msk [tilespmem:v23+s4+$0x0], $0xffff;
	v23 =	vor.u32 v1, v5;
	[tilespmem:s28+$0xFFFFFFB0] =	vst v28;
	s28 =	smov.u32 s0  }
0x48: {  	v15 =	vand.u32 $0x7E, v15;
	v13 =	vld.idx.msk [tilespmem:v21+s4+$0x0], $0xffff;
	v21 =	vor.u32 v1, v26;
	[tilespmem:s7+$0x4000] =	vst v11  }
0x49: {  	v22 =	vor.u32 v1, v7;
	s0 =	sadd.s32 $0x100, s0;
	v11 =	vbroadcast v15, $0x0;
	[tilespmem:s30+$0x4000] =	vst v27;
	v18 =	vld.idx.msk [tilespmem:v30+s4+$0x0], $0xffff  }
0x4a: {  	s25 =	sadd.s32 $0x3, s12;
	s13 =	sadd.s32 $0x4, s13;
	v19 =	vor.u32 v3, v4;
	v4 =	vmov v26;
	[tilespmem:s0+$0x40] =	vst v29;
	v15 =	vld.idx.msk [tilespmem:v25+s4+$0x0], $0xffff  }
0x4b: {  	_ =	sdelay $0x1  }
0x4c: {  	[tilespmem:s0+$0xFFFFFFC0] =	vst v10  }
0x4d: {  	v10 =	vmov s25;
	[tilespmem:s0+$0x0] =	vst v12  }
0x4e: {  	v20 =	vld.idx.msk [tilespmem:v20+s4+$0x0], $0xffff;
	[tilespmem:s28+$0x20] =	vst v16;
	v10 =	vand.u32 $0x7F, v10  }
0x4f: {  	v8 =	vor.u32 v3, v8;
	[tilespmem:s28+$0xFFFFFFA0] =	vst v14;
	v12 =	vld.idx.msk [tilespmem:v23+s4+$0x0], $0xffff;
	v10 =	vbroadcast v10, $0x0  }
0x50: {  	s7 =	sor.u32 $0x70, s3;
	v16 =	vmov s12;
	[tilespmem:s0+$0xFFFFFF80] =	vst v17;
	v17 =	vld.idx.msk [tilespmem:v21+s4+$0x0], $0xffff;
	v21 =	vor.u32 v2, v9  }
0x51: {  	s30 =	sadd.s32 $0x100, s3;
	v16 =	vand.u32 $0x7C, v16;
	[tilespmem:s7+$0x4000] =	vst v18;
	v18 =	vor.u32 v0, v10  }
0x52: {  	v23 =	vor.u32 v2, v5;
	s3 =	sadd.s32 $0xFFFFFF80, s30;
	s31 =	sor.u32 $0x50, s30;
	v14 =	vld.idx.msk [tilespmem:v19+s4+$0x0], $0xffff;
	v16 =	vbroadcast v16, $0x0;
	[tilespmem:s2+$0x4000] =	vst v15  }
0x53: {  	v19 =	vor.u32 v0, v11;
	v22 =	vld.idx.msk [tilespmem:v22+s4+$0x0], $0xffff;
	s13 =	sor.u32 $0x50, s3;
	[tilespmem:s31+$0x4000] =	vst v20  }
0x54: {  	v8 =	vld.idx.msk [tilespmem:v8+s4+$0x0], $0xffff;
	[tilespmem:s13+$0x4000] =	vst v12;
	v12 =	vor.u32 v0, v16  }
0x55: {  	s2 =	sadd.s32 $0x100, s0;
	v20 =	vld.idx.msk [tilespmem:v21+s4+$0x0], $0xffff;
	[tilespmem:s0+$0x10] =	vst v17;
	v17 =	vor.u32 v2, v4  }
0x56: {  	v9 =	vor.u32 v3, v9;
	[tilespmem:s2+$0xFFFFFFC0] =	vst v13;
	v18 =	vld.idx.msk [tilespmem:v18+s4+$0x0], $0xffff  }
0x57: {  	v15 =	vor.u32 v1, v10;
	[tilespmem:s28+$0x30] =	vst v14;
	v21 =	vld.idx.msk [tilespmem:v23+s4+$0x0], $0xffff  }
0x58: {  	v14 =	vld.idx.msk [tilespmem:v19+s4+$0x0], $0xffff;
	v19 =	vor.u32 v1, v6;
	[tilespmem:s0+$0xFFFFFF90] =	vst v22  }
0x59: {  	s9 =	sor.u32 $0x60, s30;
	[tilespmem:s28+$0xFFFFFFB0] =	vst v8;
	v8 =	vld.idx.msk [tilespmem:v12+s4+$0x0], $0xffff;
	v12 =	vor.u32 v1, v11  }
0x5a: {  	[tilespmem:s9+$0x4000] =	vst v20;
	v17 =	vld.idx.msk [tilespmem:v17+s4+$0x0], $0xffff;
	v20 =	vor.u32 v1, v16  }
0x5b: {  	v5 =	vor.u32 v3, v5;
	s10 =	sor.u32 $0x60, s3;
	v9 =	vld.idx.msk [tilespmem:v9+s4+$0x0], $0xffff;
	[tilespmem:s2+$0x40] =	vst v18  }
0x5c: {  	[tilespmem:s10+$0x4000] =	vst v21;
	v21 =	vor.u32 v2, v7;
	v13 =	vld.idx.msk [tilespmem:v15+s4+$0x0], $0xffff  }
0x5d: {  	[tilespmem:s2+$0x0] =	vst v14;
	v14 =	vor.u32 v2, v10;
	v15 =	vld.idx.msk [tilespmem:v19+s4+$0x0], $0xffff  }
0x5e: {  	[tilespmem:s2+$0xFFFFFF80] =	vst v8;
	v8 =	vld.idx.msk [tilespmem:v12+s4+$0x0], $0xffff;
	v12 =	vor.u32 v2, v6  }
0x5f: {  	s7 =	sadd.s32 $0x100, s30;
	s13 =	sor.u32 $0x70, s30;
	[tilespmem:s0+$0x20] =	vst v17;
	v17 =	vor.u32 v2, v11;
	v18 =	vld.idx.msk [tilespmem:v20+s4+$0x0], $0xffff  }
0x60: {  	s14 =	sadd.s32 $0xFFFFFF80, s7;
	s29 =	sor.u32 $0x50, s7;
	v5 =	vld.idx.msk [tilespmem:v5+s4+$0x0], $0xffff;
	[tilespmem:s13+$0x4000] =	vst v9;
	v9 =	vor.u32 v2, v16  }
0x61: {  	v4 =	vor.u32 v3, v4;
	s30 =	sor.u32 $0x50, s14;
	v19 =	vld.idx.msk [tilespmem:v21+s4+$0x0], $0xffff;
	[tilespmem:s29+$0x4000] =	vst v13  }
0x62: {  	v7 =	vor.u32 v3, v7;
	[tilespmem:s30+$0x4000] =	vst v15;
	v13 =	vld.idx.msk [tilespmem:v14+s4+$0x0], $0xffff  }
0x63: {  	v12 =	vld.idx.msk [tilespmem:v12+s4+$0x0], $0xffff;
	[tilespmem:s2+$0x10] =	vst v8;
	v8 =	vor.u32 v3, v10  }
0x64: {  	s3 =	sor.u32 $0x70, s3;
	v6 =	vor.u32 v3, v6;
	[tilespmem:s2+$0xFFFFFF90] =	vst v18;
	v10 =	vld.idx.msk [tilespmem:v17+s4+$0x0], $0xffff  }
0x65: {  	v11 =	vor.u32 v3, v11;
	[tilespmem:s3+$0x4000] =	vst v5;
	v9 =	vld.idx.msk [tilespmem:v9+s4+$0x0], $0xffff  }
0x66: {  	s31 =	sor.u32 $0x60, s7;
	v4 =	vld.idx.msk [tilespmem:v4+s4+$0x0], $0xffff;
	v5 =	vor.u32 v3, v16;
	[tilespmem:s0+$0xFFFFFFA0] =	vst v19  }
0x67: {  	s9 =	sor.u32 $0x60, s14;
	v7 =	vld.idx.msk [tilespmem:v7+s4+$0x0], $0xffff;
	[tilespmem:s31+$0x4000] =	vst v13  }
0x68: {  	[tilespmem:s9+$0x4000] =	vst v12;
	v8 =	vld.idx.msk [tilespmem:v8+s4+$0x0], $0xffff  }
0x69: {  	v6 =	vld.idx.msk [tilespmem:v6+s4+$0x0], $0xffff;
	[tilespmem:s2+$0x20] =	vst v10  }
0x6a: {  	v10 =	vld.idx.msk [tilespmem:v11+s4+$0x0], $0xffff;
	[tilespmem:s2+$0xFFFFFFA0] =	vst v9  }
0x6b: {  	[tilespmem:s0+$0x30] =	vst v4;
	v4 =	vld.idx.msk [tilespmem:v5+s4+$0x0], $0xffff  }
0x6c: {  	s10 =	sor.u32 $0x70, s7;
	[tilespmem:s0+$0xFFFFFFB0] =	vst v7  }
0x6d: {  	s12 =	sor.u32 $0x70, s14;
	s13 =	simm.s32 $0x3;
	[tilespmem:s10+$0x4000] =	vst v8  }
0x6e: {  	s14 =	simm.s32 $0x1;
	v5 =	vmov s13;
	[tilespmem:s12+$0x4000] =	vst v6  }
0x6f: {  	v5 =	vand.u32 $0x7F, v5;
	v6 =	vmov s14;
	[tilespmem:s2+$0x30] =	vst v10  }
0x70: {  	s25 =	simm.s32 $0x0;
	s29 =	simm.s32 $0x2;
	v11 =	vbroadcast v5, $0x0;
	[tilespmem:s2+$0xFFFFFFB0] =	vst v4;
	v4 =	vand.u32 $0x7D, v6  }
0x71: {  	[hbm4b:s8+s25] =	stream.linear.scatter [tilespmem:s19], [sflag:$0x3], $0x2000, $0x38;
	v13 =	vbroadcast v4, $0x0;
	v4 =	vmov s29;
	[tilespmem:$0xA000] =	vst v63  }
0x72: {  	v5 =	vmov s25;
	v6 =	vor.u32 v0, v11;
	s30 =	rddreg [dreg:$0x5];
	v4 =	vand.u32 $0x7E, v4  }
0x73: {  	[tilespmem:s25], [sflag:$0x1] =	stream.strided.gather [hbm4b:s30+s15], $0x2000, s16, s15, $0x38;
	v7 =	vor.u32 v0, v13;
	v19 =	vbroadcast v4, $0x0;
	v4 =	vand.u32 $0x7C, v5;
	[tilespmem:$0xA000] =	vst v63  }
0x74: {  	_ =	swait.ge [sflag:s20], $0x2000;
	v8 =	vbroadcast v4, $0x0  }
0x75: {  	s31 =	simm.s32 $0x5;
	[sflag:s20] =	ssyncset.done $0x0;
	v4 =	vor.u32 v0, v19  }
0x76: {  	v5 =	vmov s31;
	[sflag:s20] =	ssyncadd.s32 $0xFFFFE000;
	v9 =	vor.u32 v0, v8  }
0x77: {  	v5 =	vand.u32 $0x7D, v5;
	v6 =	vld.idx.msk [tilespmem:v6+s17+$0x0], $0xffff  }
0x78: {  	v10 =	vor.u32 v1, v11;
	s2 =	simm.s32 $0x6;
	v5 =	vbroadcast v5, $0x0;
	v7 =	vld.idx.msk [tilespmem:v7+s17+$0x0], $0xffff  }
0x79: {  	v12 =	vmov s2;
	v14 =	vor.u32 v1, v13  }
0x7a: {  	v16 =	vor.u32 v0, v5;
	v15 =	vld.idx.msk [tilespmem:v4+s17+$0x0], $0xffff;
	v4 =	vand.u32 $0x7E, v12  }
0x7b: {  	s28 =	simm.s32 $0x6080;
	s3 =	simm.s32 $0x7;
	v17 =	vor.u32 v1, v19;
	v12 =	vld.idx.msk [tilespmem:v9+s17+$0x0], $0xffff;
	v4 =	vbroadcast v4, $0x0  }
0x7c: {  	v18 =	vor.u32 v1, v8;
	[tilespmem:s28+$0x40] =	vst v6;
	v6 =	vmov s3  }
0x7d: {  	v20 =	vor.u32 v0, v4;
	[tilespmem:s28+$0xFFFFFFC0] =	vst v7;
	v21 =	vld.idx.msk [tilespmem:v10+s17+$0x0], $0xffff;
	v6 =	vand.u32 $0x7F, v6  }
0x7e: {  	s7 =	simm.s32 $0x4;
	s9 =	simm.s32 $0x9;
	v22 =	vor.u32 v2, v11;
	v14 =	vld.idx.msk [tilespmem:v14+s17+$0x0], $0xffff;
	v9 =	vbroadcast v6, $0x0  }
0x7f: {  	v10 =	vld.idx.msk [tilespmem:v16+s17+$0x0], $0xffff;
	v7 =	vmov s9;
	v6 =	vmov s7;
	[tilespmem:s28+$0x0] =	vst v15;
	v15 =	vor.u32 v2, v13  }
0x80: {  	s3 =	simm.s32 $0xC0;
	v23 =	vand.u32 $0x7D, v7;
	v6 =	vand.u32 $0x7C, v6;
	[tilespmem:s28+$0xFFFFFF80] =	vst v12;
	v16 =	vld.idx.msk [tilespmem:v17+s17+$0x0], $0xffff;
	v17 =	vor.u32 v0, v9  }
0x81: {  	s10 =	simm.s32 $0x40;
	v24 =	vor.u32 v2, v19;
	s14 =	sor.u32 $0x50, s3;
	v7 =	vbroadcast v6, $0x0;
	v6 =	vbroadcast v23, $0x0;
	v18 =	vld.idx.msk [tilespmem:v18+s17+$0x0], $0xffff  }
0x82: {  	s25 =	sor.u32 $0x50, s10;
	v12 =	vld.idx.msk [tilespmem:v20+s17+$0x0], $0xffff;
	v20 =	vor.u32 v2, v8;
	[tilespmem:s14+$0x6000] =	vst v21  }
0x83: {  	v23 =	vor.u32 v0, v6;
	[tilespmem:s25+$0x6000] =	vst v14;
	v22 =	vld.idx.msk [tilespmem:v22+s17+$0x0], $0xffff  }
0x84: {  	v21 =	vor.u32 v0, v7;
	v15 =	vld.idx.msk [tilespmem:v15+s17+$0x0], $0xffff  }
0x85: {  	v11 =	vor.u32 v3, v11;
	[tilespmem:s28+$0x10] =	vst v16;
	v25 =	vld.idx.msk [tilespmem:v17+s17+$0x0], $0xffff  }
0x86: {  	v26 =	vor.u32 v3, v13;
	[tilespmem:s28+$0xFFFFFF90] =	vst v18;
	v16 =	vld.idx.msk [tilespmem:v24+s17+$0x0], $0xffff  }
0x87: {  	s29 =	simm.s32 $0xA;
	v14 =	vld.idx.msk [tilespmem:v20+s17+$0x0], $0xffff;
	v20 =	vor.u32 v1, v9  }
0x88: {  	s30 =	sor.u32 $0x60, s3;
	v18 =	vmov s29;
	v13 =	vld.idx.msk [tilespmem:v23+s17+$0x0], $0xffff;
	v23 =	vor.u32 v1, v5  }
0x89: {  	s31 =	sor.u32 $0x60, s10;
	v17 =	vld.idx.msk [tilespmem:v21+s17+$0x0], $0xffff;
	v21 =	vor.u32 v1, v4;
	[tilespmem:s30+$0x6000] =	vst v22;
	v22 =	vand.u32 $0x7E, v18  }
0x8a: {  	s0 =	simm.s32 $0x6180;
	s13 =	simm.s32 $0xC;
	[tilespmem:s31+$0x6000] =	vst v15;
	v18 =	vld.idx.msk [tilespmem:v11+s17+$0x0], $0xffff;
	v11 =	vbroadcast v22, $0x0;
	v22 =	vor.u32 v1, v7  }
0x8b: {  	s12 =	simm.s32 $0x8;
	s2 =	sor.u32 $0x70, s10;
	v19 =	vor.u32 v3, v19;
	s25 =	simm.s32 $0xB;
	[tilespmem:s0+$0x40] =	vst v25;
	v15 =	vld.idx.msk [tilespmem:v26+s17+$0x0], $0xffff  }
.LBB2_4:
0x8c: {  	p2 =	slt.u32 s13, $0x7C;
	v24 =	vor.u32 v0, v11;
	v25 =	vmov s25;
	[tilespmem:s0+$0xFFFFFFC0] =	vst v10;
	v20 =	vld.idx.msk [tilespmem:v20+s17+$0x0], $0xffff;
	v26 =	vmov v11  }
0x8d: {  	v28 =	vand.u32 $0x7F, v25;
	v11 =	vld.idx.msk [tilespmem:v23+s17+$0x0], $0xffff;
	[tilespmem:s0+$0x0] =	vst v12;
	v23 =	vor.u32 v3, v8;
	v8 =	vmov v7  }
0x8e: {  	v25 =	vbroadcast v28, $0x0;
	[tilespmem:s0+$0xFFFFFF80] =	vst v17;
	v17 =	vld.idx.msk [tilespmem:v21+s17+$0x0], $0xffff;
	v21 =	vor.u32 v2, v9  }
0x8f: {  	s7 =	sadd.s32 $0x1, s13;
	v27 =	vor.u32 v2, v5;
	s25 =	sor.u32 $0x70, s3;
	v7 =	vmov s12;
	s12 =	smov.u32 s13;
	v10 =	vmov v13;
	v22 =	vld.idx.msk [tilespmem:v22+s17+$0x0], $0xffff;
	[tilespmem:s28+$0x20] =	vst v16  }
0x90: {  	s3 =	sadd.s32 $0x100, s3;
	v12 =	vmov s7;
	v7 =	vand.u32 $0x7C, v7;
	v13 =	vor.u32 v0, v25;
	v19 =	vld.idx.msk [tilespmem:v19+s17+$0x0], $0xffff;
	[tilespmem:s25+$0x6000] =	vst v18  }
0x91: {  	s7 =	sadd.s32 $0xFFFFFF80, s3;
	v16 =	vand.u32 $0x7D, v12;
	v7 =	vbroadcast v7, $0x0;
	v18 =	vor.u32 v2, v4;
	s25 =	sor.u32 $0x50, s3;
	v12 =	vld.idx.msk [tilespmem:v24+s17+$0x0], $0xffff;
	[tilespmem:s28+$0xFFFFFFA0] =	vst v14  }
0x92: {  	s29 =	sor.u32 $0x50, s7;
	s30 =	sor.u32 $0x60, s7;
	s7 =	sor.u32 $0x70, s7;
	v14 =	vbroadcast v16, $0x0;
	v24 =	vor.u32 v2, v8;
	[tilespmem:s25+$0x6000] =	vst v20;
	v28 =	vld.idx.msk [tilespmem:v23+s17+$0x0], $0xffff  }
0x93: {  	v23 =	vor.u32 v0, v7;
	[tilespmem:s29+$0x6000] =	vst v11;
	v11 =	vld.idx.msk [tilespmem:v21+s17+$0x0], $0xffff  }
0x94: {  	v21 =	vor.u32 v0, v14;
	v27 =	vld.idx.msk [tilespmem:v27+s17+$0x0], $0xffff;
	[tilespmem:s0+$0x10] =	vst v17  }
0x95: {  	v30 =	vor.u32 v3, v9;
	v9 =	vmov v25;
	v29 =	vld.idx.msk [tilespmem:v13+s17+$0x0], $0xffff;
	[tilespmem:s0+$0xFFFFFF90] =	vst v22  }
0x96: {  	v25 =	vor.u32 v3, v5;
	v5 =	vmov v6;
	v6 =	vmov v14;
	v16 =	vld.idx.msk [tilespmem:v18+s17+$0x0], $0xffff;
	[tilespmem:s2+$0x6000] =	vst v15;
	s2 =	smov.u32 s7  }
.Ltmp3:
0x97: {  	v20 =	vor.u32 v1, v9;
	s7 =	sadd.s32 $0x2, s13;
	v14 =	vld.idx.msk [tilespmem:v24+s17+$0x0], $0xffff;
	[tilespmem:s28+$0x30] =	vst v19;
	(pc) =	sbr.rel @p2 .LBB2_4-.Ltmp3, $4  }
0x98: {  	v15 =	vmov s7;
	s7 =	sor.u32 $0x60, s3;
	v17 =	vld.idx.msk [tilespmem:v23+s17+$0x0], $0xffff;
	v23 =	vor.u32 v1, v5;
	[tilespmem:s28+$0xFFFFFFB0] =	vst v28;
	s28 =	smov.u32 s0  }
0x99: {  	v15 =	vand.u32 $0x7E, v15;
	v13 =	vld.idx.msk [tilespmem:v21+s17+$0x0], $0xffff;
	v21 =	vor.u32 v1, v26;
	[tilespmem:s7+$0x6000] =	vst v11  }
0x9a: {  	v22 =	vor.u32 v1, v7;
	s0 =	sadd.s32 $0x100, s0;
	v11 =	vbroadcast v15, $0x0;
	[tilespmem:s30+$0x6000] =	vst v27;
	v18 =	vld.idx.msk [tilespmem:v30+s17+$0x0], $0xffff  }
0x9b: {  	s25 =	sadd.s32 $0x3, s12;
	s13 =	sadd.s32 $0x4, s13;
	v19 =	vor.u32 v3, v4;
	v4 =	vmov v26;
	[tilespmem:s0+$0x40] =	vst v29;
	v15 =	vld.idx.msk [tilespmem:v25+s17+$0x0], $0xffff  }
0x9c: {  	_ =	sdelay $0x1  }
0x9d: {  	[tilespmem:s0+$0xFFFFFFC0] =	vst v10  }
0x9e: {  	[tilespmem:s0+$0x0] =	vst v12  }
0x9f: {  	v20 =	vld.idx.msk [tilespmem:v20+s17+$0x0], $0xffff;
	[tilespmem:s28+$0x20] =	vst v16  }
0xa0: {  	v30 =	vmov s25;
	v8 =	vor.u32 v3, v8;
	[tilespmem:s28+$0xFFFFFFA0] =	vst v14  }
0xa1: {  	s7 =	sor.u32 $0x70, s3;
	v34 =	vmov s12;
	v38 =	vor.u32 v0, v11;
	v10 =	vand.u32 $0x7F, v30;
	v31 =	vld.idx.msk [tilespmem:v23+s17+$0x0], $0xffff;
	[tilespmem:s0+$0xFFFFFF80] =	vst v17  }
0xa2: {  	v33 =	vor.u32 v2, v9;
	s9 =	sadd.s32 $0x100, s3;
	v32 =	vld.idx.msk [tilespmem:v21+s17+$0x0], $0xffff;
	v16 =	vand.u32 $0x7C, v34;
	v10 =	vbroadcast v10, $0x0;
	[tilespmem:s7+$0x6000] =	vst v18  }
0xa3: {  	v45 =	vor.u32 v1, v6;
	s10 =	sor.u32 $0x50, s9;
	v37 =	vld.idx.msk [tilespmem:v19+s17+$0x0], $0xffff;
	v16 =	vbroadcast v16, $0x0;
	[tilespmem:s2+$0x6000] =	vst v15  }
0xa4: {  	s3 =	sadd.s32 $0xFFFFFF80, s9;
	v22 =	vld.idx.msk [tilespmem:v22+s17+$0x0], $0xffff;
	v36 =	vor.u32 v0, v10;
	s2 =	sadd.s32 $0x100, s0;
	[tilespmem:s10+$0x6000] =	vst v20  }
0xa5: {  	s13 =	sor.u32 $0x50, s3;
	v39 =	vor.u32 v0, v16;
	v8 =	vld.idx.msk [tilespmem:v8+s17+$0x0], $0xffff;
	[tilespmem:s2+$0xFFFFFFC0] =	vst v13  }
0xa6: {  	v35 =	vor.u32 v2, v5;
	v44 =	vld.idx.msk [tilespmem:v38+s17+$0x0], $0xffff;
	[tilespmem:s13+$0x6000] =	vst v31  }
0xa7: {  	v40 =	vor.u32 v2, v4;
	v20 =	vld.idx.msk [tilespmem:v33+s17+$0x0], $0xffff;
	[tilespmem:s0+$0x10] =	vst v32  }
0xa8: {  	v49 =	vor.u32 v2, v7;
	[tilespmem:s28+$0x30] =	vst v37;
	v51 =	vld.idx.msk [tilespmem:v45+s17+$0x0], $0xffff  }
0xa9: {  	v47 =	vor.u32 v1, v11;
	[tilespmem:s0+$0xFFFFFF90] =	vst v22;
	v18 =	vld.idx.msk [tilespmem:v36+s17+$0x0], $0xffff  }
0xaa: {  	s7 =	sadd.s32 $0x100, s9;
	v43 =	vor.u32 v1, v10;
	v46 =	vld.idx.msk [tilespmem:v39+s17+$0x0], $0xffff;
	[tilespmem:s28+$0xFFFFFFB0] =	vst v8  }
0xab: {  	s14 =	sor.u32 $0x60, s9;
	v48 =	vor.u32 v1, v16;
	s31 =	sadd.s32 $0xFFFFFF80, s7;
	v41 =	vld.idx.msk [tilespmem:v35+s17+$0x0], $0xffff;
	[tilespmem:s2+$0x0] =	vst v44  }
0xac: {  	v42 =	vor.u32 v3, v9;
	s10 =	sor.u32 $0x50, s31;
	v17 =	vld.idx.msk [tilespmem:v40+s17+$0x0], $0xffff;
	[tilespmem:s14+$0x6000] =	vst v20  }
0xad: {  	v5 =	vor.u32 v3, v5;
	v57 =	vld.idx.msk [tilespmem:v49+s17+$0x0], $0xffff;
	[tilespmem:s10+$0x6000] =	vst v51  }
0xae: {  	v54 =	vor.u32 v2, v6;
	v53 =	vld.idx.msk [tilespmem:v47+s17+$0x0], $0xffff;
	[tilespmem:s2+$0x40] =	vst v18  }
0xaf: {  	v56 =	vor.u32 v2, v11;
	s25 =	sor.u32 $0x60, s3;
	[tilespmem:s2+$0xFFFFFF80] =	vst v46;
	v50 =	vld.idx.msk [tilespmem:v43+s17+$0x0], $0xffff  }
0xb0: {  	v52 =	vor.u32 v2, v10;
	[tilespmem:s25+$0x6000] =	vst v41;
	v55 =	vld.idx.msk [tilespmem:v48+s17+$0x0], $0xffff  }
0xb1: {  	v58 =	vor.u32 v2, v16;
	v9 =	vld.idx.msk [tilespmem:v42+s17+$0x0], $0xffff;
	[tilespmem:s0+$0x20] =	vst v17  }
0xb2: {  	v4 =	vor.u32 v3, v4;
	v5 =	vld.idx.msk [tilespmem:v5+s17+$0x0], $0xffff;
	[tilespmem:s0+$0xFFFFFFA0] =	vst v57  }
0xb3: {  	v59 =	vor.u32 v3, v7;
	s30 =	sor.u32 $0x70, s9;
	s9 =	sor.u32 $0x50, s7;
	v12 =	vld.idx.msk [tilespmem:v54+s17+$0x0], $0xffff;
	[tilespmem:s2+$0x10] =	vst v53  }
0xb4: {  	v61 =	vor.u32 v3, v6;
	v62 =	vld.idx.msk [tilespmem:v56+s17+$0x0], $0xffff;
	[tilespmem:s9+$0x6000] =	vst v50  }
0xb5: {  	v63 =	vor.u32 v3, v11;
	[tilespmem:s2+$0xFFFFFF90] =	vst v55;
	v13 =	vld.idx.msk [tilespmem:v52+s17+$0x0], $0xffff  }
0xb6: {  	s3 =	sor.u32 $0x70, s3;
	v60 =	vor.u32 v3, v10;
	[tilespmem:s30+$0x6000] =	vst v9;
	v9 =	vld.idx.msk [tilespmem:v58+s17+$0x0], $0xffff  }
0xb7: {  	s25 =	sor.u32 $0x60, s31;
	v4 =	vld.idx.msk [tilespmem:v4+s17+$0x0], $0xffff;
	[tilespmem:s3+$0x6000] =	vst v5;
	v5 =	vor.u32 v3, v16  }
0xb8: {  	v7 =	vld.idx.msk [tilespmem:v59+s17+$0x0], $0xffff;
	[tilespmem:s25+$0x6000] =	vst v12  }
0xb9: {  	s14 =	sor.u32 $0x60, s7;
	v6 =	vld.idx.msk [tilespmem:v61+s17+$0x0], $0xffff;
	[tilespmem:s2+$0x20] =	vst v62  }
0xba: {  	v10 =	vld.idx.msk [tilespmem:v63+s17+$0x0], $0xffff;
	[tilespmem:s14+$0x6000] =	vst v13  }
0xbb: {  	[tilespmem:s2+$0xFFFFFFA0] =	vst v9;
	v8 =	vld.idx.msk [tilespmem:v60+s17+$0x0], $0xffff  }
0xbc: {  	[tilespmem:s0+$0x30] =	vst v4;
	v4 =	vld.idx.msk [tilespmem:v5+s17+$0x0], $0xffff  }
0xbd: {  	s31 =	sor.u32 $0x70, s31;
	[tilespmem:s0+$0xFFFFFFB0] =	vst v7  }
0xbe: {  	[tilespmem:s31+$0x6000] =	vst v6  }
0xbf: {  	s30 =	sor.u32 $0x70, s7;
	[tilespmem:s2+$0x30] =	vst v10  }
0xc0: {  	[tilespmem:s30+$0x6000] =	vst v8  }
0xc1: {  	[tilespmem:s2+$0xFFFFFFB0] =	vst v4  }
0xc2: {  	s29 =	simm.s32 $0x0;
	s28 =	simm.s32 $0x0;
	s0 =	rddreg [dreg:$0x6]  }
0xc3: {  	[hbm4b:s0+s28] =	stream.linear.scatter [tilespmem:s21], [sflag:$0x4], $0x2000, $0x38;
	[tilespmem:$0xA000] =	vst v63  }
.LBB2_6:
0xc4: {  	s0 =	sshll.u32 s29, $0x6  }
0xc5: {  	s31 =	sadd.s32 s11, s0  }
0xc6: {  	s30 =	sor.u32 $0x20, s31  }
0xc7: {  	s2 =	simm.s32 $0x3;
	s13 =	sshll.u32 s30, $0x7  }
0xc8: {  	s3 =	simm.s32 $0x1;
	v4 =	vmov s2;
	s0 =	sand.u32 $0x1FFFFF80, s13  }
0xc9: {  	s14 =	simm.s32 $0x2;
	v5 =	vmov s3;
	v4 =	vand.u32 $0x7F, v4;
	s0 =	sadd.s32 s1, s0  }
0xca: {  	v5 =	vand.u32 $0x7D, v5;
	v11 =	vbroadcast v4, $0x0;
	[tilespmem:s17], [sflag:$0x2] =	stream.strided.gather [hbm4b:s0+s15], $0x2000, s16, s15, $0x38;
	[tilespmem:$0xA000] =	vst v63  }
0xcb: {  	v13 =	vbroadcast v5, $0x0;
	v4 =	vmov s14;
	_ =	swait.ge [sflag:s18], $0x2000  }
0xcc: {  	v4 =	vand.u32 $0x7E, v4;
	v6 =	vor.u32 v0, v11;
	[sflag:s18] =	ssyncset.done $0x0  }
0xcd: {  	v5 =	vmov s28;
	v7 =	vor.u32 v0, v13;
	v19 =	vbroadcast v4, $0x0;
	[sflag:s18] =	ssyncadd.s32 $0xFFFFE000  }
0xce: {  	v4 =	vand.u32 $0x7C, v5;
	_ =	swait.ge [sflag:s22], $0x2000  }
0xcf: {  	s25 =	simm.s32 $0x5;
	v8 =	vbroadcast v4, $0x0;
	v4 =	vor.u32 v0, v19;
	[sflag:s22] =	ssyncset.done $0x0  }
0xd0: {  	v5 =	vmov s25;
	[sflag:s22] =	ssyncadd.s32 $0xFFFFE000  }
0xd1: {  	v5 =	vand.u32 $0x7D, v5;
	v9 =	vor.u32 v0, v8;
	v6 =	vld.idx.msk [tilespmem:v6+s4+$0x0], $0xffff  }
0xd2: {  	v10 =	vor.u32 v1, v11;
	v5 =	vbroadcast v5, $0x0;
	v7 =	vld.idx.msk [tilespmem:v7+s4+$0x0], $0xffff  }
0xd3: {  	s2 =	simm.s32 $0x6;
	v14 =	vor.u32 v1, v13  }
0xd4: {  	v12 =	vmov s2;
	v16 =	vor.u32 v0, v5;
	v15 =	vld.idx.msk [tilespmem:v4+s4+$0x0], $0xffff  }
0xd5: {  	s0 =	simm.s32 $0x4080;
	v17 =	vor.u32 v1, v19;
	v4 =	vand.u32 $0x7E, v12  }
0xd6: {  	v12 =	vld.idx.msk [tilespmem:v9+s4+$0x0], $0xffff;
	v4 =	vbroadcast v4, $0x0;
	[tilespmem:s0+$0x40] =	vst v6  }
0xd7: {  	s3 =	simm.s32 $0x7;
	v18 =	vor.u32 v1, v8;
	[tilespmem:s0+$0xFFFFFFC0] =	vst v7;
	v21 =	vld.idx.msk [tilespmem:v10+s4+$0x0], $0xffff  }
0xd8: {  	v20 =	vor.u32 v0, v4;
	v6 =	vmov s3;
	v14 =	vld.idx.msk [tilespmem:v14+s4+$0x0], $0xffff  }
0xd9: {  	s7 =	simm.s32 $0x4;
	s9 =	simm.s32 $0x9;
	v22 =	vor.u32 v2, v11;
	[tilespmem:s0+$0x0] =	vst v15;
	v15 =	vor.u32 v2, v13;
	v6 =	vand.u32 $0x7F, v6;
	v10 =	vld.idx.msk [tilespmem:v16+s4+$0x0], $0xffff  }
0xda: {  	v7 =	vmov s9;
	v16 =	vld.idx.msk [tilespmem:v17+s4+$0x0], $0xffff;
	v9 =	vbroadcast v6, $0x0;
	v6 =	vmov s7  }
0xdb: {  	s2 =	simm.s32 $0xC0;
	v24 =	vor.u32 v2, v19;
	[tilespmem:s0+$0xFFFFFF80] =	vst v12;
	v23 =	vand.u32 $0x7D, v7;
	v6 =	vand.u32 $0x7C, v6  }
0xdc: {  	s10 =	sor.u32 $0x50, s2;
	v18 =	vld.idx.msk [tilespmem:v18+s4+$0x0], $0xffff;
	s7 =	simm.s32 $0x40;
	v17 =	vor.u32 v0, v9;
	v7 =	vbroadcast v6, $0x0;
	v6 =	vbroadcast v23, $0x0  }
0xdd: {  	v12 =	vld.idx.msk [tilespmem:v20+s4+$0x0], $0xffff;
	v20 =	vor.u32 v2, v8;
	s12 =	sor.u32 $0x50, s7;
	[tilespmem:s10+$0x4000] =	vst v21  }
0xde: {  	[tilespmem:s12+$0x4000] =	vst v14;
	v23 =	vor.u32 v0, v6;
	v22 =	vld.idx.msk [tilespmem:v22+s4+$0x0], $0xffff  }
0xdf: {  	v21 =	vor.u32 v0, v7;
	[tilespmem:s0+$0x10] =	vst v16;
	v15 =	vld.idx.msk [tilespmem:v15+s4+$0x0], $0xffff  }
0xe0: {  	v11 =	vor.u32 v3, v11;
	v16 =	vld.idx.msk [tilespmem:v24+s4+$0x0], $0xffff  }
0xe1: {  	v26 =	vor.u32 v3, v13;
	[tilespmem:s0+$0xFFFFFF90] =	vst v18;
	v25 =	vld.idx.msk [tilespmem:v17+s4+$0x0], $0xffff  }
0xe2: {  	s13 =	simm.s32 $0xA;
	v14 =	vld.idx.msk [tilespmem:v20+s4+$0x0], $0xffff;
	v20 =	vor.u32 v1, v9  }
0xe3: {  	s14 =	sor.u32 $0x60, s2;
	v18 =	vmov s13;
	v13 =	vld.idx.msk [tilespmem:v23+s4+$0x0], $0xffff;
	v23 =	vor.u32 v1, v5  }
0xe4: {  	s25 =	sor.u32 $0x60, s7;
	v17 =	vld.idx.msk [tilespmem:v21+s4+$0x0], $0xffff;
	v21 =	vor.u32 v1, v4;
	[tilespmem:s14+$0x4000] =	vst v22;
	v22 =	vand.u32 $0x7E, v18  }
0xe5: {  	s3 =	simm.s32 $0x4180;
	s13 =	simm.s32 $0x8;
	[tilespmem:s25+$0x4000] =	vst v15;
	v18 =	vld.idx.msk [tilespmem:v11+s4+$0x0], $0xffff;
	v11 =	vbroadcast v22, $0x0;
	v22 =	vor.u32 v1, v7  }
0xe6: {  	v19 =	vor.u32 v3, v19;
	s12 =	sor.u32 $0x70, s7;
	s7 =	simm.s32 $0xB;
	s25 =	simm.s32 $0xC;
	v15 =	vld.idx.msk [tilespmem:v26+s4+$0x0], $0xffff;
	[tilespmem:s3+$0x40] =	vst v25  }
.LBB2_7:
0xe7: {  	p2 =	slt.u32 s25, $0x7C;
	v24 =	vor.u32 v0, v11;
	v25 =	vmov s7;
	[tilespmem:s3+$0xFFFFFFC0] =	vst v10;
	v20 =	vld.idx.msk [tilespmem:v20+s4+$0x0], $0xffff;
	v26 =	vmov v11  }
0xe8: {  	v28 =	vand.u32 $0x7F, v25;
	v11 =	vld.idx.msk [tilespmem:v23+s4+$0x0], $0xffff;
	[tilespmem:s3+$0x0] =	vst v12;
	v23 =	vor.u32 v3, v8;
	v8 =	vmov v7  }
0xe9: {  	v25 =	vbroadcast v28, $0x0;
	[tilespmem:s3+$0xFFFFFF80] =	vst v17;
	v17 =	vld.idx.msk [tilespmem:v21+s4+$0x0], $0xffff;
	v21 =	vor.u32 v2, v9  }
0xea: {  	s7 =	sadd.s32 $0x1, s25;
	v27 =	vor.u32 v2, v5;
	s9 =	sor.u32 $0x70, s2;
	v7 =	vmov s13;
	s13 =	smov.u32 s25;
	v10 =	vmov v13;
	v22 =	vld.idx.msk [tilespmem:v22+s4+$0x0], $0xffff;
	[tilespmem:s0+$0x20] =	vst v16  }
0xeb: {  	s2 =	sadd.s32 $0x100, s2;
	v12 =	vmov s7;
	v7 =	vand.u32 $0x7C, v7;
	v13 =	vor.u32 v0, v25;
	v19 =	vld.idx.msk [tilespmem:v19+s4+$0x0], $0xffff;
	[tilespmem:s9+$0x4000] =	vst v18  }
0xec: {  	s7 =	sadd.s32 $0xFFFFFF80, s2;
	v16 =	vand.u32 $0x7D, v12;
	v7 =	vbroadcast v7, $0x0;
	v18 =	vor.u32 v2, v4;
	s9 =	sor.u32 $0x50, s2;
	v12 =	vld.idx.msk [tilespmem:v24+s4+$0x0], $0xffff;
	[tilespmem:s0+$0xFFFFFFA0] =	vst v14  }
0xed: {  	s10 =	sor.u32 $0x50, s7;
	s14 =	sor.u32 $0x60, s7;
	s7 =	sor.u32 $0x70, s7;
	v14 =	vbroadcast v16, $0x0;
	v24 =	vor.u32 v2, v8;
	[tilespmem:s9+$0x4000] =	vst v20;
	v28 =	vld.idx.msk [tilespmem:v23+s4+$0x0], $0xffff  }
0xee: {  	v23 =	vor.u32 v0, v7;
	[tilespmem:s10+$0x4000] =	vst v11;
	v11 =	vld.idx.msk [tilespmem:v21+s4+$0x0], $0xffff  }
0xef: {  	v21 =	vor.u32 v0, v14;
	v27 =	vld.idx.msk [tilespmem:v27+s4+$0x0], $0xffff;
	[tilespmem:s3+$0x10] =	vst v17  }
0xf0: {  	v30 =	vor.u32 v3, v9;
	v9 =	vmov v25;
	v29 =	vld.idx.msk [tilespmem:v13+s4+$0x0], $0xffff;
	[tilespmem:s3+$0xFFFFFF90] =	vst v22  }
0xf1: {  	v25 =	vor.u32 v3, v5;
	v5 =	vmov v6;
	v6 =	vmov v14;
	v16 =	vld.idx.msk [tilespmem:v18+s4+$0x0], $0xffff;
	[tilespmem:s12+$0x4000] =	vst v15;
	s12 =	smov.u32 s7  }
.Ltmp4:
0xf2: {  	v20 =	vor.u32 v1, v9;
	s7 =	sadd.s32 $0x2, s25;
	v14 =	vld.idx.msk [tilespmem:v24+s4+$0x0], $0xffff;
	[tilespmem:s0+$0x30] =	vst v19;
	(pc) =	sbr.rel @p2 .LBB2_7-.Ltmp4, $4  }
0xf3: {  	v15 =	vmov s7;
	s7 =	sor.u32 $0x60, s2;
	v17 =	vld.idx.msk [tilespmem:v23+s4+$0x0], $0xffff;
	v23 =	vor.u32 v1, v5;
	[tilespmem:s0+$0xFFFFFFB0] =	vst v28;
	s0 =	smov.u32 s3  }
0xf4: {  	v15 =	vand.u32 $0x7E, v15;
	v13 =	vld.idx.msk [tilespmem:v21+s4+$0x0], $0xffff;
	v21 =	vor.u32 v1, v26;
	[tilespmem:s7+$0x4000] =	vst v11  }
0xf5: {  	v22 =	vor.u32 v1, v7;
	s3 =	sadd.s32 $0x100, s3;
	v11 =	vbroadcast v15, $0x0;
	[tilespmem:s14+$0x4000] =	vst v27;
	v18 =	vld.idx.msk [tilespmem:v30+s4+$0x0], $0xffff  }
0xf6: {  	s25 =	sadd.s32 $0x4, s25;
	v19 =	vor.u32 v3, v4;
	v4 =	vmov v26;
	s7 =	sadd.s32 $0x3, s13;
	[tilespmem:s3+$0x40] =	vst v29;
	v15 =	vld.idx.msk [tilespmem:v25+s4+$0x0], $0xffff  }
0xf7: {  	_ =	sdelay $0x2  }
0xf8: {  	[tilespmem:s3+$0xFFFFFFC0] =	vst v10  }
0xf9: {  	v10 =	vmov s7;
	v20 =	vld.idx.msk [tilespmem:v20+s4+$0x0], $0xffff;
	[tilespmem:s3+$0x0] =	vst v12  }
0xfa: {  	v8 =	vor.u32 v3, v8;
	[tilespmem:s0+$0x20] =	vst v16;
	v10 =	vand.u32 $0x7F, v10;
	v12 =	vld.idx.msk [tilespmem:v23+s4+$0x0], $0xffff  }
0xfb: {  	[tilespmem:s3+$0xFFFFFF80] =	vst v17;
	v17 =	vld.idx.msk [tilespmem:v21+s4+$0x0], $0xffff;
	v21 =	vor.u32 v2, v9;
	v10 =	vbroadcast v10, $0x0  }
0xfc: {  	s10 =	sor.u32 $0x70, s2;
	v16 =	vmov s13;
	[tilespmem:s0+$0xFFFFFFA0] =	vst v14  }
0xfd: {  	s13 =	sadd.s32 $0x100, s2;
	v16 =	vand.u32 $0x7C, v16;
	v14 =	vld.idx.msk [tilespmem:v19+s4+$0x0], $0xffff;
	[tilespmem:s10+$0x4000] =	vst v18;
	v18 =	vor.u32 v0, v10  }
0xfe: {  	v23 =	vor.u32 v2, v5;
	s2 =	sadd.s32 $0xFFFFFF80, s13;
	s9 =	sor.u32 $0x50, s13;
	v22 =	vld.idx.msk [tilespmem:v22+s4+$0x0], $0xffff;
	v16 =	vbroadcast v16, $0x0;
	[tilespmem:s12+$0x4000] =	vst v15  }
0xff: {  	v19 =	vor.u32 v0, v11;
	s10 =	sor.u32 $0x50, s2;
	[tilespmem:s9+$0x4000] =	vst v20;
	v8 =	vld.idx.msk [tilespmem:v8+s4+$0x0], $0xffff  }
0x100: {  	[tilespmem:s10+$0x4000] =	vst v12;
	v12 =	vor.u32 v0, v16;
	v20 =	vld.idx.msk [tilespmem:v21+s4+$0x0], $0xffff  }
0x101: {  	[tilespmem:s3+$0x10] =	vst v17;
	v17 =	vor.u32 v2, v4  }
0x102: {  	v9 =	vor.u32 v3, v9;
	[tilespmem:s0+$0x30] =	vst v14;
	v18 =	vld.idx.msk [tilespmem:v18+s4+$0x0], $0xffff  }
0x103: {  	v15 =	vor.u32 v1, v10;
	v21 =	vld.idx.msk [tilespmem:v23+s4+$0x0], $0xffff;
	[tilespmem:s3+$0xFFFFFF90] =	vst v22  }
0x104: {  	s14 =	sor.u32 $0x60, s13;
	v14 =	vld.idx.msk [tilespmem:v19+s4+$0x0], $0xffff;
	v19 =	vor.u32 v1, v6;
	[tilespmem:s0+$0xFFFFFFB0] =	vst v8  }
0x105: {  	s0 =	sadd.s32 $0x100, s3;
	v8 =	vld.idx.msk [tilespmem:v12+s4+$0x0], $0xffff;
	v12 =	vor.u32 v1, v11;
	[tilespmem:s14+$0x4000] =	vst v20  }
0x106: {  	v17 =	vld.idx.msk [tilespmem:v17+s4+$0x0], $0xffff;
	v20 =	vor.u32 v1, v16;
	[tilespmem:s0+$0xFFFFFFC0] =	vst v13  }
0x107: {  	v5 =	vor.u32 v3, v5;
	s25 =	sor.u32 $0x60, s2;
	v9 =	vld.idx.msk [tilespmem:v9+s4+$0x0], $0xffff;
	[tilespmem:s0+$0x40] =	vst v18  }
0x108: {  	[tilespmem:s25+$0x4000] =	vst v21;
	v21 =	vor.u32 v2, v7;
	v13 =	vld.idx.msk [tilespmem:v15+s4+$0x0], $0xffff  }
0x109: {  	[tilespmem:s0+$0x0] =	vst v14;
	v14 =	vor.u32 v2, v10;
	v15 =	vld.idx.msk [tilespmem:v19+s4+$0x0], $0xffff  }
0x10a: {  	[tilespmem:s0+$0xFFFFFF80] =	vst v8;
	v8 =	vld.idx.msk [tilespmem:v12+s4+$0x0], $0xffff;
	v12 =	vor.u32 v2, v6  }
0x10b: {  	s7 =	sadd.s32 $0x100, s13;
	s10 =	sor.u32 $0x70, s13;
	[tilespmem:s3+$0x20] =	vst v17;
	v17 =	vor.u32 v2, v11;
	v18 =	vld.idx.msk [tilespmem:v20+s4+$0x0], $0xffff  }
0x10c: {  	s12 =	sor.u32 $0x50, s7;
	s9 =	sadd.s32 $0xFFFFFF80, s7;
	v5 =	vld.idx.msk [tilespmem:v5+s4+$0x0], $0xffff;
	[tilespmem:s10+$0x4000] =	vst v9;
	v9 =	vor.u32 v2, v16  }
0x10d: {  	v4 =	vor.u32 v3, v4;
	s13 =	sor.u32 $0x50, s9;
	v19 =	vld.idx.msk [tilespmem:v21+s4+$0x0], $0xffff;
	[tilespmem:s12+$0x4000] =	vst v13  }
0x10e: {  	v7 =	vor.u32 v3, v7;
	[tilespmem:s13+$0x4000] =	vst v15;
	v13 =	vld.idx.msk [tilespmem:v14+s4+$0x0], $0xffff  }
0x10f: {  	v12 =	vld.idx.msk [tilespmem:v12+s4+$0x0], $0xffff;
	[tilespmem:s0+$0x10] =	vst v8;
	v8 =	vor.u32 v3, v10  }
0x110: {  	s2 =	sor.u32 $0x70, s2;
	v6 =	vor.u32 v3, v6;
	[tilespmem:s0+$0xFFFFFF90] =	vst v18;
	v10 =	vld.idx.msk [tilespmem:v17+s4+$0x0], $0xffff  }
0x111: {  	v11 =	vor.u32 v3, v11;
	[tilespmem:s2+$0x4000] =	vst v5;
	v9 =	vld.idx.msk [tilespmem:v9+s4+$0x0], $0xffff  }
0x112: {  	s14 =	sor.u32 $0x60, s7;
	v4 =	vld.idx.msk [tilespmem:v4+s4+$0x0], $0xffff;
	v5 =	vor.u32 v3, v16;
	[tilespmem:s3+$0xFFFFFFA0] =	vst v19  }
0x113: {  	s25 =	sor.u32 $0x60, s9;
	v7 =	vld.idx.msk [tilespmem:v7+s4+$0x0], $0xffff;
	[tilespmem:s14+$0x4000] =	vst v13  }
0x114: {  	[tilespmem:s25+$0x4000] =	vst v12;
	v8 =	vld.idx.msk [tilespmem:v8+s4+$0x0], $0xffff  }
0x115: {  	v6 =	vld.idx.msk [tilespmem:v6+s4+$0x0], $0xffff;
	[tilespmem:s0+$0x20] =	vst v10  }
0x116: {  	v10 =	vld.idx.msk [tilespmem:v11+s4+$0x0], $0xffff;
	[tilespmem:s0+$0xFFFFFFA0] =	vst v9  }
0x117: {  	[tilespmem:s3+$0x30] =	vst v4;
	v4 =	vld.idx.msk [tilespmem:v5+s4+$0x0], $0xffff  }
0x118: {  	[tilespmem:s3+$0xFFFFFFB0] =	vst v7;
	s3 =	sor.u32 $0x70, s7  }
0x119: {  	s7 =	sor.u32 $0x70, s9;
	[tilespmem:s3+$0x4000] =	vst v8  }
0x11a: {  	[tilespmem:s7+$0x4000] =	vst v6  }
0x11b: {  	s12 =	simm.s32 $0x0;
	s13 =	smin.u32 s31, $0x1E43;
	s9 =	sshll.u32 s31, $0xA;
	[tilespmem:s0+$0x30] =	vst v10  }
0x11c: {  	s14 =	simm.s32 $0x3;
	s10 =	sadd.s32 s5, s9;
	[tilespmem:s0+$0xFFFFFFB0] =	vst v4;
	s0 =	sshll.u32 s13, $0x7  }
0x11d: {  	[hbm4b:s10+s12] =	stream.linear.scatter [tilespmem:s19], [sflag:$0x3], $0x2000, $0x38;
	[tilespmem:$0xA000] =	vst v63  }
0x11e: {  	s25 =	simm.s32 $0x1;
	v4 =	vmov s14;
	s0 =	sadd.s32 s1, s0  }
0x11f: {  	s31 =	simm.s32 $0x2;
	v5 =	vmov s25;
	v4 =	vand.u32 $0x7F, v4;
	s0 =	sadd.s32 $0x2000, s0  }
0x120: {  	v5 =	vand.u32 $0x7D, v5;
	v11 =	vbroadcast v4, $0x0;
	[tilespmem:s12], [sflag:$0x1] =	stream.strided.gather [hbm4b:s0+s15], $0x2000, s16, s15, $0x38;
	[tilespmem:$0xA000] =	vst v63  }
0x121: {  	v13 =	vbroadcast v5, $0x0;
	v4 =	vmov s31;
	_ =	swait.ge [sflag:s20], $0x2000  }
0x122: {  	v4 =	vand.u32 $0x7E, v4;
	v6 =	vor.u32 v0, v11;
	[sflag:s20] =	ssyncset.done $0x0  }
0x123: {  	v5 =	vmov s12;
	v7 =	vor.u32 v0, v13;
	v19 =	vbroadcast v4, $0x0;
	[sflag:s20] =	ssyncadd.s32 $0xFFFFE000  }
0x124: {  	v4 =	vand.u32 $0x7C, v5;
	_ =	swait.ge [sflag:s23], $0x2000  }
0x125: {  	s2 =	simm.s32 $0x5;
	v8 =	vbroadcast v4, $0x0;
	v4 =	vor.u32 v0, v19;
	[sflag:s23] =	ssyncset.done $0x0  }
0x126: {  	v5 =	vmov s2;
	[sflag:s23] =	ssyncadd.s32 $0xFFFFE000  }
0x127: {  	v5 =	vand.u32 $0x7D, v5;
	v9 =	vor.u32 v0, v8;
	v6 =	vld.idx.msk [tilespmem:v6+s17+$0x0], $0xffff  }
0x128: {  	v10 =	vor.u32 v1, v11;
	v5 =	vbroadcast v5, $0x0;
	v7 =	vld.idx.msk [tilespmem:v7+s17+$0x0], $0xffff  }
0x129: {  	s3 =	simm.s32 $0x6;
	v14 =	vor.u32 v1, v13  }
0x12a: {  	v12 =	vmov s3;
	v16 =	vor.u32 v0, v5;
	v15 =	vld.idx.msk [tilespmem:v4+s17+$0x0], $0xffff  }
0x12b: {  	s0 =	simm.s32 $0x6080;
	v17 =	vor.u32 v1, v19;
	v4 =	vand.u32 $0x7E, v12  }
0x12c: {  	v12 =	vld.idx.msk [tilespmem:v9+s17+$0x0], $0xffff;
	v4 =	vbroadcast v4, $0x0;
	[tilespmem:s0+$0x40] =	vst v6  }
0x12d: {  	s7 =	simm.s32 $0x7;
	v18 =	vor.u32 v1, v8;
	[tilespmem:s0+$0xFFFFFFC0] =	vst v7;
	v21 =	vld.idx.msk [tilespmem:v10+s17+$0x0], $0xffff  }
0x12e: {  	s10 =	simm.s32 $0x9;
	v20 =	vor.u32 v0, v4;
	v6 =	vmov s7;
	v14 =	vld.idx.msk [tilespmem:v14+s17+$0x0], $0xffff  }
0x12f: {  	s9 =	simm.s32 $0x4;
	v22 =	vor.u32 v2, v11;
	v7 =	vmov s10;
	v6 =	vand.u32 $0x7F, v6;
	v10 =	vld.idx.msk [tilespmem:v16+s17+$0x0], $0xffff;
	[tilespmem:s0+$0x0] =	vst v15  }
0x130: {  	v15 =	vor.u32 v2, v13;
	v9 =	vbroadcast v6, $0x0;
	v6 =	vmov s9;
	v16 =	vld.idx.msk [tilespmem:v17+s17+$0x0], $0xffff  }
0x131: {  	s2 =	simm.s32 $0xC0;
	v24 =	vor.u32 v2, v19;
	v23 =	vand.u32 $0x7D, v7;
	[tilespmem:s0+$0xFFFFFF80] =	vst v12;
	v6 =	vand.u32 $0x7C, v6  }
0x132: {  	s12 =	sor.u32 $0x50, s2;
	s7 =	simm.s32 $0x40;
	v18 =	vld.idx.msk [tilespmem:v18+s17+$0x0], $0xffff;
	v17 =	vor.u32 v0, v9;
	v7 =	vbroadcast v6, $0x0;
	v6 =	vbroadcast v23, $0x0  }
0x133: {  	s13 =	sor.u32 $0x50, s7;
	v12 =	vld.idx.msk [tilespmem:v20+s17+$0x0], $0xffff;
	v20 =	vor.u32 v2, v8;
	[tilespmem:s12+$0x6000] =	vst v21  }
0x134: {  	[tilespmem:s13+$0x6000] =	vst v14;
	v23 =	vor.u32 v0, v6;
	v22 =	vld.idx.msk [tilespmem:v22+s17+$0x0], $0xffff  }
0x135: {  	v21 =	vor.u32 v0, v7;
	v15 =	vld.idx.msk [tilespmem:v15+s17+$0x0], $0xffff;
	[tilespmem:s0+$0x10] =	vst v16  }
0x136: {  	v11 =	vor.u32 v3, v11;
	v16 =	vld.idx.msk [tilespmem:v24+s17+$0x0], $0xffff  }
0x137: {  	v26 =	vor.u32 v3, v13;
	[tilespmem:s0+$0xFFFFFF90] =	vst v18;
	v25 =	vld.idx.msk [tilespmem:v17+s17+$0x0], $0xffff  }
0x138: {  	s14 =	simm.s32 $0xA;
	v14 =	vld.idx.msk [tilespmem:v20+s17+$0x0], $0xffff;
	v20 =	vor.u32 v1, v9  }
0x139: {  	s25 =	sor.u32 $0x60, s2;
	v18 =	vmov s14;
	v13 =	vld.idx.msk [tilespmem:v23+s17+$0x0], $0xffff;
	v23 =	vor.u32 v1, v5  }
0x13a: {  	s31 =	sor.u32 $0x60, s7;
	v17 =	vld.idx.msk [tilespmem:v21+s17+$0x0], $0xffff;
	v21 =	vor.u32 v1, v4;
	[tilespmem:s25+$0x6000] =	vst v22;
	v22 =	vand.u32 $0x7E, v18  }
0x13b: {  	s3 =	simm.s32 $0x6180;
	s13 =	simm.s32 $0x8;
	[tilespmem:s31+$0x6000] =	vst v15;
	v18 =	vld.idx.msk [tilespmem:v11+s17+$0x0], $0xffff;
	v11 =	vbroadcast v22, $0x0;
	v22 =	vor.u32 v1, v7  }
0x13c: {  	v19 =	vor.u32 v3, v19;
	s12 =	sor.u32 $0x70, s7;
	s7 =	simm.s32 $0xB;
	s25 =	simm.s32 $0xC;
	v15 =	vld.idx.msk [tilespmem:v26+s17+$0x0], $0xffff;
	[tilespmem:s3+$0x40] =	vst v25  }
.LBB2_9:
0x13d: {  	p2 =	slt.u32 s25, $0x7C;
	v24 =	vor.u32 v0, v11;
	v25 =	vmov s7;
	[tilespmem:s3+$0xFFFFFFC0] =	vst v10;
	v20 =	vld.idx.msk [tilespmem:v20+s17+$0x0], $0xffff;
	v26 =	vmov v11  }
0x13e: {  	v28 =	vand.u32 $0x7F, v25;
	v11 =	vld.idx.msk [tilespmem:v23+s17+$0x0], $0xffff;
	[tilespmem:s3+$0x0] =	vst v12;
	v23 =	vor.u32 v3, v8;
	v8 =	vmov v7  }
0x13f: {  	v25 =	vbroadcast v28, $0x0;
	[tilespmem:s3+$0xFFFFFF80] =	vst v17;
	v17 =	vld.idx.msk [tilespmem:v21+s17+$0x0], $0xffff;
	v21 =	vor.u32 v2, v9  }
0x140: {  	s7 =	sadd.s32 $0x1, s25;
	v27 =	vor.u32 v2, v5;
	s9 =	sor.u32 $0x70, s2;
	v7 =	vmov s13;
	s13 =	smov.u32 s25;
	v10 =	vmov v13;
	v22 =	vld.idx.msk [tilespmem:v22+s17+$0x0], $0xffff;
	[tilespmem:s0+$0x20] =	vst v16  }
0x141: {  	s2 =	sadd.s32 $0x100, s2;
	v12 =	vmov s7;
	v7 =	vand.u32 $0x7C, v7;
	v13 =	vor.u32 v0, v25;
	v19 =	vld.idx.msk [tilespmem:v19+s17+$0x0], $0xffff;
	[tilespmem:s9+$0x6000] =	vst v18  }
0x142: {  	s7 =	sadd.s32 $0xFFFFFF80, s2;
	v16 =	vand.u32 $0x7D, v12;
	v7 =	vbroadcast v7, $0x0;
	v18 =	vor.u32 v2, v4;
	s9 =	sor.u32 $0x50, s2;
	v12 =	vld.idx.msk [tilespmem:v24+s17+$0x0], $0xffff;
	[tilespmem:s0+$0xFFFFFFA0] =	vst v14  }
0x143: {  	s10 =	sor.u32 $0x50, s7;
	s14 =	sor.u32 $0x60, s7;
	s7 =	sor.u32 $0x70, s7;
	v14 =	vbroadcast v16, $0x0;
	v24 =	vor.u32 v2, v8;
	[tilespmem:s9+$0x6000] =	vst v20;
	v28 =	vld.idx.msk [tilespmem:v23+s17+$0x0], $0xffff  }
0x144: {  	v23 =	vor.u32 v0, v7;
	[tilespmem:s10+$0x6000] =	vst v11;
	v11 =	vld.idx.msk [tilespmem:v21+s17+$0x0], $0xffff  }
0x145: {  	v21 =	vor.u32 v0, v14;
	v27 =	vld.idx.msk [tilespmem:v27+s17+$0x0], $0xffff;
	[tilespmem:s3+$0x10] =	vst v17  }
0x146: {  	v30 =	vor.u32 v3, v9;
	v9 =	vmov v25;
	v29 =	vld.idx.msk [tilespmem:v13+s17+$0x0], $0xffff;
	[tilespmem:s3+$0xFFFFFF90] =	vst v22  }
0x147: {  	v25 =	vor.u32 v3, v5;
	v5 =	vmov v6;
	v6 =	vmov v14;
	v16 =	vld.idx.msk [tilespmem:v18+s17+$0x0], $0xffff;
	[tilespmem:s12+$0x6000] =	vst v15;
	s12 =	smov.u32 s7  }
.Ltmp5:
0x148: {  	v20 =	vor.u32 v1, v9;
	s7 =	sadd.s32 $0x2, s25;
	v14 =	vld.idx.msk [tilespmem:v24+s17+$0x0], $0xffff;
	[tilespmem:s0+$0x30] =	vst v19;
	(pc) =	sbr.rel @p2 .LBB2_9-.Ltmp5, $4  }
0x149: {  	v15 =	vmov s7;
	s7 =	sor.u32 $0x60, s2;
	v17 =	vld.idx.msk [tilespmem:v23+s17+$0x0], $0xffff;
	v23 =	vor.u32 v1, v5;
	[tilespmem:s0+$0xFFFFFFB0] =	vst v28;
	s0 =	smov.u32 s3  }
0x14a: {  	v15 =	vand.u32 $0x7E, v15;
	v13 =	vld.idx.msk [tilespmem:v21+s17+$0x0], $0xffff;
	v21 =	vor.u32 v1, v26;
	[tilespmem:s7+$0x6000] =	vst v11  }
0x14b: {  	v22 =	vor.u32 v1, v7;
	s3 =	sadd.s32 $0x100, s3;
	v11 =	vbroadcast v15, $0x0;
	[tilespmem:s14+$0x6000] =	vst v27;
	v18 =	vld.idx.msk [tilespmem:v30+s17+$0x0], $0xffff  }
0x14c: {  	s25 =	sadd.s32 $0x4, s25;
	v19 =	vor.u32 v3, v4;
	v4 =	vmov v26;
	s7 =	sadd.s32 $0x3, s13;
	[tilespmem:s3+$0x40] =	vst v29;
	v15 =	vld.idx.msk [tilespmem:v25+s17+$0x0], $0xffff  }
0x14d: {  	_ =	sdelay $0x1  }
0x14e: {  	[tilespmem:s3+$0xFFFFFFC0] =	vst v10  }
0x14f: {  	[tilespmem:s3+$0x0] =	vst v12  }
0x150: {  	v20 =	vld.idx.msk [tilespmem:v20+s17+$0x0], $0xffff;
	v8 =	vor.u32 v3, v8;
	[tilespmem:s0+$0x20] =	vst v16  }
0x151: {  	v30 =	vmov s7;
	v33 =	vor.u32 v2, v9;
	[tilespmem:s0+$0xFFFFFFA0] =	vst v14;
	v31 =	vld.idx.msk [tilespmem:v23+s17+$0x0], $0xffff  }
0x152: {  	s25 =	sor.u32 $0x70, s2;
	v34 =	vmov s13;
	v10 =	vand.u32 $0x7F, v30;
	[tilespmem:s3+$0xFFFFFF80] =	vst v17;
	v32 =	vld.idx.msk [tilespmem:v21+s17+$0x0], $0xffff  }
0x153: {  	s31 =	sadd.s32 $0x100, s2;
	v38 =	vor.u32 v0, v11;
	v16 =	vand.u32 $0x7C, v34;
	v37 =	vld.idx.msk [tilespmem:v19+s17+$0x0], $0xffff;
	v10 =	vbroadcast v10, $0x0;
	[tilespmem:s25+$0x6000] =	vst v18  }
0x154: {  	v35 =	vor.u32 v2, v5;
	s2 =	sadd.s32 $0xFFFFFF80, s31;
	s9 =	sor.u32 $0x50, s31;
	v22 =	vld.idx.msk [tilespmem:v22+s17+$0x0], $0xffff;
	v16 =	vbroadcast v16, $0x0;
	[tilespmem:s12+$0x6000] =	vst v15  }
0x155: {  	s10 =	sor.u32 $0x50, s2;
	v36 =	vor.u32 v0, v10;
	[tilespmem:s9+$0x6000] =	vst v20;
	v8 =	vld.idx.msk [tilespmem:v8+s17+$0x0], $0xffff  }
0x156: {  	v39 =	vor.u32 v0, v16;
	[tilespmem:s10+$0x6000] =	vst v31;
	v20 =	vld.idx.msk [tilespmem:v33+s17+$0x0], $0xffff  }
0x157: {  	v40 =	vor.u32 v2, v4;
	[tilespmem:s3+$0x10] =	vst v32  }
0x158: {  	v49 =	vor.u32 v2, v7;
	v44 =	vld.idx.msk [tilespmem:v38+s17+$0x0], $0xffff;
	[tilespmem:s0+$0x30] =	vst v37  }
0x159: {  	v45 =	vor.u32 v1, v6;
	v41 =	vld.idx.msk [tilespmem:v35+s17+$0x0], $0xffff;
	[tilespmem:s3+$0xFFFFFF90] =	vst v22  }
0x15a: {  	v47 =	vor.u32 v1, v11;
	s12 =	sor.u32 $0x60, s31;
	v18 =	vld.idx.msk [tilespmem:v36+s17+$0x0], $0xffff;
	[tilespmem:s0+$0xFFFFFFB0] =	vst v8  }
0x15b: {  	v43 =	vor.u32 v1, v10;
	v46 =	vld.idx.msk [tilespmem:v39+s17+$0x0], $0xffff;
	s0 =	sadd.s32 $0x100, s3;
	[tilespmem:s12+$0x6000] =	vst v20  }
0x15c: {  	v48 =	vor.u32 v1, v16;
	v17 =	vld.idx.msk [tilespmem:v40+s17+$0x0], $0xffff;
	[tilespmem:s0+$0xFFFFFFC0] =	vst v13  }
0x15d: {  	v42 =	vor.u32 v3, v9;
	s13 =	sor.u32 $0x60, s2;
	v57 =	vld.idx.msk [tilespmem:v49+s17+$0x0], $0xffff;
	[tilespmem:s0+$0x0] =	vst v44  }
0x15e: {  	v5 =	vor.u32 v3, v5;
	[tilespmem:s13+$0x6000] =	vst v41;
	v51 =	vld.idx.msk [tilespmem:v45+s17+$0x0], $0xffff  }
0x15f: {  	v54 =	vor.u32 v2, v6;
	v53 =	vld.idx.msk [tilespmem:v47+s17+$0x0], $0xffff;
	[tilespmem:s0+$0x40] =	vst v18  }
0x160: {  	v56 =	vor.u32 v2, v11;
	s7 =	sadd.s32 $0x100, s31;
	[tilespmem:s0+$0xFFFFFF80] =	vst v46;
	v50 =	vld.idx.msk [tilespmem:v43+s17+$0x0], $0xffff  }
0x161: {  	v52 =	vor.u32 v2, v10;
	s9 =	sadd.s32 $0xFFFFFF80, s7;
	[tilespmem:s3+$0x20] =	vst v17;
	v55 =	vld.idx.msk [tilespmem:v48+s17+$0x0], $0xffff  }
0x162: {  	s14 =	sor.u32 $0x70, s31;
	v58 =	vor.u32 v2, v16;
	s31 =	sor.u32 $0x50, s9;
	v9 =	vld.idx.msk [tilespmem:v42+s17+$0x0], $0xffff;
	[tilespmem:s3+$0xFFFFFFA0] =	vst v57  }
0x163: {  	v4 =	vor.u32 v3, v4;
	v5 =	vld.idx.msk [tilespmem:v5+s17+$0x0], $0xffff;
	[tilespmem:s31+$0x6000] =	vst v51  }
0x164: {  	v59 =	vor.u32 v3, v7;
	s25 =	sor.u32 $0x50, s7;
	[tilespmem:s0+$0x10] =	vst v53;
	v12 =	vld.idx.msk [tilespmem:v54+s17+$0x0], $0xffff  }
0x165: {  	v61 =	vor.u32 v3, v6;
	v62 =	vld.idx.msk [tilespmem:v56+s17+$0x0], $0xffff;
	[tilespmem:s25+$0x6000] =	vst v50  }
0x166: {  	v63 =	vor.u32 v3, v11;
	[tilespmem:s0+$0xFFFFFF90] =	vst v55;
	v13 =	vld.idx.msk [tilespmem:v52+s17+$0x0], $0xffff  }
0x167: {  	s2 =	sor.u32 $0x70, s2;
	v60 =	vor.u32 v3, v10;
	[tilespmem:s14+$0x6000] =	vst v9;
	v9 =	vld.idx.msk [tilespmem:v58+s17+$0x0], $0xffff  }
0x168: {  	s13 =	sor.u32 $0x60, s9;
	v4 =	vld.idx.msk [tilespmem:v4+s17+$0x0], $0xffff;
	[tilespmem:s2+$0x6000] =	vst v5;
	v5 =	vor.u32 v3, v16  }
0x169: {  	v7 =	vld.idx.msk [tilespmem:v59+s17+$0x0], $0xffff;
	[tilespmem:s13+$0x6000] =	vst v12  }
0x16a: {  	s12 =	sor.u32 $0x60, s7;
	[tilespmem:s0+$0x20] =	vst v62;
	v6 =	vld.idx.msk [tilespmem:v61+s17+$0x0], $0xffff  }
0x16b: {  	v10 =	vld.idx.msk [tilespmem:v63+s17+$0x0], $0xffff;
	[tilespmem:s12+$0x6000] =	vst v13  }
0x16c: {  	[tilespmem:s0+$0xFFFFFFA0] =	vst v9;
	v8 =	vld.idx.msk [tilespmem:v60+s17+$0x0], $0xffff  }
0x16d: {  	s29 =	sadd.s32 $0x1, s29;
	[tilespmem:s3+$0x30] =	vst v4;
	v4 =	vld.idx.msk [tilespmem:v5+s17+$0x0], $0xffff  }
0x16e: {  	p2 =	sne.s32 s29, $0x79;
	[tilespmem:s3+$0xFFFFFFB0] =	vst v7;
	s25 =	sor.u32 $0x70, s9  }
.Ltmp6:
0x16f: {  	[tilespmem:s25+$0x6000] =	vst v6;
	(pc) =	sbr.rel @p2 .LBB2_6-.Ltmp6, $4  }
0x170: {  	s30 =	sshll.u32 s30, $0xA;
	s14 =	sor.u32 $0x70, s7;
	[tilespmem:s0+$0x30] =	vst v10  }
0x171: {  	s2 =	sand.u32 $0x1FFFFC00, s30;
	[tilespmem:s14+$0x6000] =	vst v8  }
0x172: {  	s31 =	sadd.s32 s5, s2;
	[tilespmem:s0+$0xFFFFFFB0] =	vst v4  }
0x173: {  	[hbm4b:s31+s4] =	stream.linear.scatter [tilespmem:s21], [sflag:$0x4], $0x2000, $0x38;
	[tilespmem:$0xA000] =	vst v63  }
.Ltmp7:
0x174: {  	(pc) =	sbr.rel @p0 .LBB2_15-.Ltmp7, $4  }
0x175: {  	_ = 	snop  }
0x176: {  	_ =	swait.ge [sflag:s18], $0x2000  }
0x177: {  	[sflag:s18] =	ssyncset.done $0x0  }
0x178: {  	[sflag:s18] =	ssyncadd.s32 $0xFFFFE000  }
0x179: {  	s0 =	simm.s32 $0x3  }
0x17a: {  	s2 =	simm.s32 $0x1;
	v4 =	vmov s0  }
0x17b: {  	v5 =	vmov s2;
	v4 =	vand.u32 $0x7F, v4  }
0x17c: {  	s10 =	simm.s32 $0x2;
	v5 =	vand.u32 $0x7D, v5;
	v11 =	vbroadcast v4, $0x0  }
0x17d: {  	s12 =	simm.s32 $0x0;
	v13 =	vbroadcast v5, $0x0;
	v4 =	vmov s10  }
0x17e: {  	v5 =	vmov s12;
	v4 =	vand.u32 $0x7E, v4;
	v6 =	vor.u32 v0, v11  }
0x17f: {  	v7 =	vor.u32 v0, v13;
	v19 =	vbroadcast v4, $0x0;
	v4 =	vand.u32 $0x7C, v5  }
0x180: {  	_ =	swait.ge [sflag:s22], $0x2000;
	v8 =	vbroadcast v4, $0x0  }
0x181: {  	s13 =	simm.s32 $0x5;
	[sflag:s22] =	ssyncset.done $0x0;
	v4 =	vor.u32 v0, v19  }
0x182: {  	[sflag:s22] =	ssyncadd.s32 $0xFFFFE000;
	v5 =	vmov s13;
	v9 =	vor.u32 v0, v8  }
0x183: {  	v5 =	vand.u32 $0x7D, v5;
	v6 =	vld.idx.msk [tilespmem:v6+s4+$0x0], $0xffff  }
0x184: {  	s14 =	simm.s32 $0x6;
	v10 =	vor.u32 v1, v11;
	v5 =	vbroadcast v5, $0x0;
	v7 =	vld.idx.msk [tilespmem:v7+s4+$0x0], $0xffff  }
0x185: {  	v12 =	vmov s14;
	v14 =	vor.u32 v1, v13  }
0x186: {  	v16 =	vor.u32 v0, v5;
	v15 =	vld.idx.msk [tilespmem:v4+s4+$0x0], $0xffff;
	v4 =	vand.u32 $0x7E, v12  }
0x187: {  	s25 =	simm.s32 $0x7;
	s0 =	simm.s32 $0x4080;
	v17 =	vor.u32 v1, v19;
	v12 =	vld.idx.msk [tilespmem:v9+s4+$0x0], $0xffff;
	v4 =	vbroadcast v4, $0x0  }
0x188: {  	v18 =	vor.u32 v1, v8;
	[tilespmem:s0+$0x40] =	vst v6;
	v6 =	vmov s25  }
0x189: {  	v20 =	vor.u32 v0, v4;
	[tilespmem:s0+$0xFFFFFFC0] =	vst v7;
	v21 =	vld.idx.msk [tilespmem:v10+s4+$0x0], $0xffff;
	v6 =	vand.u32 $0x7F, v6  }
0x18a: {  	s28 =	simm.s32 $0x4;
	s3 =	simm.s32 $0x9;
	v22 =	vor.u32 v2, v11;
	v14 =	vld.idx.msk [tilespmem:v14+s4+$0x0], $0xffff;
	v9 =	vbroadcast v6, $0x0  }
0x18b: {  	v7 =	vmov s3;
	v10 =	vld.idx.msk [tilespmem:v16+s4+$0x0], $0xffff;
	[tilespmem:s0+$0x0] =	vst v15;
	v6 =	vmov s28;
	v15 =	vor.u32 v2, v13  }
0x18c: {  	s2 =	simm.s32 $0xC0;
	v23 =	vand.u32 $0x7D, v7;
	[tilespmem:s0+$0xFFFFFF80] =	vst v12;
	v16 =	vld.idx.msk [tilespmem:v17+s4+$0x0], $0xffff;
	v6 =	vand.u32 $0x7C, v6;
	v17 =	vor.u32 v0, v9  }
0x18d: {  	s7 =	simm.s32 $0x40;
	s29 =	sor.u32 $0x50, s2;
	v24 =	vor.u32 v2, v19;
	v18 =	vld.idx.msk [tilespmem:v18+s4+$0x0], $0xffff;
	v7 =	vbroadcast v6, $0x0;
	v6 =	vbroadcast v23, $0x0  }
0x18e: {  	s9 =	sor.u32 $0x50, s7;
	v12 =	vld.idx.msk [tilespmem:v20+s4+$0x0], $0xffff;
	v20 =	vor.u32 v2, v8;
	[tilespmem:s29+$0x4000] =	vst v21  }
0x18f: {  	[tilespmem:s9+$0x4000] =	vst v14;
	v23 =	vor.u32 v0, v6;
	v22 =	vld.idx.msk [tilespmem:v22+s4+$0x0], $0xffff  }
0x190: {  	v21 =	vor.u32 v0, v7;
	v15 =	vld.idx.msk [tilespmem:v15+s4+$0x0], $0xffff  }
0x191: {  	v11 =	vor.u32 v3, v11;
	[tilespmem:s0+$0x10] =	vst v16;
	v25 =	vld.idx.msk [tilespmem:v17+s4+$0x0], $0xffff  }
0x192: {  	v26 =	vor.u32 v3, v13;
	[tilespmem:s0+$0xFFFFFF90] =	vst v18;
	v16 =	vld.idx.msk [tilespmem:v24+s4+$0x0], $0xffff  }
0x193: {  	s30 =	simm.s32 $0xA;
	v14 =	vld.idx.msk [tilespmem:v20+s4+$0x0], $0xffff;
	v20 =	vor.u32 v1, v9  }
0x194: {  	s31 =	sor.u32 $0x60, s2;
	v18 =	vmov s30;
	v13 =	vld.idx.msk [tilespmem:v23+s4+$0x0], $0xffff;
	v23 =	vor.u32 v1, v5  }
0x195: {  	s10 =	sor.u32 $0x60, s7;
	v17 =	vld.idx.msk [tilespmem:v21+s4+$0x0], $0xffff;
	v21 =	vor.u32 v1, v4;
	[tilespmem:s31+$0x4000] =	vst v22;
	v22 =	vand.u32 $0x7E, v18  }
0x196: {  	s12 =	sor.u32 $0x70, s7;
	s3 =	simm.s32 $0x4180;
	[tilespmem:s10+$0x4000] =	vst v15;
	v18 =	vld.idx.msk [tilespmem:v11+s4+$0x0], $0xffff;
	v11 =	vbroadcast v22, $0x0;
	v22 =	vor.u32 v1, v7  }
0x197: {  	s7 =	simm.s32 $0xB;
	s13 =	simm.s32 $0x8;
	v19 =	vor.u32 v3, v19;
	s25 =	simm.s32 $0xC;
	v15 =	vld.idx.msk [tilespmem:v26+s4+$0x0], $0xffff;
	[tilespmem:s3+$0x40] =	vst v25  }
.LBB2_13:
0x198: {  	p2 =	slt.u32 s25, $0x7C;
	v24 =	vor.u32 v0, v11;
	v25 =	vmov s7;
	[tilespmem:s3+$0xFFFFFFC0] =	vst v10;
	v20 =	vld.idx.msk [tilespmem:v20+s4+$0x0], $0xffff;
	v26 =	vmov v11  }
0x199: {  	v28 =	vand.u32 $0x7F, v25;
	v11 =	vld.idx.msk [tilespmem:v23+s4+$0x0], $0xffff;
	[tilespmem:s3+$0x0] =	vst v12;
	v23 =	vor.u32 v3, v8;
	v8 =	vmov v7  }
0x19a: {  	v25 =	vbroadcast v28, $0x0;
	[tilespmem:s3+$0xFFFFFF80] =	vst v17;
	v17 =	vld.idx.msk [tilespmem:v21+s4+$0x0], $0xffff;
	v21 =	vor.u32 v2, v9  }
0x19b: {  	s7 =	sadd.s32 $0x1, s25;
	v27 =	vor.u32 v2, v5;
	s9 =	sor.u32 $0x70, s2;
	v7 =	vmov s13;
	s13 =	smov.u32 s25;
	v10 =	vmov v13;
	v22 =	vld.idx.msk [tilespmem:v22+s4+$0x0], $0xffff;
	[tilespmem:s0+$0x20] =	vst v16  }
0x19c: {  	s2 =	sadd.s32 $0x100, s2;
	v12 =	vmov s7;
	v7 =	vand.u32 $0x7C, v7;
	v13 =	vor.u32 v0, v25;
	v19 =	vld.idx.msk [tilespmem:v19+s4+$0x0], $0xffff;
	[tilespmem:s9+$0x4000] =	vst v18  }
0x19d: {  	s7 =	sadd.s32 $0xFFFFFF80, s2;
	v16 =	vand.u32 $0x7D, v12;
	v7 =	vbroadcast v7, $0x0;
	v18 =	vor.u32 v2, v4;
	s9 =	sor.u32 $0x50, s2;
	v12 =	vld.idx.msk [tilespmem:v24+s4+$0x0], $0xffff;
	[tilespmem:s0+$0xFFFFFFA0] =	vst v14  }
0x19e: {  	s10 =	sor.u32 $0x50, s7;
	s14 =	sor.u32 $0x60, s7;
	s7 =	sor.u32 $0x70, s7;
	v14 =	vbroadcast v16, $0x0;
	v24 =	vor.u32 v2, v8;
	[tilespmem:s9+$0x4000] =	vst v20;
	v28 =	vld.idx.msk [tilespmem:v23+s4+$0x0], $0xffff  }
0x19f: {  	v23 =	vor.u32 v0, v7;
	[tilespmem:s10+$0x4000] =	vst v11;
	v11 =	vld.idx.msk [tilespmem:v21+s4+$0x0], $0xffff  }
0x1a0: {  	v21 =	vor.u32 v0, v14;
	v27 =	vld.idx.msk [tilespmem:v27+s4+$0x0], $0xffff;
	[tilespmem:s3+$0x10] =	vst v17  }
0x1a1: {  	v30 =	vor.u32 v3, v9;
	v9 =	vmov v25;
	v29 =	vld.idx.msk [tilespmem:v13+s4+$0x0], $0xffff;
	[tilespmem:s3+$0xFFFFFF90] =	vst v22  }
0x1a2: {  	v25 =	vor.u32 v3, v5;
	v5 =	vmov v6;
	v6 =	vmov v14;
	v16 =	vld.idx.msk [tilespmem:v18+s4+$0x0], $0xffff;
	[tilespmem:s12+$0x4000] =	vst v15;
	s12 =	smov.u32 s7  }
.Ltmp8:
0x1a3: {  	v20 =	vor.u32 v1, v9;
	s7 =	sadd.s32 $0x2, s25;
	v14 =	vld.idx.msk [tilespmem:v24+s4+$0x0], $0xffff;
	[tilespmem:s0+$0x30] =	vst v19;
	(pc) =	sbr.rel @p2 .LBB2_13-.Ltmp8, $4  }
0x1a4: {  	v15 =	vmov s7;
	s7 =	sor.u32 $0x60, s2;
	v17 =	vld.idx.msk [tilespmem:v23+s4+$0x0], $0xffff;
	v23 =	vor.u32 v1, v5;
	[tilespmem:s0+$0xFFFFFFB0] =	vst v28;
	s0 =	smov.u32 s3  }
0x1a5: {  	v15 =	vand.u32 $0x7E, v15;
	v13 =	vld.idx.msk [tilespmem:v21+s4+$0x0], $0xffff;
	v21 =	vor.u32 v1, v26;
	[tilespmem:s7+$0x4000] =	vst v11  }
0x1a6: {  	v22 =	vor.u32 v1, v7;
	s3 =	sadd.s32 $0x100, s3;
	v11 =	vbroadcast v15, $0x0;
	[tilespmem:s14+$0x4000] =	vst v27;
	v18 =	vld.idx.msk [tilespmem:v30+s4+$0x0], $0xffff  }
0x1a7: {  	s25 =	sadd.s32 $0x4, s25;
	v19 =	vor.u32 v3, v4;
	v4 =	vmov v26;
	s7 =	sadd.s32 $0x3, s13;
	[tilespmem:s3+$0x40] =	vst v29;
	v15 =	vld.idx.msk [tilespmem:v25+s4+$0x0], $0xffff  }
0x1a8: {  	_ =	sdelay $0x1  }
0x1a9: {  	[tilespmem:s3+$0xFFFFFFC0] =	vst v10  }
0x1aa: {  	[tilespmem:s3+$0x0] =	vst v12  }
0x1ab: {  	v20 =	vld.idx.msk [tilespmem:v20+s4+$0x0], $0xffff;
	v8 =	vor.u32 v3, v8;
	[tilespmem:s0+$0x20] =	vst v16  }
0x1ac: {  	v30 =	vmov s7;
	v33 =	vor.u32 v2, v9;
	[tilespmem:s0+$0xFFFFFFA0] =	vst v14;
	v31 =	vld.idx.msk [tilespmem:v23+s4+$0x0], $0xffff  }
0x1ad: {  	s29 =	sor.u32 $0x70, s2;
	v34 =	vmov s13;
	v10 =	vand.u32 $0x7F, v30;
	[tilespmem:s3+$0xFFFFFF80] =	vst v17;
	v32 =	vld.idx.msk [tilespmem:v21+s4+$0x0], $0xffff  }
0x1ae: {  	s30 =	sadd.s32 $0x100, s2;
	v38 =	vor.u32 v0, v11;
	v16 =	vand.u32 $0x7C, v34;
	v37 =	vld.idx.msk [tilespmem:v19+s4+$0x0], $0xffff;
	v10 =	vbroadcast v10, $0x0;
	[tilespmem:s29+$0x4000] =	vst v18  }
0x1af: {  	v35 =	vor.u32 v2, v5;
	s2 =	sadd.s32 $0xFFFFFF80, s30;
	s9 =	sor.u32 $0x50, s30;
	v22 =	vld.idx.msk [tilespmem:v22+s4+$0x0], $0xffff;
	v16 =	vbroadcast v16, $0x0;
	[tilespmem:s12+$0x4000] =	vst v15  }
0x1b0: {  	s10 =	sor.u32 $0x50, s2;
	v36 =	vor.u32 v0, v10;
	[tilespmem:s9+$0x4000] =	vst v20;
	v8 =	vld.idx.msk [tilespmem:v8+s4+$0x0], $0xffff  }
0x1b1: {  	v39 =	vor.u32 v0, v16;
	[tilespmem:s10+$0x4000] =	vst v31;
	v20 =	vld.idx.msk [tilespmem:v33+s4+$0x0], $0xffff  }
0x1b2: {  	v40 =	vor.u32 v2, v4;
	[tilespmem:s3+$0x10] =	vst v32  }
0x1b3: {  	v49 =	vor.u32 v2, v7;
	v44 =	vld.idx.msk [tilespmem:v38+s4+$0x0], $0xffff;
	[tilespmem:s0+$0x30] =	vst v37  }
0x1b4: {  	v45 =	vor.u32 v1, v6;
	v41 =	vld.idx.msk [tilespmem:v35+s4+$0x0], $0xffff;
	[tilespmem:s3+$0xFFFFFF90] =	vst v22  }
0x1b5: {  	v47 =	vor.u32 v1, v11;
	s31 =	sor.u32 $0x60, s30;
	v18 =	vld.idx.msk [tilespmem:v36+s4+$0x0], $0xffff;
	[tilespmem:s0+$0xFFFFFFB0] =	vst v8  }
0x1b6: {  	v43 =	vor.u32 v1, v10;
	v46 =	vld.idx.msk [tilespmem:v39+s4+$0x0], $0xffff;
	s0 =	sadd.s32 $0x100, s3;
	[tilespmem:s31+$0x4000] =	vst v20  }
0x1b7: {  	v48 =	vor.u32 v1, v16;
	v17 =	vld.idx.msk [tilespmem:v40+s4+$0x0], $0xffff;
	[tilespmem:s0+$0xFFFFFFC0] =	vst v13  }
0x1b8: {  	v42 =	vor.u32 v3, v9;
	s10 =	sor.u32 $0x60, s2;
	v57 =	vld.idx.msk [tilespmem:v49+s4+$0x0], $0xffff;
	[tilespmem:s0+$0x0] =	vst v44  }
0x1b9: {  	v5 =	vor.u32 v3, v5;
	[tilespmem:s10+$0x4000] =	vst v41;
	v51 =	vld.idx.msk [tilespmem:v45+s4+$0x0], $0xffff  }
0x1ba: {  	v54 =	vor.u32 v2, v6;
	v53 =	vld.idx.msk [tilespmem:v47+s4+$0x0], $0xffff;
	[tilespmem:s0+$0x40] =	vst v18  }
0x1bb: {  	v56 =	vor.u32 v2, v11;
	s7 =	sadd.s32 $0x100, s30;
	[tilespmem:s0+$0xFFFFFF80] =	vst v46;
	v50 =	vld.idx.msk [tilespmem:v43+s4+$0x0], $0xffff  }
0x1bc: {  	s13 =	sadd.s32 $0xFFFFFF80, s7;
	v52 =	vor.u32 v2, v10;
	[tilespmem:s3+$0x20] =	vst v17;
	v55 =	vld.idx.msk [tilespmem:v48+s4+$0x0], $0xffff  }
0x1bd: {  	s25 =	sor.u32 $0x50, s13;
	v58 =	vor.u32 v2, v16;
	v9 =	vld.idx.msk [tilespmem:v42+s4+$0x0], $0xffff;
	[tilespmem:s3+$0xFFFFFFA0] =	vst v57  }
0x1be: {  	v4 =	vor.u32 v3, v4;
	v5 =	vld.idx.msk [tilespmem:v5+s4+$0x0], $0xffff;
	[tilespmem:s25+$0x4000] =	vst v51  }
0x1bf: {  	v59 =	vor.u32 v3, v7;
	s14 =	sor.u32 $0x50, s7;
	[tilespmem:s0+$0x10] =	vst v53;
	v12 =	vld.idx.msk [tilespmem:v54+s4+$0x0], $0xffff  }
0x1c0: {  	v61 =	vor.u32 v3, v6;
	v62 =	vld.idx.msk [tilespmem:v56+s4+$0x0], $0xffff;
	[tilespmem:s14+$0x4000] =	vst v50  }
0x1c1: {  	v63 =	vor.u32 v3, v11;
	s12 =	sor.u32 $0x70, s30;
	[tilespmem:s0+$0xFFFFFF90] =	vst v55;
	v13 =	vld.idx.msk [tilespmem:v52+s4+$0x0], $0xffff  }
0x1c2: {  	v60 =	vor.u32 v3, v10;
	s2 =	sor.u32 $0x70, s2;
	[tilespmem:s12+$0x4000] =	vst v9;
	v9 =	vld.idx.msk [tilespmem:v58+s4+$0x0], $0xffff  }
0x1c3: {  	s29 =	sor.u32 $0x60, s13;
	v4 =	vld.idx.msk [tilespmem:v4+s4+$0x0], $0xffff;
	[tilespmem:s2+$0x4000] =	vst v5;
	v5 =	vor.u32 v3, v16  }
0x1c4: {  	v7 =	vld.idx.msk [tilespmem:v59+s4+$0x0], $0xffff;
	[tilespmem:s29+$0x4000] =	vst v12  }
0x1c5: {  	s28 =	sor.u32 $0x60, s7;
	[tilespmem:s0+$0x20] =	vst v62;
	v6 =	vld.idx.msk [tilespmem:v61+s4+$0x0], $0xffff  }
0x1c6: {  	v10 =	vld.idx.msk [tilespmem:v63+s4+$0x0], $0xffff;
	[tilespmem:s28+$0x4000] =	vst v13  }
0x1c7: {  	[tilespmem:s0+$0xFFFFFFA0] =	vst v9;
	v8 =	vld.idx.msk [tilespmem:v60+s4+$0x0], $0xffff  }
0x1c8: {  	[tilespmem:s3+$0x30] =	vst v4;
	v4 =	vld.idx.msk [tilespmem:v5+s4+$0x0], $0xffff  }
0x1c9: {  	s31 =	sor.u32 $0x70, s13;
	[tilespmem:s3+$0xFFFFFFB0] =	vst v7  }
0x1ca: {  	[tilespmem:s31+$0x4000] =	vst v6  }
0x1cb: {  	s30 =	sor.u32 $0x70, s7;
	[tilespmem:s0+$0x30] =	vst v10  }
0x1cc: {  	[tilespmem:s30+$0x4000] =	vst v8  }
0x1cd: {  	[tilespmem:s0+$0xFFFFFFB0] =	vst v4  }
0x1ce: {  	s0 =	rddreg [dreg:$0x7]  }
0x1cf: {  	[hbm4b:s0+s4] =	stream.linear.scatter [tilespmem:s19], [sflag:$0x3], $0x2000, $0x38;
	[tilespmem:$0xA000] =	vst v63  }
.LBB2_15:
.Ltmp9:
0x1d0: {  	(pc) =	sbr.rel @p1 .LBB2_19-.Ltmp9, $1  }
0x1d1: {  	_ =	sdelay $0x3  }
0x1d2: {  	s0 =	simm.s32 $0x3  }
0x1d3: {  	s2 =	simm.s32 $0x0;
	s3 =	simm.s32 $0x1;
	v4 =	vmov s0  }
0x1d4: {  	s7 =	rddreg [dreg:$0x1];
	s9 =	simm.s32 $0x2;
	s10 =	simm.s32 $0x5;
	v5 =	vmov s3;
	v4 =	vand.u32 $0x7F, v4  }
0x1d5: {  	[tilespmem:s24], [sflag:$0x5] =	stream.linear.gather [hbm4b:s7+s2], $0x2000, $0x38;
	v5 =	vand.u32 $0x7D, v5;
	v11 =	vbroadcast v4, $0x0;
	[tilespmem:$0xA000] =	vst v63  }
0x1d6: {  	_ =	swait.ge [sflag:s10], $0x2000;
	v13 =	vbroadcast v5, $0x0;
	v4 =	vmov s9  }
0x1d7: {  	[sflag:s10] =	ssyncset.done $0x0;
	v5 =	vmov s2;
	v4 =	vand.u32 $0x7E, v4;
	v6 =	vor.u32 v0, v11  }
0x1d8: {  	[sflag:s10] =	ssyncadd.s32 $0xFFFFE000;
	v7 =	vor.u32 v0, v13;
	v19 =	vbroadcast v4, $0x0;
	v4 =	vand.u32 $0x7C, v5  }
0x1d9: {  	_ =	swait.ge [sflag:s23], $0x2000;
	v8 =	vbroadcast v4, $0x0  }
0x1da: {  	s12 =	simm.s32 $0x5;
	[sflag:s23] =	ssyncset.done $0x0;
	v4 =	vor.u32 v0, v19  }
0x1db: {  	v5 =	vmov s12;
	[sflag:s23] =	ssyncadd.s32 $0xFFFFE000;
	v9 =	vor.u32 v0, v8  }
0x1dc: {  	v5 =	vand.u32 $0x7D, v5;
	v6 =	vld.idx.msk [tilespmem:v6+s24+$0x0], $0xffff  }
0x1dd: {  	s13 =	simm.s32 $0x6;
	v10 =	vor.u32 v1, v11;
	v5 =	vbroadcast v5, $0x0;
	v7 =	vld.idx.msk [tilespmem:v7+s24+$0x0], $0xffff  }
0x1de: {  	v12 =	vmov s13;
	v14 =	vor.u32 v1, v13  }
0x1df: {  	v16 =	vor.u32 v0, v5;
	v15 =	vld.idx.msk [tilespmem:v4+s24+$0x0], $0xffff;
	v4 =	vand.u32 $0x7E, v12  }
0x1e0: {  	s14 =	simm.s32 $0x7;
	s0 =	simm.s32 $0x6080;
	v17 =	vor.u32 v1, v19;
	v12 =	vld.idx.msk [tilespmem:v9+s24+$0x0], $0xffff;
	v4 =	vbroadcast v4, $0x0  }
0x1e1: {  	v18 =	vor.u32 v1, v8;
	[tilespmem:s0+$0x40] =	vst v6;
	v6 =	vmov s14  }
0x1e2: {  	v20 =	vor.u32 v0, v4;
	[tilespmem:s0+$0xFFFFFFC0] =	vst v7;
	v21 =	vld.idx.msk [tilespmem:v10+s24+$0x0], $0xffff;
	v6 =	vand.u32 $0x7F, v6  }
0x1e3: {  	s25 =	simm.s32 $0x4;
	s28 =	simm.s32 $0x9;
	v22 =	vor.u32 v2, v11;
	v14 =	vld.idx.msk [tilespmem:v14+s24+$0x0], $0xffff;
	v9 =	vbroadcast v6, $0x0  }
0x1e4: {  	v7 =	vmov s28;
	v10 =	vld.idx.msk [tilespmem:v16+s24+$0x0], $0xffff;
	[tilespmem:s0+$0x0] =	vst v15;
	v6 =	vmov s25;
	v15 =	vor.u32 v2, v13  }
0x1e5: {  	s2 =	simm.s32 $0xC0;
	v23 =	vand.u32 $0x7D, v7;
	[tilespmem:s0+$0xFFFFFF80] =	vst v12;
	v16 =	vld.idx.msk [tilespmem:v17+s24+$0x0], $0xffff;
	v6 =	vand.u32 $0x7C, v6;
	v17 =	vor.u32 v0, v9  }
0x1e6: {  	s7 =	simm.s32 $0x40;
	s29 =	sor.u32 $0x50, s2;
	v24 =	vor.u32 v2, v19;
	v18 =	vld.idx.msk [tilespmem:v18+s24+$0x0], $0xffff;
	v7 =	vbroadcast v6, $0x0;
	v6 =	vbroadcast v23, $0x0  }
0x1e7: {  	s9 =	sor.u32 $0x50, s7;
	v12 =	vld.idx.msk [tilespmem:v20+s24+$0x0], $0xffff;
	v20 =	vor.u32 v2, v8;
	[tilespmem:s29+$0x6000] =	vst v21  }
0x1e8: {  	[tilespmem:s9+$0x6000] =	vst v14;
	v23 =	vor.u32 v0, v6;
	v22 =	vld.idx.msk [tilespmem:v22+s24+$0x0], $0xffff  }
0x1e9: {  	v21 =	vor.u32 v0, v7;
	v15 =	vld.idx.msk [tilespmem:v15+s24+$0x0], $0xffff  }
0x1ea: {  	v11 =	vor.u32 v3, v11;
	[tilespmem:s0+$0x10] =	vst v16;
	v25 =	vld.idx.msk [tilespmem:v17+s24+$0x0], $0xffff  }
0x1eb: {  	v26 =	vor.u32 v3, v13;
	[tilespmem:s0+$0xFFFFFF90] =	vst v18;
	v16 =	vld.idx.msk [tilespmem:v24+s24+$0x0], $0xffff  }
0x1ec: {  	s30 =	simm.s32 $0xA;
	v14 =	vld.idx.msk [tilespmem:v20+s24+$0x0], $0xffff;
	v20 =	vor.u32 v1, v9  }
0x1ed: {  	s31 =	sor.u32 $0x60, s2;
	v18 =	vmov s30;
	v13 =	vld.idx.msk [tilespmem:v23+s24+$0x0], $0xffff;
	v23 =	vor.u32 v1, v5  }
0x1ee: {  	s10 =	sor.u32 $0x60, s7;
	v17 =	vld.idx.msk [tilespmem:v21+s24+$0x0], $0xffff;
	v21 =	vor.u32 v1, v4;
	[tilespmem:s31+$0x6000] =	vst v22;
	v22 =	vand.u32 $0x7E, v18  }
0x1ef: {  	s13 =	simm.s32 $0x8;
	s3 =	simm.s32 $0x6180;
	[tilespmem:s10+$0x6000] =	vst v15;
	v18 =	vld.idx.msk [tilespmem:v11+s24+$0x0], $0xffff;
	v11 =	vbroadcast v22, $0x0;
	v22 =	vor.u32 v1, v7  }
0x1f0: {  	s12 =	sor.u32 $0x70, s7;
	s7 =	simm.s32 $0xB;
	v19 =	vor.u32 v3, v19;
	s25 =	simm.s32 $0xC;
	v15 =	vld.idx.msk [tilespmem:v26+s24+$0x0], $0xffff;
	[tilespmem:s3+$0x40] =	vst v25  }
.LBB2_17:
0x1f1: {  	p2 =	slt.u32 s25, $0x3C;
	v24 =	vor.u32 v0, v11;
	v25 =	vmov s7;
	[tilespmem:s3+$0xFFFFFFC0] =	vst v10;
	v20 =	vld.idx.msk [tilespmem:v20+s24+$0x0], $0xffff;
	v26 =	vmov v11  }
0x1f2: {  	v28 =	vand.u32 $0x7F, v25;
	v11 =	vld.idx.msk [tilespmem:v23+s24+$0x0], $0xffff;
	[tilespmem:s3+$0x0] =	vst v12;
	v23 =	vor.u32 v3, v8;
	v8 =	vmov v7  }
0x1f3: {  	v25 =	vbroadcast v28, $0x0;
	[tilespmem:s3+$0xFFFFFF80] =	vst v17;
	v17 =	vld.idx.msk [tilespmem:v21+s24+$0x0], $0xffff;
	v21 =	vor.u32 v2, v9  }
0x1f4: {  	s7 =	sadd.s32 $0x1, s25;
	v27 =	vor.u32 v2, v5;
	s9 =	sor.u32 $0x70, s2;
	v7 =	vmov s13;
	s13 =	smov.u32 s25;
	v10 =	vmov v13;
	v22 =	vld.idx.msk [tilespmem:v22+s24+$0x0], $0xffff;
	[tilespmem:s0+$0x20] =	vst v16  }
0x1f5: {  	s2 =	sadd.s32 $0x100, s2;
	v12 =	vmov s7;
	v7 =	vand.u32 $0x7C, v7;
	v13 =	vor.u32 v0, v25;
	v19 =	vld.idx.msk [tilespmem:v19+s24+$0x0], $0xffff;
	[tilespmem:s9+$0x6000] =	vst v18  }
0x1f6: {  	s7 =	sadd.s32 $0xFFFFFF80, s2;
	v16 =	vand.u32 $0x7D, v12;
	v7 =	vbroadcast v7, $0x0;
	v18 =	vor.u32 v2, v4;
	s9 =	sor.u32 $0x50, s2;
	v12 =	vld.idx.msk [tilespmem:v24+s24+$0x0], $0xffff;
	[tilespmem:s0+$0xFFFFFFA0] =	vst v14  }
0x1f7: {  	s10 =	sor.u32 $0x50, s7;
	s14 =	sor.u32 $0x60, s7;
	s7 =	sor.u32 $0x70, s7;
	v14 =	vbroadcast v16, $0x0;
	v24 =	vor.u32 v2, v8;
	[tilespmem:s9+$0x6000] =	vst v20;
	v28 =	vld.idx.msk [tilespmem:v23+s24+$0x0], $0xffff  }
0x1f8: {  	v23 =	vor.u32 v0, v7;
	[tilespmem:s10+$0x6000] =	vst v11;
	v11 =	vld.idx.msk [tilespmem:v21+s24+$0x0], $0xffff  }
0x1f9: {  	v21 =	vor.u32 v0, v14;
	v27 =	vld.idx.msk [tilespmem:v27+s24+$0x0], $0xffff;
	[tilespmem:s3+$0x10] =	vst v17  }
0x1fa: {  	v30 =	vor.u32 v3, v9;
	v9 =	vmov v25;
	v29 =	vld.idx.msk [tilespmem:v13+s24+$0x0], $0xffff;
	[tilespmem:s3+$0xFFFFFF90] =	vst v22  }
0x1fb: {  	v25 =	vor.u32 v3, v5;
	v5 =	vmov v6;
	v6 =	vmov v14;
	v16 =	vld.idx.msk [tilespmem:v18+s24+$0x0], $0xffff;
	[tilespmem:s12+$0x6000] =	vst v15;
	s12 =	smov.u32 s7  }
.Ltmp10:
0x1fc: {  	v20 =	vor.u32 v1, v9;
	s7 =	sadd.s32 $0x2, s25;
	v14 =	vld.idx.msk [tilespmem:v24+s24+$0x0], $0xffff;
	[tilespmem:s0+$0x30] =	vst v19;
	(pc) =	sbr.rel @p2 .LBB2_17-.Ltmp10, $4  }
0x1fd: {  	v15 =	vmov s7;
	s7 =	sor.u32 $0x60, s2;
	v17 =	vld.idx.msk [tilespmem:v23+s24+$0x0], $0xffff;
	v23 =	vor.u32 v1, v5;
	[tilespmem:s0+$0xFFFFFFB0] =	vst v28;
	s0 =	smov.u32 s3  }
0x1fe: {  	v15 =	vand.u32 $0x7E, v15;
	v13 =	vld.idx.msk [tilespmem:v21+s24+$0x0], $0xffff;
	v21 =	vor.u32 v1, v26;
	[tilespmem:s7+$0x6000] =	vst v11  }
0x1ff: {  	v22 =	vor.u32 v1, v7;
	s3 =	sadd.s32 $0x100, s3;
	v11 =	vbroadcast v15, $0x0;
	[tilespmem:s14+$0x6000] =	vst v27;
	v18 =	vld.idx.msk [tilespmem:v30+s24+$0x0], $0xffff  }
0x200: {  	s25 =	sadd.s32 $0x4, s25;
	v19 =	vor.u32 v3, v4;
	v4 =	vmov v26;
	s7 =	sadd.s32 $0x3, s13;
	[tilespmem:s3+$0x40] =	vst v29;
	v15 =	vld.idx.msk [tilespmem:v25+s24+$0x0], $0xffff  }
0x201: {  	_ =	sdelay $0x1  }
0x202: {  	[tilespmem:s3+$0xFFFFFFC0] =	vst v10  }
0x203: {  	[tilespmem:s3+$0x0] =	vst v12  }
0x204: {  	v20 =	vld.idx.msk [tilespmem:v20+s24+$0x0], $0xffff;
	v8 =	vor.u32 v3, v8;
	[tilespmem:s0+$0x20] =	vst v16  }
0x205: {  	v30 =	vmov s7;
	v33 =	vor.u32 v2, v9;
	[tilespmem:s0+$0xFFFFFFA0] =	vst v14;
	v31 =	vld.idx.msk [tilespmem:v23+s24+$0x0], $0xffff  }
0x206: {  	s29 =	sor.u32 $0x70, s2;
	v34 =	vmov s13;
	v10 =	vand.u32 $0x7F, v30;
	[tilespmem:s3+$0xFFFFFF80] =	vst v17;
	v32 =	vld.idx.msk [tilespmem:v21+s24+$0x0], $0xffff  }
0x207: {  	s30 =	sadd.s32 $0x100, s2;
	v38 =	vor.u32 v0, v11;
	v16 =	vand.u32 $0x7C, v34;
	v37 =	vld.idx.msk [tilespmem:v19+s24+$0x0], $0xffff;
	v10 =	vbroadcast v10, $0x0;
	[tilespmem:s29+$0x6000] =	vst v18  }
0x208: {  	v35 =	vor.u32 v2, v5;
	s2 =	sadd.s32 $0xFFFFFF80, s30;
	s9 =	sor.u32 $0x50, s30;
	v22 =	vld.idx.msk [tilespmem:v22+s24+$0x0], $0xffff;
	v16 =	vbroadcast v16, $0x0;
	[tilespmem:s12+$0x6000] =	vst v15  }
0x209: {  	s10 =	sor.u32 $0x50, s2;
	v36 =	vor.u32 v0, v10;
	[tilespmem:s9+$0x6000] =	vst v20;
	v8 =	vld.idx.msk [tilespmem:v8+s24+$0x0], $0xffff  }
0x20a: {  	v39 =	vor.u32 v0, v16;
	[tilespmem:s10+$0x6000] =	vst v31;
	v20 =	vld.idx.msk [tilespmem:v33+s24+$0x0], $0xffff  }
0x20b: {  	v40 =	vor.u32 v2, v4;
	[tilespmem:s3+$0x10] =	vst v32  }
0x20c: {  	v49 =	vor.u32 v2, v7;
	v44 =	vld.idx.msk [tilespmem:v38+s24+$0x0], $0xffff;
	[tilespmem:s0+$0x30] =	vst v37  }
0x20d: {  	v45 =	vor.u32 v1, v6;
	v41 =	vld.idx.msk [tilespmem:v35+s24+$0x0], $0xffff;
	[tilespmem:s3+$0xFFFFFF90] =	vst v22  }
0x20e: {  	v47 =	vor.u32 v1, v11;
	s31 =	sor.u32 $0x60, s30;
	v18 =	vld.idx.msk [tilespmem:v36+s24+$0x0], $0xffff;
	[tilespmem:s0+$0xFFFFFFB0] =	vst v8  }
0x20f: {  	v43 =	vor.u32 v1, v10;
	v46 =	vld.idx.msk [tilespmem:v39+s24+$0x0], $0xffff;
	s0 =	sadd.s32 $0x100, s3;
	[tilespmem:s31+$0x6000] =	vst v20  }
0x210: {  	v48 =	vor.u32 v1, v16;
	v17 =	vld.idx.msk [tilespmem:v40+s24+$0x0], $0xffff;
	[tilespmem:s0+$0xFFFFFFC0] =	vst v13  }
0x211: {  	v42 =	vor.u32 v3, v9;
	s10 =	sor.u32 $0x60, s2;
	v57 =	vld.idx.msk [tilespmem:v49+s24+$0x0], $0xffff;
	[tilespmem:s0+$0x0] =	vst v44  }
0x212: {  	v5 =	vor.u32 v3, v5;
	[tilespmem:s10+$0x6000] =	vst v41;
	v51 =	vld.idx.msk [tilespmem:v45+s24+$0x0], $0xffff  }
0x213: {  	v54 =	vor.u32 v2, v6;
	v53 =	vld.idx.msk [tilespmem:v47+s24+$0x0], $0xffff;
	[tilespmem:s0+$0x40] =	vst v18  }
0x214: {  	v56 =	vor.u32 v2, v11;
	s7 =	sadd.s32 $0x100, s30;
	[tilespmem:s0+$0xFFFFFF80] =	vst v46;
	v50 =	vld.idx.msk [tilespmem:v43+s24+$0x0], $0xffff  }
0x215: {  	s13 =	sadd.s32 $0xFFFFFF80, s7;
	v52 =	vor.u32 v2, v10;
	[tilespmem:s3+$0x20] =	vst v17;
	v55 =	vld.idx.msk [tilespmem:v48+s24+$0x0], $0xffff  }
0x216: {  	s25 =	sor.u32 $0x50, s13;
	v58 =	vor.u32 v2, v16;
	v9 =	vld.idx.msk [tilespmem:v42+s24+$0x0], $0xffff;
	[tilespmem:s3+$0xFFFFFFA0] =	vst v57  }
0x217: {  	v4 =	vor.u32 v3, v4;
	v5 =	vld.idx.msk [tilespmem:v5+s24+$0x0], $0xffff;
	[tilespmem:s25+$0x6000] =	vst v51  }
0x218: {  	v59 =	vor.u32 v3, v7;
	s14 =	sor.u32 $0x50, s7;
	[tilespmem:s0+$0x10] =	vst v53;
	v12 =	vld.idx.msk [tilespmem:v54+s24+$0x0], $0xffff  }
0x219: {  	v61 =	vor.u32 v3, v6;
	v62 =	vld.idx.msk [tilespmem:v56+s24+$0x0], $0xffff;
	[tilespmem:s14+$0x6000] =	vst v50  }
0x21a: {  	v63 =	vor.u32 v3, v11;
	s12 =	sor.u32 $0x70, s30;
	[tilespmem:s0+$0xFFFFFF90] =	vst v55;
	v13 =	vld.idx.msk [tilespmem:v52+s24+$0x0], $0xffff  }
0x21b: {  	v60 =	vor.u32 v3, v10;
	s2 =	sor.u32 $0x70, s2;
	[tilespmem:s12+$0x6000] =	vst v9;
	v9 =	vld.idx.msk [tilespmem:v58+s24+$0x0], $0xffff  }
0x21c: {  	s29 =	sor.u32 $0x60, s13;
	v4 =	vld.idx.msk [tilespmem:v4+s24+$0x0], $0xffff;
	[tilespmem:s2+$0x6000] =	vst v5;
	v5 =	vor.u32 v3, v16  }
0x21d: {  	v7 =	vld.idx.msk [tilespmem:v59+s24+$0x0], $0xffff;
	[tilespmem:s29+$0x6000] =	vst v12  }
0x21e: {  	s28 =	sor.u32 $0x60, s7;
	[tilespmem:s0+$0x20] =	vst v62;
	v6 =	vld.idx.msk [tilespmem:v61+s24+$0x0], $0xffff  }
0x21f: {  	v10 =	vld.idx.msk [tilespmem:v63+s24+$0x0], $0xffff;
	[tilespmem:s28+$0x6000] =	vst v13  }
0x220: {  	[tilespmem:s0+$0xFFFFFFA0] =	vst v9;
	v8 =	vld.idx.msk [tilespmem:v60+s24+$0x0], $0xffff  }
0x221: {  	[tilespmem:s3+$0x30] =	vst v4;
	v4 =	vld.idx.msk [tilespmem:v5+s24+$0x0], $0xffff  }
0x222: {  	s31 =	sor.u32 $0x70, s13;
	[tilespmem:s3+$0xFFFFFFB0] =	vst v7  }
0x223: {  	[tilespmem:s31+$0x6000] =	vst v6  }
0x224: {  	s30 =	sor.u32 $0x70, s7;
	[tilespmem:s0+$0x30] =	vst v10  }
0x225: {  	[tilespmem:s30+$0x6000] =	vst v8  }
0x226: {  	[tilespmem:s0+$0xFFFFFFB0] =	vst v4  }
.Ltmp11:
0x227: {  	s0 =	rddreg [dreg:$0x8];
	(pc) =	sbr.rel .LBB2_20-.Ltmp11, $4  }
0x228: {  	[hbm4b:s0+s4] =	stream.linear.scatter [tilespmem:s21], [sflag:$0x4], $0x1000, $0x38;
	[tilespmem:$0xA000] =	vst v63  }
0x229: {  	_ =	swait.ge [sflag:s23], $0x1000  }
0x22a: {  	[sflag:s23] =	ssyncset.done $0x0  }
0x22b: {  	[sflag:s23] =	ssyncadd.s32 $0xFFFFF000  }
.LBB2_21:
0x22c: {  	_ =	sfence.sel $0x180000  }
0x22d: {  	[bflag:$0x0] =	sbarrier.arrive $0xFFFF  }
0x22e: {  	_ =	strace $0x90000047  }
0x22f: {  	s0 =	stileid.u32;
	[bflag:$0x2] =	sbarrier.arrive $0xFFFF  }
0x230: {  	p0 =	sne.s32 s0, $0x0;
	s0 =	rddreg [dreg:$0x3]  }
0x231: {  	s0 =	sadd.s32 @!p0 $0x100000, s0  }
0x232: {  	[sflag:s0] =	ssyncadd.tile.s32 @!p0 $0x1;
	_ =	shalt  }
.Lfunc_end2:
_tile_overlayer_lowered:
.L_overlay_start_2:
0x233: {  	(tag) =	ssettag $0x2  }
0x234: {  	s0 =	rddreg [dreg:$0x0];
	s2 =	stileid.u32  }
0x235: {  	s1 =	rddreg [dreg:$0x1];
	p0 =	sne.s32 s2, $0x0  }
0x236: {  	s3 =	rddreg [dreg:$0x2];
	[bflag:$0x3] =	sbarrier.arrive $0xFFFF;
	s2 =	simm.s32 @!p0 $0x1C05  }
0x237: {  	[timem:s3], [sflag:s2] =	dma.local @!p0 [hbm:s0], s1  }
0x238: {  	s0 =	simm.s32 @!p0 $0x5  }
0x239: {  	_ =	swait.ge @!p0 [sflag:s0], s1  }
0x23a: {  	s1 =	ssub.s32 @!p0 $0x0, s1;
	[sflag:s0] =	ssyncset.done @!p0 $0x0  }
0x23b: {  	[sflag:s0] =	ssyncadd.s32 @!p0 s1  }
0x23c: {  	[bflag:$0x3] =	sbarrier.arrive $0xFFFF  }
0x23d: {  	_ =	shalt  }

// kernel: kernel.7.cloned.1.call-start
scs
__scs_entry_jumppad:
0x0: {  	(pc) =	sbr.rel $0x88, $3  }
0x1: {  	(tag) =	ssettag $0x0;
	lr =	simm.s32 $0x1  }
0x2: {  	[smem:$0x3F9F] =	sst lr;
	_ =	strace $0xD0000000  }
0x3: {  	_ = 	snop  }
0x4: {  	_ = 	snop  }
0x5: {  	_ = 	snop  }
0x6: {  	_ = 	snop  }
0x7: {  	_ = 	snop  }
__scs_overlays_trampoline_lowered:
0x8: {  	[smem:$0x3FAE] =	sst s0  }
0x9: {  	[smem:$0x3FAF] =	sst s1  }
0xa: {  	[smem:$0x3FB0] =	sst s2  }
0xb: {  	[smem:$0x3FB1] =	sst s3  }
0xc: {  	[smem:$0x3FB2] =	sst s4  }
0xd: {  	[smem:$0x3FB3] =	sst s5  }
0xe: {  	[smem:$0x3FB4] =	sst s6  }
0xf: {  	[smem:$0x3FB5] =	sst s7  }
0x10: {  	[smem:$0x3FB6] =	sst s8  }
0x11: {  	[smem:$0x3FB7] =	sst s9;
	s0 =	simm.s32 @!p0 $0x0  }
0x12: {  	s1 =	sld [smem:$0x3F9D];
	s0 =	simm.s32 @p0 $0x1  }
0x13: {  	[smem:$0x3FB8] =	sst s0;
	s0 =	simm.s32 @!p1 $0x0  }
0x14: {  	s2 =	sld [smem:$0x3F9C];
	s0 =	simm.s32 @p1 $0x1  }
0x15: {  	[smem:$0x3FB9] =	sst s0;
	s0 =	simm.s32 @!p2 $0x0  }
0x16: {  	s3 =	sld [smem:$0x3FDB];
	s0 =	simm.s32 @p2 $0x1  }
0x17: {  	s4 =	simm.s32 $0x1BF5;
	[smem:$0x3FBB] =	sst s0  }
0x18: {  	s0 =	sld [smem:$0x3F9E];
	_ =	swait.ge [sflag:s4], $0x0  }
0x19: {  	s7 =	sld [smem:$0x3F9F]  }
0x1a: {  	s8 =	sadd.s32 $0xFFFFE003, lr  }
0x1b: {  	s9 =	sadd.s32 $0xFFFFFEF7, lr;
	s5 =	simm.s32 $0xFFFFFFFF;
	p2 =	slt.u32 s8, $0xFFFFF086  }
0x1c: {  	p1 =	slt.u32 s9, $0xF7A;
	s5 =	simm.s32 @!p2 $0x0  }
0x1d: {  	s5 =	simm.s32 @p1 $0x1;
	p0 =	seq.s32 s7, s2  }
0x1e: {  	s7 =	smul.u32 @!p0 $0xF7A, s2;
	p2 =	seq.s32 @!p0 s5, $0x0  }
0x1f: {  	s9 =	smul.u32 $0xF7A, s1;
	s8 =	simm.s32 @!p0 $0x1BF5;
	p2 =	por !p2, p0  }
0x20: {  	[sflag:s8] =	ssyncset.s32 @!p0 $0xFFFFF086;
	s6 =	sadd.s32 @!p0 s3, s7;
	s7 =	simm.s32 @!p0 $0x108  }
0x21: {  	s3 =	sadd.s32 s3, s9;
	s6 =	sadd.s32 @!p0 $0x88, s6;
	s7 =	simm.s32 @p2 $0x1082  }
0x22: {  	[simem:s7], [sflag:s8] =	dma.local @!p0 [hbm:s6], $0xF7A  }
0x23: {  	s9 =	sor.u32 $0xD0000000, s2;
	s6 =	simm.s32 $0x108;
	_ =	swait.ge @!p0 [sflag:s8], $0x0  }
0x24: {  	s3 =	sadd.s32 $0x88, s3;
	s6 =	simm.s32 @!p1 $0x1082;
	[sflag:s4] =	ssyncset.s32 $0xFFFFF086  }
0x25: {  	[simem:s6], [sflag:s4] =	dma.local [hbm:s3], $0xF7A  }
0x26: {  	[smem:$0x3F9F] =	sst s1;
	(tag) =	ssettag s2;
	_ =	strace s9  }
0x27: {  	s1 =	sld [smem:$0x3FAF]  }
0x28: {  	s2 =	sld [smem:$0x3FB0]  }
0x29: {  	s4 =	sld [smem:$0x3FB2]  }
0x2a: {  	p0 =	seq.s32 s5, $0x0;
	s5 =	sld [smem:$0x3FB3]  }
0x2b: {  	s6 =	sld [smem:$0x3FB4]  }
0x2c: {  	s7 =	sld [smem:$0x3FB5]  }
0x2d: {  	s3 =	simm.s32 $0x108;
	s8 =	sld [smem:$0x3FB6]  }
0x2e: {  	s3 =	simm.s32 @!p0 $0x1082;
	s9 =	sld [smem:$0x3FB7]  }
0x2f: {  	lr =	sadd.s32 s0, s3;
	s0 =	sld [smem:$0x3FAE]  }
0x30: {  	s3 =	sld [smem:$0x3FB1]  }
0x31: {  	[smem:$0x3FBA] =	sst s10  }
0x32: {  	s10 =	sld [smem:$0x3FB8];
	_ =	sdelay $0x3  }
0x33: {  	p0 =	seq.s32 s10, $0x1;
	s10 =	sld [smem:$0x3FBA];
	_ =	sdelay $0x3  }
0x34: {  	[smem:$0x3FBA] =	sst s10  }
0x35: {  	s10 =	sld [smem:$0x3FB9];
	_ =	sdelay $0x3  }
0x36: {  	p1 =	seq.s32 s10, $0x1;
	s10 =	sld [smem:$0x3FBA];
	_ =	sdelay $0x3  }
0x37: {  	[smem:$0x3FBA] =	sst s10  }
0x38: {  	s10 =	sld [smem:$0x3FBB]  }
0x39: {  	_ = 	snop;
	(pc) =	sbr.ind lr, $3  }
0x3a: {  	_ = 	snop  }
0x3b: {  	_ = 	snop  }
0x3c: {  	p2 =	seq.s32 s10, $0x1;
	s10 =	sld [smem:$0x3FBA]  }
0x3d: {  	_ =	shalt  }
0x3e: {  	_ =	shalt  }
0x3f: {  	_ =	shalt  }
0x40: {  	_ =	shalt  }
0x41: {  	_ =	shalt  }
0x42: {  	_ =	shalt  }
0x43: {  	_ =	shalt  }
0x44: {  	_ =	shalt  }
0x45: {  	_ =	shalt  }
0x46: {  	_ =	shalt  }
0x47: {  	_ =	shalt  }
0x48: {  	_ =	shalt  }
0x49: {  	_ =	shalt  }
0x4a: {  	_ =	shalt  }
0x4b: {  	_ =	shalt  }
0x4c: {  	_ =	shalt  }
0x4d: {  	_ =	shalt  }
0x4e: {  	_ =	shalt  }
0x4f: {  	_ =	shalt  }
0x50: {  	_ =	shalt  }
0x51: {  	_ =	shalt  }
0x52: {  	_ =	shalt  }
0x53: {  	_ =	shalt  }
0x54: {  	_ =	shalt  }
0x55: {  	_ =	shalt  }
0x56: {  	_ =	shalt  }
0x57: {  	_ =	shalt  }
0x58: {  	_ =	shalt  }
0x59: {  	_ =	shalt  }
0x5a: {  	_ =	shalt  }
0x5b: {  	_ =	shalt  }
0x5c: {  	_ =	shalt  }
0x5d: {  	_ =	shalt  }
0x5e: {  	_ =	shalt  }
0x5f: {  	_ =	shalt  }
0x60: {  	_ =	shalt  }
0x61: {  	_ =	shalt  }
0x62: {  	_ =	shalt  }
0x63: {  	_ =	shalt  }
0x64: {  	_ =	shalt  }
0x65: {  	_ =	shalt  }
0x66: {  	_ =	shalt  }
0x67: {  	_ =	shalt  }
0x68: {  	_ =	shalt  }
0x69: {  	_ =	shalt  }
0x6a: {  	_ =	shalt  }
0x6b: {  	_ =	shalt  }
0x6c: {  	_ =	shalt  }
0x6d: {  	_ =	shalt  }
0x6e: {  	_ =	shalt  }
0x6f: {  	_ =	shalt  }
0x70: {  	_ =	shalt  }
0x71: {  	_ =	shalt  }
0x72: {  	_ =	shalt  }
0x73: {  	_ =	shalt  }
0x74: {  	_ =	shalt  }
0x75: {  	_ =	shalt  }
0x76: {  	_ =	shalt  }
0x77: {  	_ =	shalt  }
0x78: {  	_ =	shalt  }
0x79: {  	_ =	shalt  }
0x7a: {  	_ =	shalt  }
0x7b: {  	_ =	shalt  }
0x7c: {  	_ =	shalt  }
0x7d: {  	_ =	shalt  }
0x7e: {  	_ =	shalt  }
0x7f: {  	_ =	shalt  }
0x80: {  	_ =	shalt  }
0x81: {  	_ =	shalt  }
0x82: {  	_ =	shalt  }
0x83: {  	_ =	shalt  }
0x84: {  	_ =	shalt  }
0x85: {  	_ =	shalt  }
0x86: {  	_ =	shalt  }
0x87: {  	_ =	shalt  }
.Lfunc_end0:
.L_simem_size_0:
called_computation.1_lowered:
.L_overlay_start_0:
0x88: {  	s2 =	sld [smem:$0x3FD9]  }
0x89: {  	s3 =	sld [smem:$0x3FFE];
	_ =	sdelay $0x1  }
0x8a: {  	s1 =	srdreg.scid  }
0x8b: {  	s0 =	sand.u32 $0x1, s1  }
0x8c: {  	s17 =	sshll.u32 s0, $0xA;
	s2 =	sadd.s32 s3, s2  }
0x8d: {  	s2 =	sadd.s32 s2, s17  }
0x8e: {  	[smem:$0x3FC6] =	sst s2  }
0x8f: {  	_ = 	snop  }
0x90: {  	s2 =	sld [smem:$0x3FD0];
	(tm) =	ssettm $0x1  }
0x91: {  	s18 =	sld [smem:$0x3FFB];
	_ =	sdelay $0x3  }
0x92: {  	_ =	strace s18  }
0x93: {  	s3 =	sld [smem:$0x3FFC];
	_ =	sdelay $0x3  }
0x94: {  	_ =	strace s3  }
0x95: {  	s3 =	sld [smem:$0x3FFD];
	_ =	sdelay $0x3  }
0x96: {  	_ =	strace s3  }
0x97: {  	_ =	strace $0x8FFFFFFF  }
0x98: {  	s19 =	sld [smem:$0x3FDB];
	_ =	sdelay $0x1  }
0x99: {  	s4 =	simm.s32 $_scs_section_size  }
0x9a: {  	s5 =	simm.s32 $_size__tile_overlayer_lowered;
	s6 =	simm.s32 $_tile_overlayer_lowered  }
0x9b: {  	s22 =	simm.s32 $0x1BFF;
	s21 =	sshll.u32 s6, $0x1;
	s3 =	sadd.s32 s4, s19  }
0x9c: {  	s7 =	simm.s32 $0x0;
	s20 =	sshll.u32 s5, $0x1;
	s5 =	sadd.s32 s21, s3  }
0x9d: {  	[timem:s7], [sflag:s22] =	dma.local [hbm:s5], s20  }
0x9e: {  	_ =	swait.ge [sflag:s22], s20  }
0x9f: {  	s4 =	ssub.s32 $0x0, s20;
	[sflag:s22] =	ssyncset.done $0x0  }
0xa0: {  	[sflag:s22] =	ssyncadd.s32 s4;
	_ =	sdelay $0x1  }
0xa1: {  	s23 =	simm.s32 $0x1B8B  }
0xa2: {  	_ =	swait.ge [sflag:s23], $0x1  }
0xa3: {  	[sflag:s23] =	ssyncset.done $0x0  }
0xa4: {  	s25 =	simm.s32 $0x1B8E;
	s24 =	sld [smem:$0x3FFE];
	[sflag:s23] =	ssyncadd.s32 $0xFFFFFFFF  }
0xa5: {  	s26 =	simm.s32 $execute0_lowered;
	[smem:$0x3FD2] =	sst s25  }
0xa6: {  	s5 =	sshll.u32 s26, $0x1;
	_ =	strace $0x80000049;
	[dreg:$0x1] =	wrdreg $0xFFFFFFFF  }
0xa7: {  	s28 =	simm.s32 $_size_execute0_lowered;
	s3 =	sadd.s32 s3, s5;
	[dreg:$0x0] =	wrdreg $0x0  }
0xa8: {  	s5 =	sshll.u32 s28, $0x1;
	[dreg:$0x2] =	wrdreg s3  }
0xa9: {  	[dreg:$0x3] =	wrdreg s5  }
0xaa: {  	[dreg:$0x4] =	wrdreg $0xC0  }
0xab: {  	_ =	task [dreg:s7], $0x5FFFF  }
0xac: {  	[dreg:$0x1] =	wrdreg $0xFFFFFFFF  }
0xad: {  	[dreg:$0x0] =	wrdreg $0x60  }
0xae: {  	[dreg:$0x2] =	wrdreg s24  }
0xaf: {  	[dreg:$0x3] =	wrdreg s2  }
0xb0: {  	[dreg:$0x4] =	wrdreg $0x9  }
0xb1: {  	_ =	task.clear_ibuf [dreg:s7], $0x5FFFF;
	_ =	strace $0x90000049  }
0xb2: {  	s29 =	simm.s32 $0x9;
	_ =	strace $0x8000004B  }
0xb3: {  	_ =	swait.ge [sflag:s29], $0x1  }
0xb4: {  	[sflag:s29] =	ssyncadd.s32 $0xFFFFFFFF  }
0xb5: {  	_ =	strace $0x9000004B  }
0xb6: {  	_ =	sfence  }
0xb7: {  	s30 =	sld [smem:$0x0];
	_ =	sdelay $0x2  }
0xb8: {  	s31 =	sshll.u32 s1, $0xD;
	s1 =	sshrl.u32 s1, $0x2  }
0xb9: {  	s3 =	sand.u32 $0x4000, s31;
	s1 =	sadd.s32 s1, s30  }
0xba: {  	s0 =	sor.u32 s3, s0;
	s1 =	sshll.u32 s1, $0x11  }
0xbb: {  	s0 =	sor.u32 s1, s0  }
0xbc: {  	s0 =	sadd.s32 $0x8F2B, s0  }
0xbd: {  	[sflag:s0] =	ssyncadd.remote.s32 $0x1  }
0xbe: {  	_ =	sfence.sel $0xFFFF  }
0xbf: {  	[dreg:$0x0] =	wrdreg $0xFFFFFFFF;
	(pc) =	sbr.abs _section_cstart, $3  }
0xc0: {  	[dreg:$0x1] =	wrdreg $0xFFFFFFFF  }
0xc1: {  	_ =	task.clear_ibuf [dreg:s7], $0x2FFFF;
	_ =	strace $0x9FFFFFFF  }
0xc2: {  	(tm) =	ssettm $0x7FFFFFFF  }
0xc3: {  	_ =	shalt  }
tec
execute0_lowered:
.L_overlay_start_1:
0x0: {  	(tag) =	ssettag $0x1  }
0x1: {  	s0 =	rddreg [dreg:$0x0]  }
0x2: {  	s1 =	srdreg.scid;
	s3 =	stileid.u32  }
0x3: {  	s2 =	rddreg [dreg:$0x1];
	s11 =	simm.s32 $0x80;
	s13 =	simm.s32 $0x5  }
0x4: {  	s14 =	simm.s32 $0x6400;
	s15 =	simm.s32 $0x8400;
	s16 =	simm.s32 $0x1  }
0x5: {  	s17 =	simm.s32 $0x400;
	s18 =	simm.s32 $0x8000;
	s19 =	simm.s32 $0xA400  }
0x6: {  	s21 =	simm.s32 $0x2;
	s22 =	simm.s32 $0xC400;
	s23 =	simm.s32 $0x3  }
0x7: {  	s24 =	simm.s32 $0x4;
	s1 =	sand.u32 $0x1, s1;
	s4 =	sshll.u32 s3, $0x1  }
0x8: {  	v0 =	vlaneseq.u32;
	s25 =	simm.s32 $0x0;
	s3 =	simm.s32 $0x0;
	s6 =	sor.u32 s1, s4  }
0x9: {  	v0 =	vmul.u32 $0x40, v0;
	[smem:$0x7FF] =	sst s3;
	s1 =	ssub.s32 $0x2, s1;
	s4 =	sshll.u32 s6, $0x4  }
0xa: {  	_ =	strace $0x8000004A;
	s7 =	sshrl.u32 s1, $0x1;
	s31 =	sshll.u32 s6, $0x7  }
0xb: {  	s6 =	sshll.u32 s6, $0xA;
	v1 =	vor.u32 $0x400, v0;
	s5 =	sadd.s32 s4, s0;
	s4 =	sadd.s32 $0xA00, s0  }
0xc: {  	v2 =	vor.u32 $0x800, v0;
	v3 =	vor.u32 $0xC00, v0;
	v4 =	vor.u32 $0x1000, v0;
	s30 =	ssub.s32 s1, s7;
	s7 =	sadd.s32 s2, s31;
	s9 =	sor.u32 $0x80000, s6  }
0xd: {  	v5 =	vor.u32 $0x1400, v0;
	v6 =	vor.u32 $0x1800, v0;
	v7 =	vor.u32 $0x1C00, v0;
	s5 =	sadd.s32 $0x7A1C00, s5;
	s8 =	sadd.s32 $0x8000, s7;
	s10 =	smax.u32 s30, $0x1  }
.LBB2_1:
0xe: {  	s0 =	simm.s32 $0x1000  }
0xf: {  	[tilespmem:s3], [sflag:$0x5] =	stream.strided.gather [hbm4b:s5+s11], $0x6400, s0, s11, $0x38;
	[tilespmem:$0xE400] =	vst v63  }
0x10: {  	v8 =	vmov s3;
	_ =	swait.ge [sflag:s13], $0x6400  }
0x11: {  	v8 =	vand.u32 $0x3F, v8;
	[sflag:s13] =	ssyncset.done $0x0  }
0x12: {  	v8 =	vbroadcast v8, $0x0;
	[sflag:s13] =	ssyncadd.s32 $0xFFFF9C00  }
0x13: {  	[tilespmem:s14], [sflag:$0x1] =	stream.indirect.gather [hbm4b:s4+s11], $0x40, s3, s11, $0xb8;
	[tilespmem:$0xE400] =	vst v63  }
0x14: {  	s31 =	simm.s32 $0x1;
	v9 =	vor.u32 v0, v8  }
0x15: {  	v10 =	vor.u32 v7, v8;
	[tilespmem:s15], [sflag:$0x2] =	stream.indirect.gather [hbm4b:s4+s11], $0x40, s11, s11, $0xb8;
	[tilespmem:$0xE400] =	vst v63  }
0x16: {  	v14 =	vmov s31;
	v11 =	vor.u32 v5, v8;
	_ =	swait.ge [sflag:s16], $0x2000  }
0x17: {  	v14 =	vand.u32 $0x3F, v14;
	v12 =	vor.u32 v1, v8;
	[sflag:s16] =	ssyncset.done $0x0  }
0x18: {  	v17 =	vbroadcast v14, $0x0;
	v13 =	vor.u32 v4, v8;
	[sflag:s16] =	ssyncadd.s32 $0xFFFFE000  }
0x19: {  	v15 =	vor.u32 v6, v8;
	v16 =	vld.idx.msk [tilespmem:v9+s14+$0x0], $0xffff  }
0x1a: {  	v14 =	vor.u32 v0, v17;
	v10 =	vld.idx.msk [tilespmem:v10+s14+$0x0], $0xffff  }
0x1b: {  	v20 =	vor.u32 v5, v17;
	v11 =	vld.idx.msk [tilespmem:v11+s14+$0x0], $0xffff  }
0x1c: {  	v22 =	vor.u32 v1, v17;
	v18 =	vld.idx.msk [tilespmem:v12+s14+$0x0], $0xffff  }
0x1d: {  	v9 =	vor.u32 v2, v8;
	v8 =	vor.u32 v3, v8;
	v13 =	vld.idx.msk [tilespmem:v13+s14+$0x0], $0xffff  }
0x1e: {  	v25 =	vld.idx.msk [tilespmem:v15+s14+$0x0], $0xffff  }
0x1f: {  	v19 =	vor.u32 v7, v17;
	v12 =	vld.idx.msk [tilespmem:v14+s14+$0x0], $0xffff  }
0x20: {  	s26 =	sand.u32 $0x1F80, s3;
	s28 =	simm.s32 $0x2;
	v20 =	vld.idx.msk [tilespmem:v20+s14+$0x0], $0xffff  }
0x21: {  	v22 =	vld.idx.msk [tilespmem:v22+s14+$0x0], $0xffff;
	[tilespmem:s26+$0xA470] =	vst v10;
	v10 =	vmov s28  }
0x22: {  	v15 =	vor.u32 v4, v17;
	v21 =	vld.idx.msk [tilespmem:v8+s14+$0x0], $0xffff;
	[tilespmem:s26+$0xA450] =	vst v11;
	v10 =	vand.u32 $0x3F, v10  }
0x23: {  	v14 =	vor.u32 v6, v17;
	v9 =	vld.idx.msk [tilespmem:v9+s14+$0x0], $0xffff;
	[tilespmem:s26+$0xA410] =	vst v18;
	v23 =	vbroadcast v10, $0x0  }
0x24: {  	v8 =	vor.u32 v2, v17;
	v11 =	vor.u32 v3, v17;
	v18 =	vld.idx.msk [tilespmem:v19+s14+$0x0], $0xffff;
	[tilespmem:s26+$0xA400] =	vst v16  }
0x25: {  	[tilespmem:s26+$0xA440] =	vst v13;
	v13 =	vor.u32 v0, v23;
	v10 =	vor.u32 v1, v23;
	v16 =	vor.u32 v7, v23  }
0x26: {  	s1 =	simm.s32 $0x80;
	s12 =	simm.s32 $0x80;
	s0 =	simm.s32 $0x10;
	[tilespmem:s26+$0xA460] =	vst v25;
	v19 =	vor.u32 v2, v23;
	v17 =	vor.u32 v3, v23;
	v24 =	vor.u32 v6, v23  }
.LBB2_2:
0x27: {  	s0 =	sadd.s32 $0x8, s0;
	v25 =	vor.u32 v5, v23;
	v26 =	vld.idx.msk [tilespmem:v15+s14+$0x0], $0xffff;
	v15 =	vor.u32 v4, v23;
	s1 =	sadd.s32 $0x80, s1;
	[tilespmem:s26+$0xA430] =	vst v21  }
0x28: {  	v28 =	vmov v12;
	p0 =	slt.u32 s0, $0x1F8;
	v27 =	vld.idx.msk [tilespmem:v14+s14+$0x0], $0xffff;
	[tilespmem:s26+$0xA420] =	vst v9;
	s26 =	sand.u32 $0x1F80, s12;
	v14 =	vmov v24;
	s12 =	smov.u32 s1  }
0x29: {  	s28 =	sadd.s32 $0x1, s28;
	v9 =	vld.idx.msk [tilespmem:v8+s14+$0x0], $0xffff;
	[tilespmem:s26+$0xA470] =	vst v18;
	v8 =	vmov v19  }
0x2a: {  	v12 =	vmov s28;
	v21 =	vld.idx.msk [tilespmem:v11+s14+$0x0], $0xffff;
	[tilespmem:s26+$0xA450] =	vst v20;
	v11 =	vmov v17  }
.Ltmp0:
0x2b: {  	v17 =	vand.u32 $0x3F, v12;
	v12 =	vld.idx.msk [tilespmem:v13+s14+$0x0], $0xffff;
	[tilespmem:s26+$0xA410] =	vst v22;
	(pc) =	sbr.rel @p0 .LBB2_2-.Ltmp0, $4  }
0x2c: {  	v23 =	vbroadcast v17, $0x0;
	v18 =	vld.idx.msk [tilespmem:v16+s14+$0x0], $0xffff;
	[tilespmem:s26+$0xA400] =	vst v28  }
0x2d: {  	v20 =	vld.idx.msk [tilespmem:v25+s14+$0x0], $0xffff;
	[tilespmem:s26+$0xA440] =	vst v26  }
0x2e: {  	v13 =	vor.u32 v0, v23;
	v16 =	vor.u32 v7, v23;
	v22 =	vld.idx.msk [tilespmem:v10+s14+$0x0], $0xffff;
	v10 =	vor.u32 v1, v23  }
0x2f: {  	v19 =	vor.u32 v2, v23;
	v17 =	vor.u32 v3, v23;
	v24 =	vor.u32 v6, v23;
	[tilespmem:s26+$0xA460] =	vst v27  }
0x30: {  	_ =	sdelay $0x2  }
0x31: {  	[tilespmem:s26+$0xA430] =	vst v21  }
0x32: {  	v15 =	vld.idx.msk [tilespmem:v15+s14+$0x0], $0xffff;
	s0 =	sand.u32 $0x1F80, s12;
	[tilespmem:s26+$0xA420] =	vst v9  }
0x33: {  	v21 =	vor.u32 v5, v23;
	v9 =	vld.idx.msk [tilespmem:v14+s14+$0x0], $0xffff;
	[tilespmem:s0+$0xA470] =	vst v18  }
0x34: {  	v11 =	vld.idx.msk [tilespmem:v11+s14+$0x0], $0xffff;
	[tilespmem:s0+$0xA400] =	vst v12  }
0x35: {  	v14 =	vor.u32 v4, v23;
	v8 =	vld.idx.msk [tilespmem:v8+s14+$0x0], $0xffff;
	[tilespmem:s0+$0xA450] =	vst v20  }
0x36: {  	v16 =	vld.idx.msk [tilespmem:v16+s14+$0x0], $0xffff;
	[tilespmem:s0+$0xA410] =	vst v22  }
0x37: {  	v10 =	vld.idx.msk [tilespmem:v10+s14+$0x0], $0xffff;
	[tilespmem:s0+$0xA440] =	vst v15  }
0x38: {  	v12 =	vld.idx.msk [tilespmem:v21+s14+$0x0], $0xffff;
	[tilespmem:s0+$0xA460] =	vst v9  }
0x39: {  	s1 =	sadd.s32 $0x80, s1;
	v9 =	vld.idx.msk [tilespmem:v13+s14+$0x0], $0xffff;
	[tilespmem:s0+$0xA430] =	vst v11  }
0x3a: {  	s1 =	sand.u32 $0x1F80, s1;
	v11 =	vld.idx.msk [tilespmem:v14+s14+$0x0], $0xffff;
	[tilespmem:s0+$0xA420] =	vst v8  }
0x3b: {  	v8 =	vld.idx.msk [tilespmem:v24+s14+$0x0], $0xffff;
	[tilespmem:s1+$0xA470] =	vst v16  }
0x3c: {  	v13 =	vld.idx.msk [tilespmem:v17+s14+$0x0], $0xffff;
	[tilespmem:s1+$0xA410] =	vst v10  }
0x3d: {  	[tilespmem:s1+$0xA450] =	vst v12;
	v12 =	vld.idx.msk [tilespmem:v19+s14+$0x0], $0xffff  }
0x3e: {  	[tilespmem:s1+$0xA400] =	vst v9  }
0x3f: {  	s29 =	simm.s32 $0x0;
	[tilespmem:s1+$0xA440] =	vst v11  }
0x40: {  	[tilespmem:s1+$0xA460] =	vst v8;
	v8 =	vmov s29  }
0x41: {  	[tilespmem:s1+$0xA430] =	vst v13;
	v8 =	vand.u32 $0x3F, v8  }
0x42: {  	v8 =	vbroadcast v8, $0x0;
	[tilespmem:s1+$0xA420] =	vst v12  }
0x43: {  	[hbm4b:s7+s17] =	stream.strided.scatter [tilespmem:s19], [sflag:$0x3], $0x2000, s18, s17, $0x38;
	[tilespmem:$0xE400] =	vst v63  }
0x44: {  	s30 =	simm.s32 $0x100;
	s31 =	simm.s32 $0x1;
	v9 =	vor.u32 v0, v8  }
0x45: {  	v10 =	vor.u32 v7, v8;
	[tilespmem:s14], [sflag:$0x1] =	stream.indirect.gather [hbm4b:s4+s11], $0x40, s30, s11, $0xb8;
	[tilespmem:$0xE400] =	vst v63  }
0x46: {  	v14 =	vmov s31;
	v11 =	vor.u32 v5, v8;
	_ =	swait.ge [sflag:s21], $0x2000  }
0x47: {  	v14 =	vand.u32 $0x3F, v14;
	v12 =	vor.u32 v1, v8;
	[sflag:s21] =	ssyncset.done $0x0  }
0x48: {  	v17 =	vbroadcast v14, $0x0;
	v13 =	vor.u32 v4, v8;
	[sflag:s21] =	ssyncadd.s32 $0xFFFFE000  }
0x49: {  	v15 =	vor.u32 v6, v8;
	v16 =	vld.idx.msk [tilespmem:v9+s15+$0x0], $0xffff  }
0x4a: {  	v14 =	vor.u32 v0, v17;
	v10 =	vld.idx.msk [tilespmem:v10+s15+$0x0], $0xffff  }
0x4b: {  	v20 =	vor.u32 v5, v17;
	v11 =	vld.idx.msk [tilespmem:v11+s15+$0x0], $0xffff  }
0x4c: {  	v22 =	vor.u32 v1, v17;
	v18 =	vld.idx.msk [tilespmem:v12+s15+$0x0], $0xffff  }
0x4d: {  	v9 =	vor.u32 v2, v8;
	v8 =	vor.u32 v3, v8;
	v13 =	vld.idx.msk [tilespmem:v13+s15+$0x0], $0xffff  }
0x4e: {  	v25 =	vld.idx.msk [tilespmem:v15+s15+$0x0], $0xffff  }
0x4f: {  	v19 =	vor.u32 v7, v17;
	v12 =	vld.idx.msk [tilespmem:v14+s15+$0x0], $0xffff  }
0x50: {  	s28 =	simm.s32 $0x2;
	s26 =	sand.u32 $0x1F80, s29;
	v20 =	vld.idx.msk [tilespmem:v20+s15+$0x0], $0xffff  }
0x51: {  	v22 =	vld.idx.msk [tilespmem:v22+s15+$0x0], $0xffff;
	[tilespmem:s26+$0xC470] =	vst v10;
	v10 =	vmov s28  }
0x52: {  	v15 =	vor.u32 v4, v17;
	v21 =	vld.idx.msk [tilespmem:v8+s15+$0x0], $0xffff;
	[tilespmem:s26+$0xC450] =	vst v11;
	v10 =	vand.u32 $0x3F, v10  }
0x53: {  	v14 =	vor.u32 v6, v17;
	v9 =	vld.idx.msk [tilespmem:v9+s15+$0x0], $0xffff;
	[tilespmem:s26+$0xC410] =	vst v18;
	v23 =	vbroadcast v10, $0x0  }
0x54: {  	v8 =	vor.u32 v2, v17;
	v11 =	vor.u32 v3, v17;
	v18 =	vld.idx.msk [tilespmem:v19+s15+$0x0], $0xffff;
	[tilespmem:s26+$0xC400] =	vst v16  }
0x55: {  	[tilespmem:s26+$0xC440] =	vst v13;
	v13 =	vor.u32 v0, v23;
	v10 =	vor.u32 v1, v23;
	v16 =	vor.u32 v7, v23  }
0x56: {  	s12 =	simm.s32 $0x80;
	s0 =	simm.s32 $0x10;
	s1 =	simm.s32 $0x80;
	[tilespmem:s26+$0xC460] =	vst v25;
	v19 =	vor.u32 v2, v23;
	v17 =	vor.u32 v3, v23;
	v24 =	vor.u32 v6, v23  }
.LBB2_4:
0x57: {  	s0 =	sadd.s32 $0x8, s0;
	v25 =	vor.u32 v5, v23;
	v26 =	vld.idx.msk [tilespmem:v15+s15+$0x0], $0xffff;
	v15 =	vor.u32 v4, v23;
	s1 =	sadd.s32 $0x80, s1;
	[tilespmem:s26+$0xC430] =	vst v21  }
0x58: {  	v28 =	vmov v12;
	p0 =	slt.u32 s0, $0x1F8;
	v27 =	vld.idx.msk [tilespmem:v14+s15+$0x0], $0xffff;
	[tilespmem:s26+$0xC420] =	vst v9;
	s26 =	sand.u32 $0x1F80, s12;
	v14 =	vmov v24;
	s12 =	smov.u32 s1  }
0x59: {  	s28 =	sadd.s32 $0x1, s28;
	v9 =	vld.idx.msk [tilespmem:v8+s15+$0x0], $0xffff;
	[tilespmem:s26+$0xC470] =	vst v18;
	v8 =	vmov v19  }
0x5a: {  	v12 =	vmov s28;
	v21 =	vld.idx.msk [tilespmem:v11+s15+$0x0], $0xffff;
	[tilespmem:s26+$0xC450] =	vst v20;
	v11 =	vmov v17  }
.Ltmp1:
0x5b: {  	v17 =	vand.u32 $0x3F, v12;
	v12 =	vld.idx.msk [tilespmem:v13+s15+$0x0], $0xffff;
	[tilespmem:s26+$0xC410] =	vst v22;
	(pc) =	sbr.rel @p0 .LBB2_4-.Ltmp1, $4  }
0x5c: {  	v23 =	vbroadcast v17, $0x0;
	v18 =	vld.idx.msk [tilespmem:v16+s15+$0x0], $0xffff;
	[tilespmem:s26+$0xC400] =	vst v28  }
0x5d: {  	v20 =	vld.idx.msk [tilespmem:v25+s15+$0x0], $0xffff;
	[tilespmem:s26+$0xC440] =	vst v26  }
0x5e: {  	v13 =	vor.u32 v0, v23;
	v16 =	vor.u32 v7, v23;
	v22 =	vld.idx.msk [tilespmem:v10+s15+$0x0], $0xffff;
	v10 =	vor.u32 v1, v23  }
0x5f: {  	v19 =	vor.u32 v2, v23;
	v17 =	vor.u32 v3, v23;
	v24 =	vor.u32 v6, v23;
	[tilespmem:s26+$0xC460] =	vst v27  }
0x60: {  	_ =	sdelay $0x2  }
0x61: {  	[tilespmem:s26+$0xC430] =	vst v21  }
0x62: {  	v15 =	vld.idx.msk [tilespmem:v15+s15+$0x0], $0xffff;
	s0 =	sand.u32 $0x1F80, s12;
	[tilespmem:s26+$0xC420] =	vst v9  }
0x63: {  	v57 =	vld.idx.msk [tilespmem:v14+s15+$0x0], $0xffff;
	[tilespmem:s0+$0xC470] =	vst v18  }
0x64: {  	v11 =	vld.idx.msk [tilespmem:v11+s15+$0x0], $0xffff;
	[tilespmem:s0+$0xC400] =	vst v12  }
0x65: {  	v8 =	vld.idx.msk [tilespmem:v8+s15+$0x0], $0xffff;
	[tilespmem:s0+$0xC450] =	vst v20  }
0x66: {  	v56 =	vor.u32 v5, v23;
	v16 =	vld.idx.msk [tilespmem:v16+s15+$0x0], $0xffff;
	[tilespmem:s0+$0xC410] =	vst v22  }
0x67: {  	v58 =	vor.u32 v4, v23;
	v10 =	vld.idx.msk [tilespmem:v10+s15+$0x0], $0xffff;
	[tilespmem:s0+$0xC440] =	vst v15  }
0x68: {  	v60 =	vld.idx.msk [tilespmem:v13+s15+$0x0], $0xffff;
	[tilespmem:s0+$0xC460] =	vst v57  }
0x69: {  	s1 =	sadd.s32 $0x80, s1;
	v62 =	vld.idx.msk [tilespmem:v17+s15+$0x0], $0xffff;
	[tilespmem:s0+$0xC430] =	vst v11  }
0x6a: {  	v63 =	vld.idx.msk [tilespmem:v19+s15+$0x0], $0xffff;
	s1 =	sand.u32 $0x1F80, s1;
	[tilespmem:s0+$0xC420] =	vst v8  }
0x6b: {  	v59 =	vld.idx.msk [tilespmem:v56+s15+$0x0], $0xffff;
	[tilespmem:s1+$0xC470] =	vst v16  }
0x6c: {  	v61 =	vld.idx.msk [tilespmem:v58+s15+$0x0], $0xffff;
	[tilespmem:s1+$0xC410] =	vst v10  }
0x6d: {  	v8 =	vld.idx.msk [tilespmem:v24+s15+$0x0], $0xffff;
	[tilespmem:s1+$0xC400] =	vst v60  }
0x6e: {  	[tilespmem:s1+$0xC430] =	vst v62  }
0x6f: {  	[tilespmem:s1+$0xC420] =	vst v63  }
0x70: {  	[tilespmem:s1+$0xC450] =	vst v59  }
0x71: {  	[tilespmem:s1+$0xC440] =	vst v61  }
0x72: {  	s26 =	simm.s32 $0x0;
	s28 =	simm.s32 $0x0;
	[tilespmem:s1+$0xC460] =	vst v8  }
0x73: {  	[hbm4b:s8+s17] =	stream.strided.scatter [tilespmem:s22], [sflag:$0x4], $0x2000, s18, s17, $0x38;
	[tilespmem:$0xE400] =	vst v63  }
.LBB2_6:
0x74: {  	s30 =	sshll.u32 s28, $0x1  }
0x75: {  	s29 =	sadd.s32 $0x3, s30  }
0x76: {  	v8 =	vmov s26;
	s0 =	sshll.u32 s29, $0x7  }
0x77: {  	v8 =	vand.u32 $0x3F, v8;
	s0 =	sand.u32 $0x3FFFFF80, s0  }
0x78: {  	v8 =	vbroadcast v8, $0x0;
	[tilespmem:s15], [sflag:$0x2] =	stream.indirect.gather [hbm4b:s4+s11], $0x40, s0, s11, $0xb8;
	[tilespmem:$0xE400] =	vst v63  }
0x79: {  	_ =	swait.ge [sflag:s16], $0x2000  }
0x7a: {  	v9 =	vor.u32 v0, v8;
	[sflag:s16] =	ssyncset.done $0x0  }
0x7b: {  	s20 =	simm.s32 $0x1;
	v10 =	vor.u32 v7, v8;
	[sflag:s16] =	ssyncadd.s32 $0xFFFFE000  }
0x7c: {  	v14 =	vmov s20;
	v11 =	vor.u32 v5, v8;
	_ =	swait.ge [sflag:s23], $0x2000  }
0x7d: {  	v14 =	vand.u32 $0x3F, v14;
	v12 =	vor.u32 v1, v8;
	[sflag:s23] =	ssyncset.done $0x0  }
0x7e: {  	v17 =	vbroadcast v14, $0x0;
	v13 =	vor.u32 v4, v8;
	[sflag:s23] =	ssyncadd.s32 $0xFFFFE000  }
0x7f: {  	v15 =	vor.u32 v6, v8;
	v16 =	vld.idx.msk [tilespmem:v9+s14+$0x0], $0xffff  }
0x80: {  	v14 =	vor.u32 v0, v17;
	v10 =	vld.idx.msk [tilespmem:v10+s14+$0x0], $0xffff  }
0x81: {  	v20 =	vor.u32 v5, v17;
	v11 =	vld.idx.msk [tilespmem:v11+s14+$0x0], $0xffff  }
0x82: {  	v22 =	vor.u32 v1, v17;
	v18 =	vld.idx.msk [tilespmem:v12+s14+$0x0], $0xffff  }
0x83: {  	v9 =	vor.u32 v2, v8;
	v8 =	vor.u32 v3, v8;
	v13 =	vld.idx.msk [tilespmem:v13+s14+$0x0], $0xffff  }
0x84: {  	v25 =	vld.idx.msk [tilespmem:v15+s14+$0x0], $0xffff  }
0x85: {  	v19 =	vor.u32 v7, v17;
	v12 =	vld.idx.msk [tilespmem:v14+s14+$0x0], $0xffff  }
0x86: {  	s31 =	sand.u32 $0x1F80, s26;
	s1 =	simm.s32 $0x2;
	v20 =	vld.idx.msk [tilespmem:v20+s14+$0x0], $0xffff  }
0x87: {  	v22 =	vld.idx.msk [tilespmem:v22+s14+$0x0], $0xffff;
	[tilespmem:s31+$0xA470] =	vst v10;
	v10 =	vmov s1  }
0x88: {  	v15 =	vor.u32 v4, v17;
	v21 =	vld.idx.msk [tilespmem:v8+s14+$0x0], $0xffff;
	[tilespmem:s31+$0xA450] =	vst v11;
	v10 =	vand.u32 $0x3F, v10  }
0x89: {  	v14 =	vor.u32 v6, v17;
	v9 =	vld.idx.msk [tilespmem:v9+s14+$0x0], $0xffff;
	[tilespmem:s31+$0xA410] =	vst v18;
	v23 =	vbroadcast v10, $0x0  }
0x8a: {  	v8 =	vor.u32 v2, v17;
	v11 =	vor.u32 v3, v17;
	v18 =	vld.idx.msk [tilespmem:v19+s14+$0x0], $0xffff;
	[tilespmem:s31+$0xA400] =	vst v16  }
0x8b: {  	[tilespmem:s31+$0xA440] =	vst v13;
	v13 =	vor.u32 v0, v23;
	v10 =	vor.u32 v1, v23;
	v16 =	vor.u32 v7, v23  }
0x8c: {  	s12 =	simm.s32 $0x10;
	s20 =	simm.s32 $0x80;
	s0 =	simm.s32 $0x80;
	[tilespmem:s31+$0xA460] =	vst v25;
	v19 =	vor.u32 v2, v23;
	v17 =	vor.u32 v3, v23;
	v24 =	vor.u32 v6, v23  }
.LBB2_7:
0x8d: {  	s12 =	sadd.s32 $0x8, s12;
	v25 =	vor.u32 v5, v23;
	v26 =	vld.idx.msk [tilespmem:v15+s14+$0x0], $0xffff;
	v15 =	vor.u32 v4, v23;
	s0 =	sadd.s32 $0x80, s0;
	[tilespmem:s31+$0xA430] =	vst v21  }
0x8e: {  	v28 =	vmov v12;
	p0 =	slt.u32 s12, $0x1F8;
	v27 =	vld.idx.msk [tilespmem:v14+s14+$0x0], $0xffff;
	[tilespmem:s31+$0xA420] =	vst v9;
	s31 =	sand.u32 $0x1F80, s20;
	v14 =	vmov v24;
	s20 =	smov.u32 s0  }
0x8f: {  	s1 =	sadd.s32 $0x1, s1;
	v9 =	vld.idx.msk [tilespmem:v8+s14+$0x0], $0xffff;
	[tilespmem:s31+$0xA470] =	vst v18;
	v8 =	vmov v19  }
0x90: {  	v12 =	vmov s1;
	v21 =	vld.idx.msk [tilespmem:v11+s14+$0x0], $0xffff;
	[tilespmem:s31+$0xA450] =	vst v20;
	v11 =	vmov v17  }
.Ltmp2:
0x91: {  	v17 =	vand.u32 $0x3F, v12;
	v12 =	vld.idx.msk [tilespmem:v13+s14+$0x0], $0xffff;
	[tilespmem:s31+$0xA410] =	vst v22;
	(pc) =	sbr.rel @p0 .LBB2_7-.Ltmp2, $4  }
0x92: {  	v23 =	vbroadcast v17, $0x0;
	v18 =	vld.idx.msk [tilespmem:v16+s14+$0x0], $0xffff;
	[tilespmem:s31+$0xA400] =	vst v28  }
0x93: {  	v20 =	vld.idx.msk [tilespmem:v25+s14+$0x0], $0xffff;
	[tilespmem:s31+$0xA440] =	vst v26  }
0x94: {  	v13 =	vor.u32 v0, v23;
	v16 =	vor.u32 v7, v23;
	v22 =	vld.idx.msk [tilespmem:v10+s14+$0x0], $0xffff;
	v10 =	vor.u32 v1, v23  }
0x95: {  	v19 =	vor.u32 v2, v23;
	v17 =	vor.u32 v3, v23;
	v24 =	vor.u32 v6, v23;
	[tilespmem:s31+$0xA460] =	vst v27  }
0x96: {  	_ =	sdelay $0x2  }
0x97: {  	[tilespmem:s31+$0xA430] =	vst v21  }
0x98: {  	v15 =	vld.idx.msk [tilespmem:v15+s14+$0x0], $0xffff;
	s1 =	sand.u32 $0x1F80, s20;
	[tilespmem:s31+$0xA420] =	vst v9  }
0x99: {  	v21 =	vor.u32 v5, v23;
	v9 =	vld.idx.msk [tilespmem:v14+s14+$0x0], $0xffff;
	[tilespmem:s1+$0xA470] =	vst v18  }
0x9a: {  	v11 =	vld.idx.msk [tilespmem:v11+s14+$0x0], $0xffff;
	[tilespmem:s1+$0xA400] =	vst v12  }
0x9b: {  	v14 =	vor.u32 v4, v23;
	v8 =	vld.idx.msk [tilespmem:v8+s14+$0x0], $0xffff;
	[tilespmem:s1+$0xA450] =	vst v20  }
0x9c: {  	v16 =	vld.idx.msk [tilespmem:v16+s14+$0x0], $0xffff;
	[tilespmem:s1+$0xA410] =	vst v22  }
0x9d: {  	v10 =	vld.idx.msk [tilespmem:v10+s14+$0x0], $0xffff;
	[tilespmem:s1+$0xA440] =	vst v15  }
0x9e: {  	v12 =	vld.idx.msk [tilespmem:v21+s14+$0x0], $0xffff;
	[tilespmem:s1+$0xA460] =	vst v9  }
0x9f: {  	s0 =	sadd.s32 $0x80, s0;
	v9 =	vld.idx.msk [tilespmem:v13+s14+$0x0], $0xffff;
	[tilespmem:s1+$0xA430] =	vst v11  }
0xa0: {  	s0 =	sand.u32 $0x1F80, s0;
	v11 =	vld.idx.msk [tilespmem:v14+s14+$0x0], $0xffff;
	[tilespmem:s1+$0xA420] =	vst v8  }
0xa1: {  	v8 =	vld.idx.msk [tilespmem:v24+s14+$0x0], $0xffff;
	[tilespmem:s0+$0xA470] =	vst v16  }
0xa2: {  	v13 =	vld.idx.msk [tilespmem:v17+s14+$0x0], $0xffff;
	[tilespmem:s0+$0xA410] =	vst v10  }
0xa3: {  	[tilespmem:s0+$0xA450] =	vst v12;
	v12 =	vld.idx.msk [tilespmem:v19+s14+$0x0], $0xffff  }
0xa4: {  	[tilespmem:s0+$0xA400] =	vst v9  }
0xa5: {  	s31 =	sshll.u32 s28, $0x13;
	[tilespmem:s0+$0xA440] =	vst v11  }
0xa6: {  	s1 =	sadd.s32 s9, s31;
	[tilespmem:s0+$0xA460] =	vst v8  }
0xa7: {  	s12 =	smin.u32 s30, $0xC3;
	s1 =	sshrl.u32 s1, $0x3;
	[tilespmem:s0+$0xA430] =	vst v13  }
0xa8: {  	s20 =	simm.s32 $0x0;
	s1 =	sadd.s32 s2, s1;
	[tilespmem:s0+$0xA420] =	vst v12;
	s0 =	sshll.u32 s12, $0x7  }
0xa9: {  	v8 =	vmov s20;
	[hbm4b:s1+s17] =	stream.strided.scatter [tilespmem:s19], [sflag:$0x3], $0x2000, s18, s17, $0x38;
	[tilespmem:$0xE400] =	vst v63  }
0xaa: {  	v8 =	vand.u32 $0x3F, v8;
	s0 =	sadd.s32 $0x200, s0  }
0xab: {  	v8 =	vbroadcast v8, $0x0;
	[tilespmem:s14], [sflag:$0x1] =	stream.indirect.gather [hbm4b:s4+s11], $0x40, s0, s11, $0xb8;
	[tilespmem:$0xE400] =	vst v63  }
0xac: {  	_ =	swait.ge [sflag:s21], $0x2000  }
0xad: {  	v9 =	vor.u32 v0, v8;
	[sflag:s21] =	ssyncset.done $0x0  }
0xae: {  	s31 =	simm.s32 $0x1;
	v10 =	vor.u32 v7, v8;
	[sflag:s21] =	ssyncadd.s32 $0xFFFFE000  }
0xaf: {  	v14 =	vmov s31;
	v11 =	vor.u32 v5, v8;
	_ =	swait.ge [sflag:s24], $0x2000  }
0xb0: {  	v14 =	vand.u32 $0x3F, v14;
	v12 =	vor.u32 v1, v8;
	[sflag:s24] =	ssyncset.done $0x0  }
0xb1: {  	v17 =	vbroadcast v14, $0x0;
	v13 =	vor.u32 v4, v8;
	[sflag:s24] =	ssyncadd.s32 $0xFFFFE000  }
0xb2: {  	v15 =	vor.u32 v6, v8;
	v16 =	vld.idx.msk [tilespmem:v9+s15+$0x0], $0xffff  }
0xb3: {  	v14 =	vor.u32 v0, v17;
	v10 =	vld.idx.msk [tilespmem:v10+s15+$0x0], $0xffff  }
0xb4: {  	v20 =	vor.u32 v5, v17;
	v11 =	vld.idx.msk [tilespmem:v11+s15+$0x0], $0xffff  }
0xb5: {  	v22 =	vor.u32 v1, v17;
	v18 =	vld.idx.msk [tilespmem:v12+s15+$0x0], $0xffff  }
0xb6: {  	v9 =	vor.u32 v2, v8;
	v8 =	vor.u32 v3, v8;
	v13 =	vld.idx.msk [tilespmem:v13+s15+$0x0], $0xffff  }
0xb7: {  	v25 =	vld.idx.msk [tilespmem:v15+s15+$0x0], $0xffff  }
0xb8: {  	v19 =	vor.u32 v7, v17;
	v12 =	vld.idx.msk [tilespmem:v14+s15+$0x0], $0xffff  }
0xb9: {  	s30 =	sand.u32 $0x1F80, s20;
	s1 =	simm.s32 $0x2;
	v20 =	vld.idx.msk [tilespmem:v20+s15+$0x0], $0xffff  }
0xba: {  	v22 =	vld.idx.msk [tilespmem:v22+s15+$0x0], $0xffff;
	[tilespmem:s30+$0xC470] =	vst v10;
	v10 =	vmov s1  }
0xbb: {  	v15 =	vor.u32 v4, v17;
	v21 =	vld.idx.msk [tilespmem:v8+s15+$0x0], $0xffff;
	[tilespmem:s30+$0xC450] =	vst v11;
	v10 =	vand.u32 $0x3F, v10  }
0xbc: {  	v14 =	vor.u32 v6, v17;
	v9 =	vld.idx.msk [tilespmem:v9+s15+$0x0], $0xffff;
	[tilespmem:s30+$0xC410] =	vst v18;
	v23 =	vbroadcast v10, $0x0  }
0xbd: {  	v8 =	vor.u32 v2, v17;
	v11 =	vor.u32 v3, v17;
	v18 =	vld.idx.msk [tilespmem:v19+s15+$0x0], $0xffff;
	[tilespmem:s30+$0xC400] =	vst v16  }
0xbe: {  	[tilespmem:s30+$0xC440] =	vst v13;
	v13 =	vor.u32 v0, v23;
	v10 =	vor.u32 v1, v23;
	v16 =	vor.u32 v7, v23  }
0xbf: {  	s20 =	simm.s32 $0x80;
	s12 =	simm.s32 $0x10;
	s0 =	simm.s32 $0x80;
	[tilespmem:s30+$0xC460] =	vst v25;
	v19 =	vor.u32 v2, v23;
	v17 =	vor.u32 v3, v23;
	v24 =	vor.u32 v6, v23  }
.LBB2_9:
0xc0: {  	s12 =	sadd.s32 $0x8, s12;
	v25 =	vor.u32 v5, v23;
	v26 =	vld.idx.msk [tilespmem:v15+s15+$0x0], $0xffff;
	v15 =	vor.u32 v4, v23;
	s0 =	sadd.s32 $0x80, s0;
	[tilespmem:s30+$0xC430] =	vst v21  }
0xc1: {  	v28 =	vmov v12;
	p0 =	slt.u32 s12, $0x1F8;
	v27 =	vld.idx.msk [tilespmem:v14+s15+$0x0], $0xffff;
	[tilespmem:s30+$0xC420] =	vst v9;
	s30 =	sand.u32 $0x1F80, s20;
	v14 =	vmov v24;
	s20 =	smov.u32 s0  }
0xc2: {  	s1 =	sadd.s32 $0x1, s1;
	v9 =	vld.idx.msk [tilespmem:v8+s15+$0x0], $0xffff;
	[tilespmem:s30+$0xC470] =	vst v18;
	v8 =	vmov v19  }
0xc3: {  	v12 =	vmov s1;
	v21 =	vld.idx.msk [tilespmem:v11+s15+$0x0], $0xffff;
	[tilespmem:s30+$0xC450] =	vst v20;
	v11 =	vmov v17  }
.Ltmp3:
0xc4: {  	v17 =	vand.u32 $0x3F, v12;
	v12 =	vld.idx.msk [tilespmem:v13+s15+$0x0], $0xffff;
	[tilespmem:s30+$0xC410] =	vst v22;
	(pc) =	sbr.rel @p0 .LBB2_9-.Ltmp3, $4  }
0xc5: {  	v23 =	vbroadcast v17, $0x0;
	v18 =	vld.idx.msk [tilespmem:v16+s15+$0x0], $0xffff;
	[tilespmem:s30+$0xC400] =	vst v28  }
0xc6: {  	v20 =	vld.idx.msk [tilespmem:v25+s15+$0x0], $0xffff;
	[tilespmem:s30+$0xC440] =	vst v26  }
0xc7: {  	v13 =	vor.u32 v0, v23;
	v16 =	vor.u32 v7, v23;
	v22 =	vld.idx.msk [tilespmem:v10+s15+$0x0], $0xffff;
	v10 =	vor.u32 v1, v23  }
0xc8: {  	v19 =	vor.u32 v2, v23;
	v17 =	vor.u32 v3, v23;
	v24 =	vor.u32 v6, v23;
	[tilespmem:s30+$0xC460] =	vst v27  }
0xc9: {  	_ =	sdelay $0x2  }
0xca: {  	[tilespmem:s30+$0xC430] =	vst v21  }
0xcb: {  	v15 =	vld.idx.msk [tilespmem:v15+s15+$0x0], $0xffff;
	s1 =	sand.u32 $0x1F80, s20;
	[tilespmem:s30+$0xC420] =	vst v9  }
0xcc: {  	v57 =	vld.idx.msk [tilespmem:v14+s15+$0x0], $0xffff;
	[tilespmem:s1+$0xC470] =	vst v18  }
0xcd: {  	v11 =	vld.idx.msk [tilespmem:v11+s15+$0x0], $0xffff;
	[tilespmem:s1+$0xC400] =	vst v12  }
0xce: {  	v8 =	vld.idx.msk [tilespmem:v8+s15+$0x0], $0xffff;
	[tilespmem:s1+$0xC450] =	vst v20  }
0xcf: {  	v56 =	vor.u32 v5, v23;
	v16 =	vld.idx.msk [tilespmem:v16+s15+$0x0], $0xffff;
	[tilespmem:s1+$0xC410] =	vst v22  }
0xd0: {  	v58 =	vor.u32 v4, v23;
	v10 =	vld.idx.msk [tilespmem:v10+s15+$0x0], $0xffff;
	[tilespmem:s1+$0xC440] =	vst v15  }
0xd1: {  	v60 =	vld.idx.msk [tilespmem:v13+s15+$0x0], $0xffff;
	[tilespmem:s1+$0xC460] =	vst v57  }
0xd2: {  	s0 =	sadd.s32 $0x80, s0;
	v62 =	vld.idx.msk [tilespmem:v17+s15+$0x0], $0xffff;
	[tilespmem:s1+$0xC430] =	vst v11  }
0xd3: {  	v63 =	vld.idx.msk [tilespmem:v19+s15+$0x0], $0xffff;
	s0 =	sand.u32 $0x1F80, s0;
	[tilespmem:s1+$0xC420] =	vst v8  }
0xd4: {  	v59 =	vld.idx.msk [tilespmem:v56+s15+$0x0], $0xffff;
	[tilespmem:s0+$0xC470] =	vst v16  }
0xd5: {  	v61 =	vld.idx.msk [tilespmem:v58+s15+$0x0], $0xffff;
	[tilespmem:s0+$0xC410] =	vst v10  }
0xd6: {  	s28 =	sadd.s32 $0x1, s28;
	v8 =	vld.idx.msk [tilespmem:v24+s15+$0x0], $0xffff;
	[tilespmem:s0+$0xC400] =	vst v60  }
0xd7: {  	p0 =	sne.s32 s28, $0x63;
	[tilespmem:s0+$0xC430] =	vst v62  }
.Ltmp4:
0xd8: {  	s30 =	sshll.u32 s29, $0x12;
	[tilespmem:s0+$0xC420] =	vst v63;
	(pc) =	sbr.rel @p0 .LBB2_6-.Ltmp4, $4  }
0xd9: {  	s1 =	sor.u32 s6, s30;
	[tilespmem:s0+$0xC450] =	vst v59  }
0xda: {  	s1 =	sshrl.u32 s1, $0x3;
	[tilespmem:s0+$0xC440] =	vst v61  }
0xdb: {  	s31 =	sadd.s32 s2, s1;
	[tilespmem:s0+$0xC460] =	vst v8  }
0xdc: {  	[hbm4b:s31+s17] =	stream.strided.scatter [tilespmem:s22], [sflag:$0x4], $0x2000, s18, s17, $0x38;
	[tilespmem:$0xE400] =	vst v63  }
0xdd: {  	_ =	swait.ge [sflag:s16], $0x2000  }
0xde: {  	[sflag:s16] =	ssyncset.done $0x0  }
0xdf: {  	s25 =	sadd.s32 $0x1, s25;
	[sflag:s16] =	ssyncadd.s32 $0xFFFFE000  }
0xe0: {  	p0 =	sne.s32 s25, s10;
	_ =	swait.ge [sflag:s23], $0x2000  }
.Ltmp5:
0xe1: {  	[sflag:s23] =	ssyncset.done $0x0;
	(pc) =	sbr.rel @p0 .LBB2_1-.Ltmp5, $4  }
0xe2: {  	[sflag:s23] =	ssyncadd.s32 $0xFFFFE000  }
0xe3: {  	_ =	swait.ge [sflag:s24], $0x2000  }
0xe4: {  	[sflag:s24] =	ssyncset.done $0x0  }
0xe5: {  	[sflag:s24] =	ssyncadd.s32 $0xFFFFE000  }
0xe6: {  	_ =	sfence.sel $0x180000  }
0xe7: {  	[bflag:$0x0] =	sbarrier.arrive $0xFFFF  }
0xe8: {  	_ =	strace $0x9000004A  }
0xe9: {  	s0 =	stileid.u32;
	[bflag:$0x2] =	sbarrier.arrive $0xFFFF  }
0xea: {  	p0 =	sne.s32 s0, $0x0;
	s0 =	rddreg [dreg:$0x2]  }
0xeb: {  	s0 =	sadd.s32 @!p0 $0x100000, s0  }
0xec: {  	[sflag:s0] =	ssyncadd.tile.s32 @!p0 $0x1;
	_ =	shalt  }
.Lfunc_end2:
_tile_overlayer_lowered:
.L_overlay_start_2:
0xed: {  	(tag) =	ssettag $0x2  }
0xee: {  	s0 =	rddreg [dreg:$0x0];
	s2 =	stileid.u32  }
0xef: {  	s1 =	rddreg [dreg:$0x1];
	p0 =	sne.s32 s2, $0x0  }
0xf0: {  	s3 =	rddreg [dreg:$0x2];
	[bflag:$0x3] =	sbarrier.arrive $0xFFFF;
	s2 =	simm.s32 @!p0 $0x1C05  }
0xf1: {  	[timem:s3], [sflag:s2] =	dma.local @!p0 [hbm:s0], s1  }
0xf2: {  	s0 =	simm.s32 @!p0 $0x5  }
0xf3: {  	_ =	swait.ge @!p0 [sflag:s0], s1  }
0xf4: {  	s1 =	ssub.s32 @!p0 $0x0, s1;
	[sflag:s0] =	ssyncset.done @!p0 $0x0  }
0xf5: {  	[sflag:s0] =	ssyncadd.s32 @!p0 s1  }
0xf6: {  	[bflag:$0x3] =	sbarrier.arrive $0xFFFF  }
0xf7: {  	_ =	shalt  }

</sc_bundles>
